<compile_context>
chip_gen: v7x
topology: tpu7x:2x2x1
jax: 0.10.2.dev20260603
libtpu: 0.0.44.dev20260713+nightly
codegen_flags: <defaults>
</compile_context>

<pallas_src>
import jax
import jax.numpy as jnp
from jax import lax
from jax.experimental import pallas as pl
from jax.experimental.pallas import tpu as pltpu, tpu_sc as plsc

NC, NS, L = 2, 16, 16
NW = NC * NS
DIM = 1024
NSPANS = 16 * 512
PER_W = NSPANS // NW
CH = 16
NCHUNK = PER_W // CH
ODIM = 2 * DIM + 3


NSLOT = 3
GAHEAD = 2


def _sc_body(emb, cidx, out,
             cidx_v, b0, b1, b2,
             gs0, gs1, gs2, ws0, ws1, ws2):
    wid = lax.axis_index("s") * NC + lax.axis_index("c")
    base = wid * PER_W

    pltpu.sync_copy(cidx.at[pl.ds(2 * base, 2 * PER_W)], cidx_v)

    buf = [b0, b1, b2]
    sem_g = [gs0, gs1, gs2]
    sem_w = [ws0, ws1, ws2]

    def issue_gather(g):
        slot = g % NSLOT
        return pltpu.async_copy(emb.at[cidx_v.at[pl.ds(g * 2 * CH, 2 * CH)]],
                                buf[slot], sem_g[slot])

    gd = [None] * NCHUNK
    wd = [None] * NCHUNK
    for g in range(NCHUNK + GAHEAD):
        if g < NCHUNK:
            if g >= NSLOT:
                for d in wd[g - NSLOT]:
                    d.wait()
            gd[g] = issue_gather(g)
        h = g - GAHEAD
        if h >= 0:
            gd[h].wait()
            slot = h % NSLOT
            gbase = base + h * CH
            w1 = pltpu.async_copy(
                buf[slot].at[pl.ds(0, CH)],
                out.at[pl.ds(gbase, CH), pl.ds(0, DIM)], sem_w[slot])
            w2 = pltpu.async_copy(
                buf[slot].at[pl.ds(CH, CH)],
                out.at[pl.ds(gbase, CH), pl.ds(DIM, DIM)], sem_w[slot])
            wd[h] = (w1, w2)
    for h in range(NCHUNK - NSLOT, NCHUNK):
        for d in wd[h]:
            d.wait()


def _make_sc_call():
    mesh = plsc.VectorSubcoreMesh(core_axis_name="c", subcore_axis_name="s",
                                  num_cores=NC, num_subcores=NS)
    return pl.kernel(
        _sc_body,
        out_type=jax.ShapeDtypeStruct((NSPANS, ODIM), jnp.float32),
        mesh=mesh,
        scratch_types=[
            pltpu.VMEM((2 * PER_W,), jnp.int32),
            pltpu.VMEM((2 * CH, DIM), jnp.float32),
            pltpu.VMEM((2 * CH, DIM), jnp.float32),
            pltpu.VMEM((2 * CH, DIM), jnp.float32),
            pltpu.SemaphoreType.DMA,
            pltpu.SemaphoreType.DMA,
            pltpu.SemaphoreType.DMA,
            pltpu.SemaphoreType.DMA,
            pltpu.SemaphoreType.DMA,
            pltpu.SemaphoreType.DMA,
        ],
        compiler_params=pltpu.CompilerParams(use_tc_tiling_on_sc=True),
        name="end_point_aggregator_sc",
    )


def _dist_body(s_ref, e_ref, wb_ref, se_ref, out_ref):
    del se_ref
    d = (e_ref[...] - s_ref[...]).astype(jnp.float32)
    col = lax.broadcasted_iota(jnp.int32, (1, 128), 1)
    w = jnp.where(col == 0, wb_ref[0, 0],
                  jnp.where(col == 1, wb_ref[0, 1], wb_ref[0, 2]))
    bb = jnp.where(col == 0, wb_ref[0, 3],
                   jnp.where(col == 1, wb_ref[0, 4], wb_ref[0, 5]))
    x = d.astype(jnp.bfloat16) * w.astype(jnp.bfloat16) + bb.astype(jnp.bfloat16)
    out_ref[...] = jnp.tanh(x).astype(jnp.float32)


def _dist_call(sidx, eidx, wb, se):
    return pl.pallas_call(
        _dist_body,
        out_shape=jax.ShapeDtypeStruct((NSPANS, ODIM), jnp.float32),
        grid=(1,),
        in_specs=[
            pl.BlockSpec((NSPANS, 1), lambda i: (0, 0)),
            pl.BlockSpec((NSPANS, 1), lambda i: (0, 0)),
            pl.BlockSpec(memory_space=pltpu.SMEM),
            pl.BlockSpec(memory_space=pl.ANY),
        ],
        out_specs=pl.BlockSpec((NSPANS, 128), lambda i: (0, 2 * DIM // 128)),
        input_output_aliases={3: 0},
        name="end_point_aggregator_dist",
    )(sidx, eidx, wb, se)


def kernel(embeddings, spans, W, b):
    B, S, D = embeddings.shape
    n = spans.shape[1]
    spans_i = spans.astype(jnp.int32)
    offs = (jnp.arange(B, dtype=jnp.int32) * S)[:, None]
    sidx = (spans_i[..., 0] + offs).reshape(-1)
    eidx = (spans_i[..., 1] + offs).reshape(-1)
    cidx = jnp.concatenate(
        [sidx.reshape(-1, 1, CH), eidx.reshape(-1, 1, CH)], axis=1
    ).reshape(-1)
    emb = embeddings.reshape(B * S, D)
    wb = jnp.concatenate([W[:, 0], b]).reshape(1, 6)
    se = _make_sc_call()(emb, cidx)
    out = _dist_call(sidx[:, None], eidx[:, None], wb, se)
    return out.reshape(B, n, ODIM)

# --- scband reference (transcript-rebuilt; emitter-appended) ---
"""Pipeline reference for scband-end-point-aggregator-80590766342178 (READ-ONLY COPY).

The authoritative reference and input builder live on the scoring server;
editing this copy changes nothing except your own understanding.
"""

import jax, jax.numpy as jnp
import numpy as np


def setup_inputs(seed: int = 0) -> dict:
    key = jax.random.key(seed)
    k1, k2, k3, k4 = jax.random.split(key, 4)
    embeddings = jax.random.normal(k1, (16, 2048, 1024), dtype=jnp.float32)
    spans = jax.random.randint(k2, (16, 512, 2), 0, 2048).astype(jnp.int64)
    # distance_embedding = torch.nn.Linear(1, 3): weight [3, 1], bias [3]
    W = jax.random.normal(k3, (3, 1), dtype=jnp.float32)
    b = jax.random.normal(k4, (3,), dtype=jnp.float32) * 0.1
    return {"embeddings": embeddings, "spans": spans, "W": W, "b": b}


def reference(embeddings, spans, W, b):
    # embeddings: [B, S, d]; spans: [B, N, 2] int
    start = spans[..., 0]  # [B, N]
    end = spans[..., 1]    # [B, N]
    # distance = (span[1] - span[0]).float(); Linear(1,3); tanh
    dist = (end - start).astype(jnp.float32)[..., None]          # [B, N, 1]
    dist_emb = jnp.tanh(dist @ W.T + b)                          # [B, N, 3]
    # gather endpoint embeddings: sentence_embeddings[span[0]], sentence_embeddings[span[1]]
    start_emb = jnp.take_along_axis(embeddings, start[..., None], axis=1)  # [B, N, d]
    end_emb = jnp.take_along_axis(embeddings, end[..., None], axis=1)      # [B, N, d]
    # cat((start, end, distance)) then stack per sentence; pad_sequence is identity
    # since every sentence has the same number of spans
    out = jnp.concatenate([start_emb, end_emb, dist_emb], axis=-1)  # [B, N, 2d+3]
    return out

if __name__ == "__main__":
    import jax
    _d = setup_inputs()
    print(jax.jit(kernel)(*tuple(_d.values())))

</pallas_src>

<mosaic_0001>
#map = affine_map<(d0, d1) -> (0, 0)>
#map1 = affine_map<(d0, d1) -> (0)>
module attributes {stable_mosaic.version = 14 : i64} {
  func.func @end_point_aggregator_sc(%arg0: i32, %arg1: i32, %arg2: memref<32768x1024xf32, #tpu.memory_space<hbm>>, %arg3: memref<16384xi32, #tpu.memory_space<hbm>>, %arg4: memref<8192x2051xf32, #tpu.memory_space<hbm>>, %arg5: memref<512xi32, #tpu.memory_space<vmem>>, %arg6: memref<32x1024xf32, #tpu.memory_space<vmem>>, %arg7: memref<32x1024xf32, #tpu.memory_space<vmem>>, %arg8: memref<32x1024xf32, #tpu.memory_space<vmem>>, %arg9: memref<!tpu.dma_semaphore, #tpu.memory_space<semaphore_mem>>, %arg10: memref<!tpu.dma_semaphore, #tpu.memory_space<semaphore_mem>>, %arg11: memref<!tpu.dma_semaphore, #tpu.memory_space<semaphore_mem>>, %arg12: memref<!tpu.dma_semaphore, #tpu.memory_space<semaphore_mem>>, %arg13: memref<!tpu.dma_semaphore, #tpu.memory_space<semaphore_mem>>, %arg14: memref<!tpu.dma_semaphore, #tpu.memory_space<semaphore_mem>>) attributes {dimension_semantics = [#tpu.dimension_semantics<core_parallel>, #tpu.dimension_semantics<subcore_parallel>], iteration_bounds = array<i64: 2, 16>, scalar_prefetch = 0 : i64, scratch_operands = 10 : i64, tpu.core_type = #tpu.core_type<sc_vector_subcore>, window_params = [{transform_indices = #map}, {transform_indices = #map1}, {transform_indices = #map}]} {
    %mul3A = arith.constant 2 : i32
    %mul3A_0 = arith.muli %arg1, %mul3A : i32
    %add3A = arith.addi %mul3A_0, %arg0 : i32
    %mul3A_1 = arith.constant 256 : i32
    %mul3A_2 = arith.muli %add3A, %mul3A_1 : i32
    %mul3A_3 = arith.constant 2 : i32
    %mul3A_4 = arith.muli %mul3A_3, %mul3A_2 : i32
    "tpu.region"() ({
      %run_scoped3A = tpu.sem_alloc : memref<!tpu.dma_semaphore, #tpu.memory_space<semaphore_mem>>
      %dma_start3A_835 = tpu.memref_slice %arg3[%mul3A_4] : memref<16384xi32, #tpu.memory_space<hbm>> -> memref<512xi32, #tpu.memory_space<hbm>>
      %dma_start3A_836 = tpu.memref_slice %arg3[%mul3A_4] : memref<16384xi32, #tpu.memory_space<hbm>> -> memref<512xi32, #tpu.memory_space<hbm>>
      tpu.enqueue_dma source(%dma_start3A_836 : memref<512xi32, #tpu.memory_space<hbm>>) target(%arg5 : memref<512xi32, #tpu.memory_space<vmem>>) target_semaphore(%run_scoped3A : memref<!tpu.dma_semaphore, #tpu.memory_space<semaphore_mem>>)
      %dma_wait3A_837 = tpu.memref_slice %arg3[%mul3A_4] : memref<16384xi32, #tpu.memory_space<hbm>> -> memref<512xi32, #tpu.memory_space<hbm>>
      %dma_wait3A_838 = tpu.memref_slice %arg3[%mul3A_4] : memref<16384xi32, #tpu.memory_space<hbm>> -> memref<512xi32, #tpu.memory_space<hbm>>
      tpu.wait_dma2 semaphore(%run_scoped3A : memref<!tpu.dma_semaphore, #tpu.memory_space<semaphore_mem>>) src(%dma_wait3A_838 : memref<512xi32, #tpu.memory_space<hbm>>) dst(%arg5 : memref<512xi32, #tpu.memory_space<vmem>>)
      tpu.yield
    }) : () -> ()
    %dma_start3A = arith.constant 0 : i32
    %dma_start3A_5 = tpu.memref_slice %arg5[%dma_start3A] : memref<512xi32, #tpu.memory_space<vmem>> -> memref<32xi32, #tpu.memory_space<vmem>>
    %dma_start3A_6 = arith.constant 0 : i32
    %dma_start3A_7 = arith.constant 0 : i32
    %dma_start3A_8 = tpu.memref_slice %arg2[%dma_start3A_6, %dma_start3A_7] : memref<32768x1024xf32, #tpu.memory_space<hbm>> -> memref<32768x1024xf32, #tpu.memory_space<hbm>>
    tpu.enqueue_indirect_dma source(%dma_start3A_8 : memref<32768x1024xf32, #tpu.memory_space<hbm>>) target(%arg6 : memref<32x1024xf32, #tpu.memory_space<vmem>>) offsets(%dma_start3A_5 : memref<32xi32, #tpu.memory_space<vmem>>) semaphore(%arg9 : memref<!tpu.dma_semaphore, #tpu.memory_space<semaphore_mem>>)
    %dma_start3A_9 = arith.constant 32 : i32
    %dma_start3A_10 = tpu.memref_slice %arg5[%dma_start3A_9] : memref<512xi32, #tpu.memory_space<vmem>> -> memref<32xi32, #tpu.memory_space<vmem>>
    %dma_start3A_11 = arith.constant 0 : i32
    %dma_start3A_12 = arith.constant 0 : i32
    %dma_start3A_13 = tpu.memref_slice %arg2[%dma_start3A_11, %dma_start3A_12] : memref<32768x1024xf32, #tpu.memory_space<hbm>> -> memref<32768x1024xf32, #tpu.memory_space<hbm>>
    tpu.enqueue_indirect_dma source(%dma_start3A_13 : memref<32768x1024xf32, #tpu.memory_space<hbm>>) target(%arg7 : memref<32x1024xf32, #tpu.memory_space<vmem>>) offsets(%dma_start3A_10 : memref<32xi32, #tpu.memory_space<vmem>>) semaphore(%arg10 : memref<!tpu.dma_semaphore, #tpu.memory_space<semaphore_mem>>)
    %dma_start3A_14 = arith.constant 64 : i32
    %dma_start3A_15 = tpu.memref_slice %arg5[%dma_start3A_14] : memref<512xi32, #tpu.memory_space<vmem>> -> memref<32xi32, #tpu.memory_space<vmem>>
    %dma_start3A_16 = arith.constant 0 : i32
    %dma_start3A_17 = arith.constant 0 : i32
    %dma_start3A_18 = tpu.memref_slice %arg2[%dma_start3A_16, %dma_start3A_17] : memref<32768x1024xf32, #tpu.memory_space<hbm>> -> memref<32768x1024xf32, #tpu.memory_space<hbm>>
    tpu.enqueue_indirect_dma source(%dma_start3A_18 : memref<32768x1024xf32, #tpu.memory_space<hbm>>) target(%arg8 : memref<32x1024xf32, #tpu.memory_space<vmem>>) offsets(%dma_start3A_15 : memref<32xi32, #tpu.memory_space<vmem>>) semaphore(%arg11 : memref<!tpu.dma_semaphore, #tpu.memory_space<semaphore_mem>>)
    %dma_wait3A = arith.constant 0 : i32
    %dma_wait3A_19 = tpu.memref_slice %arg5[%dma_wait3A] : memref<512xi32, #tpu.memory_space<vmem>> -> memref<32xi32, #tpu.memory_space<vmem>>
    %dma_wait3A_20 = arith.constant 0 : i32
    %dma_wait3A_21 = arith.constant 0 : i32
    %dma_wait3A_22 = tpu.memref_slice %arg2[%dma_wait3A_20, %dma_wait3A_21] : memref<32768x1024xf32, #tpu.memory_space<hbm>> -> memref<32768x1024xf32, #tpu.memory_space<hbm>>
    tpu.wait_indirect_dma semaphore(%arg9 : memref<!tpu.dma_semaphore, #tpu.memory_space<semaphore_mem>>) src(%dma_wait3A_22 : memref<32768x1024xf32, #tpu.memory_space<hbm>>) dst(%arg6 : memref<32x1024xf32, #tpu.memory_space<vmem>>)
    %add3A_23 = arith.constant 0 : i32
    %add3A_24 = arith.addi %mul3A_2, %add3A_23 : i32
    %dma_start3A_25 = arith.constant 0 : i32
    %dma_start3A_26 = arith.constant 0 : i32
    %dma_start3A_27 = tpu.memref_slice %arg6[%dma_start3A_25, %dma_start3A_26] : memref<32x1024xf32, #tpu.memory_space<vmem>> -> memref<16x1024xf32, #tpu.memory_space<vmem>>
    %dma_start3A_28 = arith.constant 0 : i32
    %dma_start3A_29 = tpu.memref_slice %arg4[%add3A_24, %dma_start3A_28] : memref<8192x2051xf32, #tpu.memory_space<hbm>> -> memref<16x1024xf32, #tpu.memory_space<hbm>>
    %dma_start3A_30 = arith.constant 0 : i32
    %dma_start3A_31 = tpu.memref_slice %arg4[%add3A_24, %dma_start3A_30] : memref<8192x2051xf32, #tpu.memory_space<hbm>> -> memref<16x1024xf32, #tpu.memory_space<hbm>>
    %dma_start3A_32 = arith.constant 0 : i32
    %dma_start3A_33 = arith.constant 0 : i32
    %dma_start3A_34 = tpu.memref_slice %arg6[%dma_start3A_32, %dma_start3A_33] : memref<32x1024xf32, #tpu.memory_space<vmem>> -> memref<16x1024xf32, #tpu.memory_space<vmem>>
    tpu.enqueue_dma source(%dma_start3A_34 : memref<16x1024xf32, #tpu.memory_space<vmem>>) target(%dma_start3A_31 : memref<16x1024xf32, #tpu.memory_space<hbm>>) target_semaphore(%arg12 : memref<!tpu.dma_semaphore, #tpu.memory_space<semaphore_mem>>)
    %dma_start3A_35 = arith.constant 16 : i32
    %dma_start3A_36 = arith.constant 0 : i32
    %dma_start3A_37 = tpu.memref_slice %arg6[%dma_start3A_35, %dma_start3A_36] : memref<32x1024xf32, #tpu.memory_space<vmem>> -> memref<16x1024xf32, #tpu.memory_space<vmem>>
    %dma_start3A_38 = arith.constant 1024 : i32
    %dma_start3A_39 = tpu.memref_slice %arg4[%add3A_24, %dma_start3A_38] : memref<8192x2051xf32, #tpu.memory_space<hbm>> -> memref<16x1024xf32, #tpu.memory_space<hbm>>
    %dma_start3A_40 = arith.constant 1024 : i32
    %dma_start3A_41 = tpu.memref_slice %arg4[%add3A_24, %dma_start3A_40] : memref<8192x2051xf32, #tpu.memory_space<hbm>> -> memref<16x1024xf32, #tpu.memory_space<hbm>>
    %dma_start3A_42 = arith.constant 16 : i32
    %dma_start3A_43 = arith.constant 0 : i32
    %dma_start3A_44 = tpu.memref_slice %arg6[%dma_start3A_42, %dma_start3A_43] : memref<32x1024xf32, #tpu.memory_space<vmem>> -> memref<16x1024xf32, #tpu.memory_space<vmem>>
    tpu.enqueue_dma source(%dma_start3A_44 : memref<16x1024xf32, #tpu.memory_space<vmem>>) target(%dma_start3A_41 : memref<16x1024xf32, #tpu.memory_space<hbm>>) target_semaphore(%arg12 : memref<!tpu.dma_semaphore, #tpu.memory_space<semaphore_mem>>)
    %dma_wait3A_45 = arith.constant 0 : i32
    %dma_wait3A_46 = arith.constant 0 : i32
    %dma_wait3A_47 = tpu.memref_slice %arg6[%dma_wait3A_45, %dma_wait3A_46] : memref<32x1024xf32, #tpu.memory_space<vmem>> -> memref<16x1024xf32, #tpu.memory_space<vmem>>
    %dma_wait3A_48 = arith.constant 0 : i32
    %dma_wait3A_49 = tpu.memref_slice %arg4[%add3A_24, %dma_wait3A_48] : memref<8192x2051xf32, #tpu.memory_space<hbm>> -> memref<16x1024xf32, #tpu.memory_space<hbm>>
    %dma_wait3A_50 = arith.constant 0 : i32
    %dma_wait3A_51 = tpu.memref_slice %arg4[%add3A_24, %dma_wait3A_50] : memref<8192x2051xf32, #tpu.memory_space<hbm>> -> memref<16x1024xf32, #tpu.memory_space<hbm>>
    %dma_wait3A_52 = arith.constant 0 : i32
    %dma_wait3A_53 = arith.constant 0 : i32
    %dma_wait3A_54 = tpu.memref_slice %arg6[%dma_wait3A_52, %dma_wait3A_53] : memref<32x1024xf32, #tpu.memory_space<vmem>> -> memref<16x1024xf32, #tpu.memory_space<vmem>>
    tpu.wait_dma2 semaphore(%arg12 : memref<!tpu.dma_semaphore, #tpu.memory_space<semaphore_mem>>) src(%dma_wait3A_54 : memref<16x1024xf32, #tpu.memory_space<vmem>>) dst(%dma_wait3A_51 : memref<16x1024xf32, #tpu.memory_space<hbm>>)
    %dma_wait3A_55 = arith.constant 16 : i32
    %dma_wait3A_56 = arith.constant 0 : i32
    %dma_wait3A_57 = tpu.memref_slice %arg6[%dma_wait3A_55, %dma_wait3A_56] : memref<32x1024xf32, #tpu.memory_space<vmem>> -> memref<16x1024xf32, #tpu.memory_space<vmem>>
    %dma_wait3A_58 = arith.constant 1024 : i32
    %dma_wait3A_59 = tpu.memref_slice %arg4[%add3A_24, %dma_wait3A_58] : memref<8192x2051xf32, #tpu.memory_space<hbm>> -> memref<16x1024xf32, #tpu.memory_space<hbm>>
    %dma_wait3A_60 = arith.constant 1024 : i32
    %dma_wait3A_61 = tpu.memref_slice %arg4[%add3A_24, %dma_wait3A_60] : memref<8192x2051xf32, #tpu.memory_space<hbm>> -> memref<16x1024xf32, #tpu.memory_space<hbm>>
    %dma_wait3A_62 = arith.constant 16 : i32
    %dma_wait3A_63 = arith.constant 0 : i32
    %dma_wait3A_64 = tpu.memref_slice %arg6[%dma_wait3A_62, %dma_wait3A_63] : memref<32x1024xf32, #tpu.memory_space<vmem>> -> memref<16x1024xf32, #tpu.memory_space<vmem>>
    tpu.wait_dma2 semaphore(%arg12 : memref<!tpu.dma_semaphore, #tpu.memory_space<semaphore_mem>>) src(%dma_wait3A_64 : memref<16x1024xf32, #tpu.memory_space<vmem>>) dst(%dma_wait3A_61 : memref<16x1024xf32, #tpu.memory_space<hbm>>)
    %dma_start3A_65 = arith.constant 96 : i32
    %dma_start3A_66 = tpu.memref_slice %arg5[%dma_start3A_65] : memref<512xi32, #tpu.memory_space<vmem>> -> memref<32xi32, #tpu.memory_space<vmem>>
    %dma_start3A_67 = arith.constant 0 : i32
    %dma_start3A_68 = arith.constant 0 : i32
    %dma_start3A_69 = tpu.memref_slice %arg2[%dma_start3A_67, %dma_start3A_68] : memref<32768x1024xf32, #tpu.memory_space<hbm>> -> memref<32768x1024xf32, #tpu.memory_space<hbm>>
    tpu.enqueue_indirect_dma source(%dma_start3A_69 : memref<32768x1024xf32, #tpu.memory_space<hbm>>) target(%arg6 : memref<32x1024xf32, #tpu.memory_space<vmem>>) offsets(%dma_start3A_66 : memref<32xi32, #tpu.memory_space<vmem>>) semaphore(%arg9 : memref<!tpu.dma_semaphore, #tpu.memory_space<semaphore_mem>>)
    %dma_wait3A_70 = arith.constant 32 : i32
    %dma_wait3A_71 = tpu.memref_slice %arg5[%dma_wait3A_70] : memref<512xi32, #tpu.memory_space<vmem>> -> memref<32xi32, #tpu.memory_space<vmem>>
    %dma_wait3A_72 = arith.constant 0 : i32
    %dma_wait3A_73 = arith.constant 0 : i32
    %dma_wait3A_74 = tpu.memref_slice %arg2[%dma_wait3A_72, %dma_wait3A_73] : memref<32768x1024xf32, #tpu.memory_space<hbm>> -> memref<32768x1024xf32, #tpu.memory_space<hbm>>
    tpu.wait_indirect_dma semaphore(%arg10 : memref<!tpu.dma_semaphore, #tpu.memory_space<semaphore_mem>>) src(%dma_wait3A_74 : memref<32768x1024xf32, #tpu.memory_space<hbm>>) dst(%arg7 : memref<32x1024xf32, #tpu.memory_space<vmem>>)
    %add3A_75 = arith.constant 16 : i32
    %add3A_76 = arith.addi %mul3A_2, %add3A_75 : i32
    %dma_start3A_77 = arith.constant 0 : i32
    %dma_start3A_78 = arith.constant 0 : i32
    %dma_start3A_79 = tpu.memref_slice %arg7[%dma_start3A_77, %dma_start3A_78] : memref<32x1024xf32, #tpu.memory_space<vmem>> -> memref<16x1024xf32, #tpu.memory_space<vmem>>
    %dma_start3A_80 = arith.constant 0 : i32
    %dma_start3A_81 = tpu.memref_slice %arg4[%add3A_76, %dma_start3A_80] : memref<8192x2051xf32, #tpu.memory_space<hbm>> -> memref<16x1024xf32, #tpu.memory_space<hbm>>
    %dma_start3A_82 = arith.constant 0 : i32
    %dma_start3A_83 = tpu.memref_slice %arg4[%add3A_76, %dma_start3A_82] : memref<8192x2051xf32, #tpu.memory_space<hbm>> -> memref<16x1024xf32, #tpu.memory_space<hbm>>
    %dma_start3A_84 = arith.constant 0 : i32
    %dma_start3A_85 = arith.constant 0 : i32
    %dma_start3A_86 = tpu.memref_slice %arg7[%dma_start3A_84, %dma_start3A_85] : memref<32x1024xf32, #tpu.memory_space<vmem>> -> memref<16x1024xf32, #tpu.memory_space<vmem>>
    tpu.enqueue_dma source(%dma_start3A_86 : memref<16x1024xf32, #tpu.memory_space<vmem>>) target(%dma_start3A_83 : memref<16x1024xf32, #tpu.memory_space<hbm>>) target_semaphore(%arg13 : memref<!tpu.dma_semaphore, #tpu.memory_space<semaphore_mem>>)
    %dma_start3A_87 = arith.constant 16 : i32
    %dma_start3A_88 = arith.constant 0 : i32
    %dma_start3A_89 = tpu.memref_slice %arg7[%dma_start3A_87, %dma_start3A_88] : memref<32x1024xf32, #tpu.memory_space<vmem>> -> memref<16x1024xf32, #tpu.memory_space<vmem>>
    %dma_start3A_90 = arith.constant 1024 : i32
    %dma_start3A_91 = tpu.memref_slice %arg4[%add3A_76, %dma_start3A_90] : memref<8192x2051xf32, #tpu.memory_space<hbm>> -> memref<16x1024xf32, #tpu.memory_space<hbm>>
    %dma_start3A_92 = arith.constant 1024 : i32
    %dma_start3A_93 = tpu.memref_slice %arg4[%add3A_76, %dma_start3A_92] : memref<8192x2051xf32, #tpu.memory_space<hbm>> -> memref<16x1024xf32, #tpu.memory_space<hbm>>
    %dma_start3A_94 = arith.constant 16 : i32
    %dma_start3A_95 = arith.constant 0 : i32
    %dma_start3A_96 = tpu.memref_slice %arg7[%dma_start3A_94, %dma_start3A_95] : memref<32x1024xf32, #tpu.memory_space<vmem>> -> memref<16x1024xf32, #tpu.memory_space<vmem>>
    tpu.enqueue_dma source(%dma_start3A_96 : memref<16x1024xf32, #tpu.memory_space<vmem>>) target(%dma_start3A_93 : memref<16x1024xf32, #tpu.memory_space<hbm>>) target_semaphore(%arg13 : memref<!tpu.dma_semaphore, #tpu.memory_space<semaphore_mem>>)
    %dma_wait3A_97 = arith.constant 0 : i32
    %dma_wait3A_98 = arith.constant 0 : i32
    %dma_wait3A_99 = tpu.memref_slice %arg7[%dma_wait3A_97, %dma_wait3A_98] : memref<32x1024xf32, #tpu.memory_space<vmem>> -> memref<16x1024xf32, #tpu.memory_space<vmem>>
    %dma_wait3A_100 = arith.constant 0 : i32
    %dma_wait3A_101 = tpu.memref_slice %arg4[%add3A_76, %dma_wait3A_100] : memref<8192x2051xf32, #tpu.memory_space<hbm>> -> memref<16x1024xf32, #tpu.memory_space<hbm>>
    %dma_wait3A_102 = arith.constant 0 : i32
    %dma_wait3A_103 = tpu.memref_slice %arg4[%add3A_76, %dma_wait3A_102] : memref<8192x2051xf32, #tpu.memory_space<hbm>> -> memref<16x1024xf32, #tpu.memory_space<hbm>>
    %dma_wait3A_104 = arith.constant 0 : i32
    %dma_wait3A_105 = arith.constant 0 : i32
    %dma_wait3A_106 = tpu.memref_slice %arg7[%dma_wait3A_104, %dma_wait3A_105] : memref<32x1024xf32, #tpu.memory_space<vmem>> -> memref<16x1024xf32, #tpu.memory_space<vmem>>
    tpu.wait_dma2 semaphore(%arg13 : memref<!tpu.dma_semaphore, #tpu.memory_space<semaphore_mem>>) src(%dma_wait3A_106 : memref<16x1024xf32, #tpu.memory_space<vmem>>) dst(%dma_wait3A_103 : memref<16x1024xf32, #tpu.memory_space<hbm>>)
    %dma_wait3A_107 = arith.constant 16 : i32
    %dma_wait3A_108 = arith.constant 0 : i32
    %dma_wait3A_109 = tpu.memref_slice %arg7[%dma_wait3A_107, %dma_wait3A_108] : memref<32x1024xf32, #tpu.memory_space<vmem>> -> memref<16x1024xf32, #tpu.memory_space<vmem>>
    %dma_wait3A_110 = arith.constant 1024 : i32
    %dma_wait3A_111 = tpu.memref_slice %arg4[%add3A_76, %dma_wait3A_110] : memref<8192x2051xf32, #tpu.memory_space<hbm>> -> memref<16x1024xf32, #tpu.memory_space<hbm>>
    %dma_wait3A_112 = arith.constant 1024 : i32
    %dma_wait3A_113 = tpu.memref_slice %arg4[%add3A_76, %dma_wait3A_112] : memref<8192x2051xf32, #tpu.memory_space<hbm>> -> memref<16x1024xf32, #tpu.memory_space<hbm>>
    %dma_wait3A_114 = arith.constant 16 : i32
    %dma_wait3A_115 = arith.constant 0 : i32
    %dma_wait3A_116 = tpu.memref_slice %arg7[%dma_wait3A_114, %dma_wait3A_115] : memref<32x1024xf32, #tpu.memory_space<vmem>> -> memref<16x1024xf32, #tpu.memory_space<vmem>>
    tpu.wait_dma2 semaphore(%arg13 : memref<!tpu.dma_semaphore, #tpu.memory_space<semaphore_mem>>) src(%dma_wait3A_116 : memref<16x1024xf32, #tpu.memory_space<vmem>>) dst(%dma_wait3A_113 : memref<16x1024xf32, #tpu.memory_space<hbm>>)
    %dma_start3A_117 = arith.constant 128 : i32
    %dma_start3A_118 = tpu.memref_slice %arg5[%dma_start3A_117] : memref<512xi32, #tpu.memory_space<vmem>> -> memref<32xi32, #tpu.memory_space<vmem>>
    %dma_start3A_119 = arith.constant 0 : i32
    %dma_start3A_120 = arith.constant 0 : i32
    %dma_start3A_121 = tpu.memref_slice %arg2[%dma_start3A_119, %dma_start3A_120] : memref<32768x1024xf32, #tpu.memory_space<hbm>> -> memref<32768x1024xf32, #tpu.memory_space<hbm>>
    tpu.enqueue_indirect_dma source(%dma_start3A_121 : memref<32768x1024xf32, #tpu.memory_space<hbm>>) target(%arg7 : memref<32x1024xf32, #tpu.memory_space<vmem>>) offsets(%dma_start3A_118 : memref<32xi32, #tpu.memory_space<vmem>>) semaphore(%arg10 : memref<!tpu.dma_semaphore, #tpu.memory_space<semaphore_mem>>)
    %dma_wait3A_122 = arith.constant 64 : i32
    %dma_wait3A_123 = tpu.memref_slice %arg5[%dma_wait3A_122] : memref<512xi32, #tpu.memory_space<vmem>> -> memref<32xi32, #tpu.memory_space<vmem>>
    %dma_wait3A_124 = arith.constant 0 : i32
    %dma_wait3A_125 = arith.constant 0 : i32
    %dma_wait3A_126 = tpu.memref_slice %arg2[%dma_wait3A_124, %dma_wait3A_125] : memref<32768x1024xf32, #tpu.memory_space<hbm>> -> memref<32768x1024xf32, #tpu.memory_space<hbm>>
    tpu.wait_indirect_dma semaphore(%arg11 : memref<!tpu.dma_semaphore, #tpu.memory_space<semaphore_mem>>) src(%dma_wait3A_126 : memref<32768x1024xf32, #tpu.memory_space<hbm>>) dst(%arg8 : memref<32x1024xf32, #tpu.memory_space<vmem>>)
    %add3A_127 = arith.constant 32 : i32
    %add3A_128 = arith.addi %mul3A_2, %add3A_127 : i32
    %dma_start3A_129 = arith.constant 0 : i32
    %dma_start3A_130 = arith.constant 0 : i32
    %dma_start3A_131 = tpu.memref_slice %arg8[%dma_start3A_129, %dma_start3A_130] : memref<32x1024xf32, #tpu.memory_space<vmem>> -> memref<16x1024xf32, #tpu.memory_space<vmem>>
    %dma_start3A_132 = arith.constant 0 : i32
    %dma_start3A_133 = tpu.memref_slice %arg4[%add3A_128, %dma_start3A_132] : memref<8192x2051xf32, #tpu.memory_space<hbm>> -> memref<16x1024xf32, #tpu.memory_space<hbm>>
    %dma_start3A_134 = arith.constant 0 : i32
    %dma_start3A_135 = tpu.memref_slice %arg4[%add3A_128, %dma_start3A_134] : memref<8192x2051xf32, #tpu.memory_space<hbm>> -> memref<16x1024xf32, #tpu.memory_space<hbm>>
    %dma_start3A_136 = arith.constant 0 : i32
    %dma_start3A_137 = arith.constant 0 : i32
    %dma_start3A_138 = tpu.memref_slice %arg8[%dma_start3A_136, %dma_start3A_137] : memref<32x1024xf32, #tpu.memory_space<vmem>> -> memref<16x1024xf32, #tpu.memory_space<vmem>>
    tpu.enqueue_dma source(%dma_start3A_138 : memref<16x1024xf32, #tpu.memory_space<vmem>>) target(%dma_start3A_135 : memref<16x1024xf32, #tpu.memory_space<hbm>>) target_semaphore(%arg14 : memref<!tpu.dma_semaphore, #tpu.memory_space<semaphore_mem>>)
    %dma_start3A_139 = arith.constant 16 : i32
    %dma_start3A_140 = arith.constant 0 : i32
    %dma_start3A_141 = tpu.memref_slice %arg8[%dma_start3A_139, %dma_start3A_140] : memref<32x1024xf32, #tpu.memory_space<vmem>> -> memref<16x1024xf32, #tpu.memory_space<vmem>>
    %dma_start3A_142 = arith.constant 1024 : i32
    %dma_start3A_143 = tpu.memref_slice %arg4[%add3A_128, %dma_start3A_142] : memref<8192x2051xf32, #tpu.memory_space<hbm>> -> memref<16x1024xf32, #tpu.memory_space<hbm>>
    %dma_start3A_144 = arith.constant 1024 : i32
    %dma_start3A_145 = tpu.memref_slice %arg4[%add3A_128, %dma_start3A_144] : memref<8192x2051xf32, #tpu.memory_space<hbm>> -> memref<16x1024xf32, #tpu.memory_space<hbm>>
    %dma_start3A_146 = arith.constant 16 : i32
    %dma_start3A_147 = arith.constant 0 : i32
    %dma_start3A_148 = tpu.memref_slice %arg8[%dma_start3A_146, %dma_start3A_147] : memref<32x1024xf32, #tpu.memory_space<vmem>> -> memref<16x1024xf32, #tpu.memory_space<vmem>>
    tpu.enqueue_dma source(%dma_start3A_148 : memref<16x1024xf32, #tpu.memory_space<vmem>>) target(%dma_start3A_145 : memref<16x1024xf32, #tpu.memory_space<hbm>>) target_semaphore(%arg14 : memref<!tpu.dma_semaphore, #tpu.memory_space<semaphore_mem>>)
    %dma_wait3A_149 = arith.constant 0 : i32
    %dma_wait3A_150 = arith.constant 0 : i32
    %dma_wait3A_151 = tpu.memref_slice %arg8[%dma_wait3A_149, %dma_wait3A_150] : memref<32x1024xf32, #tpu.memory_space<vmem>> -> memref<16x1024xf32, #tpu.memory_space<vmem>>
    %dma_wait3A_152 = arith.constant 0 : i32
    %dma_wait3A_153 = tpu.memref_slice %arg4[%add3A_128, %dma_wait3A_152] : memref<8192x2051xf32, #tpu.memory_space<hbm>> -> memref<16x1024xf32, #tpu.memory_space<hbm>>
    %dma_wait3A_154 = arith.constant 0 : i32
    %dma_wait3A_155 = tpu.memref_slice %arg4[%add3A_128, %dma_wait3A_154] : memref<8192x2051xf32, #tpu.memory_space<hbm>> -> memref<16x1024xf32, #tpu.memory_space<hbm>>
    %dma_wait3A_156 = arith.constant 0 : i32
    %dma_wait3A_157 = arith.constant 0 : i32
    %dma_wait3A_158 = tpu.memref_slice %arg8[%dma_wait3A_156, %dma_wait3A_157] : memref<32x1024xf32, #tpu.memory_space<vmem>> -> memref<16x1024xf32, #tpu.memory_space<vmem>>
    tpu.wait_dma2 semaphore(%arg14 : memref<!tpu.dma_semaphore, #tpu.memory_space<semaphore_mem>>) src(%dma_wait3A_158 : memref<16x1024xf32, #tpu.memory_space<vmem>>) dst(%dma_wait3A_155 : memref<16x1024xf32, #tpu.memory_space<hbm>>)
    %dma_wait3A_159 = arith.constant 16 : i32
    %dma_wait3A_160 = arith.constant 0 : i32
    %dma_wait3A_161 = tpu.memref_slice %arg8[%dma_wait3A_159, %dma_wait3A_160] : memref<32x1024xf32, #tpu.memory_space<vmem>> -> memref<16x1024xf32, #tpu.memory_space<vmem>>
    %dma_wait3A_162 = arith.constant 1024 : i32
    %dma_wait3A_163 = tpu.memref_slice %arg4[%add3A_128, %dma_wait3A_162] : memref<8192x2051xf32, #tpu.memory_space<hbm>> -> memref<16x1024xf32, #tpu.memory_space<hbm>>
    %dma_wait3A_164 = arith.constant 1024 : i32
    %dma_wait3A_165 = tpu.memref_slice %arg4[%add3A_128, %dma_wait3A_164] : memref<8192x2051xf32, #tpu.memory_space<hbm>> -> memref<16x1024xf32, #tpu.memory_space<hbm>>
    %dma_wait3A_166 = arith.constant 16 : i32
    %dma_wait3A_167 = arith.constant 0 : i32
    %dma_wait3A_168 = tpu.memref_slice %arg8[%dma_wait3A_166, %dma_wait3A_167] : memref<32x1024xf32, #tpu.memory_space<vmem>> -> memref<16x1024xf32, #tpu.memory_space<vmem>>
    tpu.wait_dma2 semaphore(%arg14 : memref<!tpu.dma_semaphore, #tpu.memory_space<semaphore_mem>>) src(%dma_wait3A_168 : memref<16x1024xf32, #tpu.memory_space<vmem>>) dst(%dma_wait3A_165 : memref<16x1024xf32, #tpu.memory_space<hbm>>)
    %dma_start3A_169 = arith.constant 160 : i32
    %dma_start3A_170 = tpu.memref_slice %arg5[%dma_start3A_169] : memref<512xi32, #tpu.memory_space<vmem>> -> memref<32xi32, #tpu.memory_space<vmem>>
    %dma_start3A_171 = arith.constant 0 : i32
    %dma_start3A_172 = arith.constant 0 : i32
    %dma_start3A_173 = tpu.memref_slice %arg2[%dma_start3A_171, %dma_start3A_172] : memref<32768x1024xf32, #tpu.memory_space<hbm>> -> memref<32768x1024xf32, #tpu.memory_space<hbm>>
    tpu.enqueue_indirect_dma source(%dma_start3A_173 : memref<32768x1024xf32, #tpu.memory_space<hbm>>) target(%arg8 : memref<32x1024xf32, #tpu.memory_space<vmem>>) offsets(%dma_start3A_170 : memref<32xi32, #tpu.memory_space<vmem>>) semaphore(%arg11 : memref<!tpu.dma_semaphore, #tpu.memory_space<semaphore_mem>>)
    %dma_wait3A_174 = arith.constant 96 : i32
    %dma_wait3A_175 = tpu.memref_slice %arg5[%dma_wait3A_174] : memref<512xi32, #tpu.memory_space<vmem>> -> memref<32xi32, #tpu.memory_space<vmem>>
    %dma_wait3A_176 = arith.constant 0 : i32
    %dma_wait3A_177 = arith.constant 0 : i32
    %dma_wait3A_178 = tpu.memref_slice %arg2[%dma_wait3A_176, %dma_wait3A_177] : memref<32768x1024xf32, #tpu.memory_space<hbm>> -> memref<32768x1024xf32, #tpu.memory_space<hbm>>
    tpu.wait_indirect_dma semaphore(%arg9 : memref<!tpu.dma_semaphore, #tpu.memory_space<semaphore_mem>>) src(%dma_wait3A_178 : memref<32768x1024xf32, #tpu.memory_space<hbm>>) dst(%arg6 : memref<32x1024xf32, #tpu.memory_space<vmem>>)
    %add3A_179 = arith.constant 48 : i32
    %add3A_180 = arith.addi %mul3A_2, %add3A_179 : i32
    %dma_start3A_181 = arith.constant 0 : i32
    %dma_start3A_182 = arith.constant 0 : i32
    %dma_start3A_183 = tpu.memref_slice %arg6[%dma_start3A_181, %dma_start3A_182] : memref<32x1024xf32, #tpu.memory_space<vmem>> -> memref<16x1024xf32, #tpu.memory_space<vmem>>
    %dma_start3A_184 = arith.constant 0 : i32
    %dma_start3A_185 = tpu.memref_slice %arg4[%add3A_180, %dma_start3A_184] : memref<8192x2051xf32, #tpu.memory_space<hbm>> -> memref<16x1024xf32, #tpu.memory_space<hbm>>
    %dma_start3A_186 = arith.constant 0 : i32
    %dma_start3A_187 = tpu.memref_slice %arg4[%add3A_180, %dma_start3A_186] : memref<8192x2051xf32, #tpu.memory_space<hbm>> -> memref<16x1024xf32, #tpu.memory_space<hbm>>
    %dma_start3A_188 = arith.constant 0 : i32
    %dma_start3A_189 = arith.constant 0 : i32
    %dma_start3A_190 = tpu.memref_slice %arg6[%dma_start3A_188, %dma_start3A_189] : memref<32x1024xf32, #tpu.memory_space<vmem>> -> memref<16x1024xf32, #tpu.memory_space<vmem>>
    tpu.enqueue_dma source(%dma_start3A_190 : memref<16x1024xf32, #tpu.memory_space<vmem>>) target(%dma_start3A_187 : memref<16x1024xf32, #tpu.memory_space<hbm>>) target_semaphore(%arg12 : memref<!tpu.dma_semaphore, #tpu.memory_space<semaphore_mem>>)
    %dma_start3A_191 = arith.constant 16 : i32
    %dma_start3A_192 = arith.constant 0 : i32
    %dma_start3A_193 = tpu.memref_slice %arg6[%dma_start3A_191, %dma_start3A_192] : memref<32x1024xf32, #tpu.memory_space<vmem>> -> memref<16x1024xf32, #tpu.memory_space<vmem>>
    %dma_start3A_194 = arith.constant 1024 : i32
    %dma_start3A_195 = tpu.memref_slice %arg4[%add3A_180, %dma_start3A_194] : memref<8192x2051xf32, #tpu.memory_space<hbm>> -> memref<16x1024xf32, #tpu.memory_space<hbm>>
    %dma_start3A_196 = arith.constant 1024 : i32
    %dma_start3A_197 = tpu.memref_slice %arg4[%add3A_180, %dma_start3A_196] : memref<8192x2051xf32, #tpu.memory_space<hbm>> -> memref<16x1024xf32, #tpu.memory_space<hbm>>
    %dma_start3A_198 = arith.constant 16 : i32
    %dma_start3A_199 = arith.constant 0 : i32
    %dma_start3A_200 = tpu.memref_slice %arg6[%dma_start3A_198, %dma_start3A_199] : memref<32x1024xf32, #tpu.memory_space<vmem>> -> memref<16x1024xf32, #tpu.memory_space<vmem>>
    tpu.enqueue_dma source(%dma_start3A_200 : memref<16x1024xf32, #tpu.memory_space<vmem>>) target(%dma_start3A_197 : memref<16x1024xf32, #tpu.memory_space<hbm>>) target_semaphore(%arg12 : memref<!tpu.dma_semaphore, #tpu.memory_space<semaphore_mem>>)
    %dma_wait3A_201 = arith.constant 0 : i32
    %dma_wait3A_202 = arith.constant 0 : i32
    %dma_wait3A_203 = tpu.memref_slice %arg6[%dma_wait3A_201, %dma_wait3A_202] : memref<32x1024xf32, #tpu.memory_space<vmem>> -> memref<16x1024xf32, #tpu.memory_space<vmem>>
    %dma_wait3A_204 = arith.constant 0 : i32
    %dma_wait3A_205 = tpu.memref_slice %arg4[%add3A_180, %dma_wait3A_204] : memref<8192x2051xf32, #tpu.memory_space<hbm>> -> memref<16x1024xf32, #tpu.memory_space<hbm>>
    %dma_wait3A_206 = arith.constant 0 : i32
    %dma_wait3A_207 = tpu.memref_slice %arg4[%add3A_180, %dma_wait3A_206] : memref<8192x2051xf32, #tpu.memory_space<hbm>> -> memref<16x1024xf32, #tpu.memory_space<hbm>>
    %dma_wait3A_208 = arith.constant 0 : i32
    %dma_wait3A_209 = arith.constant 0 : i32
    %dma_wait3A_210 = tpu.memref_slice %arg6[%dma_wait3A_208, %dma_wait3A_209] : memref<32x1024xf32, #tpu.memory_space<vmem>> -> memref<16x1024xf32, #tpu.memory_space<vmem>>
    tpu.wait_dma2 semaphore(%arg12 : memref<!tpu.dma_semaphore, #tpu.memory_space<semaphore_mem>>) src(%dma_wait3A_210 : memref<16x1024xf32, #tpu.memory_space<vmem>>) dst(%dma_wait3A_207 : memref<16x1024xf32, #tpu.memory_space<hbm>>)
    %dma_wait3A_211 = arith.constant 16 : i32
    %dma_wait3A_212 = arith.constant 0 : i32
    %dma_wait3A_213 = tpu.memref_slice %arg6[%dma_wait3A_211, %dma_wait3A_212] : memref<32x1024xf32, #tpu.memory_space<vmem>> -> memref<16x1024xf32, #tpu.memory_space<vmem>>
    %dma_wait3A_214 = arith.constant 1024 : i32
    %dma_wait3A_215 = tpu.memref_slice %arg4[%add3A_180, %dma_wait3A_214] : memref<8192x2051xf32, #tpu.memory_space<hbm>> -> memref<16x1024xf32, #tpu.memory_space<hbm>>
    %dma_wait3A_216 = arith.constant 1024 : i32
    %dma_wait3A_217 = tpu.memref_slice %arg4[%add3A_180, %dma_wait3A_216] : memref<8192x2051xf32, #tpu.memory_space<hbm>> -> memref<16x1024xf32, #tpu.memory_space<hbm>>
    %dma_wait3A_218 = arith.constant 16 : i32
    %dma_wait3A_219 = arith.constant 0 : i32
    %dma_wait3A_220 = tpu.memref_slice %arg6[%dma_wait3A_218, %dma_wait3A_219] : memref<32x1024xf32, #tpu.memory_space<vmem>> -> memref<16x1024xf32, #tpu.memory_space<vmem>>
    tpu.wait_dma2 semaphore(%arg12 : memref<!tpu.dma_semaphore, #tpu.memory_space<semaphore_mem>>) src(%dma_wait3A_220 : memref<16x1024xf32, #tpu.memory_space<vmem>>) dst(%dma_wait3A_217 : memref<16x1024xf32, #tpu.memory_space<hbm>>)
    %dma_start3A_221 = arith.constant 192 : i32
    %dma_start3A_222 = tpu.memref_slice %arg5[%dma_start3A_221] : memref<512xi32, #tpu.memory_space<vmem>> -> memref<32xi32, #tpu.memory_space<vmem>>
    %dma_start3A_223 = arith.constant 0 : i32
    %dma_start3A_224 = arith.constant 0 : i32
    %dma_start3A_225 = tpu.memref_slice %arg2[%dma_start3A_223, %dma_start3A_224] : memref<32768x1024xf32, #tpu.memory_space<hbm>> -> memref<32768x1024xf32, #tpu.memory_space<hbm>>
    tpu.enqueue_indirect_dma source(%dma_start3A_225 : memref<32768x1024xf32, #tpu.memory_space<hbm>>) target(%arg6 : memref<32x1024xf32, #tpu.memory_space<vmem>>) offsets(%dma_start3A_222 : memref<32xi32, #tpu.memory_space<vmem>>) semaphore(%arg9 : memref<!tpu.dma_semaphore, #tpu.memory_space<semaphore_mem>>)
    %dma_wait3A_226 = arith.constant 128 : i32
    %dma_wait3A_227 = tpu.memref_slice %arg5[%dma_wait3A_226] : memref<512xi32, #tpu.memory_space<vmem>> -> memref<32xi32, #tpu.memory_space<vmem>>
    %dma_wait3A_228 = arith.constant 0 : i32
    %dma_wait3A_229 = arith.constant 0 : i32
    %dma_wait3A_230 = tpu.memref_slice %arg2[%dma_wait3A_228, %dma_wait3A_229] : memref<32768x1024xf32, #tpu.memory_space<hbm>> -> memref<32768x1024xf32, #tpu.memory_space<hbm>>
    tpu.wait_indirect_dma semaphore(%arg10 : memref<!tpu.dma_semaphore, #tpu.memory_space<semaphore_mem>>) src(%dma_wait3A_230 : memref<32768x1024xf32, #tpu.memory_space<hbm>>) dst(%arg7 : memref<32x1024xf32, #tpu.memory_space<vmem>>)
    %add3A_231 = arith.constant 64 : i32
    %add3A_232 = arith.addi %mul3A_2, %add3A_231 : i32
    %dma_start3A_233 = arith.constant 0 : i32
    %dma_start3A_234 = arith.constant 0 : i32
    %dma_start3A_235 = tpu.memref_slice %arg7[%dma_start3A_233, %dma_start3A_234] : memref<32x1024xf32, #tpu.memory_space<vmem>> -> memref<16x1024xf32, #tpu.memory_space<vmem>>
    %dma_start3A_236 = arith.constant 0 : i32
    %dma_start3A_237 = tpu.memref_slice %arg4[%add3A_232, %dma_start3A_236] : memref<8192x2051xf32, #tpu.memory_space<hbm>> -> memref<16x1024xf32, #tpu.memory_space<hbm>>
    %dma_start3A_238 = arith.constant 0 : i32
    %dma_start3A_239 = tpu.memref_slice %arg4[%add3A_232, %dma_start3A_238] : memref<8192x2051xf32, #tpu.memory_space<hbm>> -> memref<16x1024xf32, #tpu.memory_space<hbm>>
    %dma_start3A_240 = arith.constant 0 : i32
    %dma_start3A_241 = arith.constant 0 : i32
    %dma_start3A_242 = tpu.memref_slice %arg7[%dma_start3A_240, %dma_start3A_241] : memref<32x1024xf32, #tpu.memory_space<vmem>> -> memref<16x1024xf32, #tpu.memory_space<vmem>>
    tpu.enqueue_dma source(%dma_start3A_242 : memref<16x1024xf32, #tpu.memory_space<vmem>>) target(%dma_start3A_239 : memref<16x1024xf32, #tpu.memory_space<hbm>>) target_semaphore(%arg13 : memref<!tpu.dma_semaphore, #tpu.memory_space<semaphore_mem>>)
    %dma_start3A_243 = arith.constant 16 : i32
    %dma_start3A_244 = arith.constant 0 : i32
    %dma_start3A_245 = tpu.memref_slice %arg7[%dma_start3A_243, %dma_start3A_244] : memref<32x1024xf32, #tpu.memory_space<vmem>> -> memref<16x1024xf32, #tpu.memory_space<vmem>>
    %dma_start3A_246 = arith.constant 1024 : i32
    %dma_start3A_247 = tpu.memref_slice %arg4[%add3A_232, %dma_start3A_246] : memref<8192x2051xf32, #tpu.memory_space<hbm>> -> memref<16x1024xf32, #tpu.memory_space<hbm>>
    %dma_start3A_248 = arith.constant 1024 : i32
    %dma_start3A_249 = tpu.memref_slice %arg4[%add3A_232, %dma_start3A_248] : memref<8192x2051xf32, #tpu.memory_space<hbm>> -> memref<16x1024xf32, #tpu.memory_space<hbm>>
    %dma_start3A_250 = arith.constant 16 : i32
    %dma_start3A_251 = arith.constant 0 : i32
    %dma_start3A_252 = tpu.memref_slice %arg7[%dma_start3A_250, %dma_start3A_251] : memref<32x1024xf32, #tpu.memory_space<vmem>> -> memref<16x1024xf32, #tpu.memory_space<vmem>>
    tpu.enqueue_dma source(%dma_start3A_252 : memref<16x1024xf32, #tpu.memory_space<vmem>>) target(%dma_start3A_249 : memref<16x1024xf32, #tpu.memory_space<hbm>>) target_semaphore(%arg13 : memref<!tpu.dma_semaphore, #tpu.memory_space<semaphore_mem>>)
    %dma_wait3A_253 = arith.constant 0 : i32
    %dma_wait3A_254 = arith.constant 0 : i32
    %dma_wait3A_255 = tpu.memref_slice %arg7[%dma_wait3A_253, %dma_wait3A_254] : memref<32x1024xf32, #tpu.memory_space<vmem>> -> memref<16x1024xf32, #tpu.memory_space<vmem>>
    %dma_wait3A_256 = arith.constant 0 : i32
    %dma_wait3A_257 = tpu.memref_slice %arg4[%add3A_232, %dma_wait3A_256] : memref<8192x2051xf32, #tpu.memory_space<hbm>> -> memref<16x1024xf32, #tpu.memory_space<hbm>>
    %dma_wait3A_258 = arith.constant 0 : i32
    %dma_wait3A_259 = tpu.memref_slice %arg4[%add3A_232, %dma_wait3A_258] : memref<8192x2051xf32, #tpu.memory_space<hbm>> -> memref<16x1024xf32, #tpu.memory_space<hbm>>
    %dma_wait3A_260 = arith.constant 0 : i32
    %dma_wait3A_261 = arith.constant 0 : i32
    %dma_wait3A_262 = tpu.memref_slice %arg7[%dma_wait3A_260, %dma_wait3A_261] : memref<32x1024xf32, #tpu.memory_space<vmem>> -> memref<16x1024xf32, #tpu.memory_space<vmem>>
    tpu.wait_dma2 semaphore(%arg13 : memref<!tpu.dma_semaphore, #tpu.memory_space<semaphore_mem>>) src(%dma_wait3A_262 : memref<16x1024xf32, #tpu.memory_space<vmem>>) dst(%dma_wait3A_259 : memref<16x1024xf32, #tpu.memory_space<hbm>>)
    %dma_wait3A_263 = arith.constant 16 : i32
    %dma_wait3A_264 = arith.constant 0 : i32
    %dma_wait3A_265 = tpu.memref_slice %arg7[%dma_wait3A_263, %dma_wait3A_264] : memref<32x1024xf32, #tpu.memory_space<vmem>> -> memref<16x1024xf32, #tpu.memory_space<vmem>>
    %dma_wait3A_266 = arith.constant 1024 : i32
    %dma_wait3A_267 = tpu.memref_slice %arg4[%add3A_232, %dma_wait3A_266] : memref<8192x2051xf32, #tpu.memory_space<hbm>> -> memref<16x1024xf32, #tpu.memory_space<hbm>>
    %dma_wait3A_268 = arith.constant 1024 : i32
    %dma_wait3A_269 = tpu.memref_slice %arg4[%add3A_232, %dma_wait3A_268] : memref<8192x2051xf32, #tpu.memory_space<hbm>> -> memref<16x1024xf32, #tpu.memory_space<hbm>>
    %dma_wait3A_270 = arith.constant 16 : i32
    %dma_wait3A_271 = arith.constant 0 : i32
    %dma_wait3A_272 = tpu.memref_slice %arg7[%dma_wait3A_270, %dma_wait3A_271] : memref<32x1024xf32, #tpu.memory_space<vmem>> -> memref<16x1024xf32, #tpu.memory_space<vmem>>
    tpu.wait_dma2 semaphore(%arg13 : memref<!tpu.dma_semaphore, #tpu.memory_space<semaphore_mem>>) src(%dma_wait3A_272 : memref<16x1024xf32, #tpu.memory_space<vmem>>) dst(%dma_wait3A_269 : memref<16x1024xf32, #tpu.memory_space<hbm>>)
    %dma_start3A_273 = arith.constant 224 : i32
    %dma_start3A_274 = tpu.memref_slice %arg5[%dma_start3A_273] : memref<512xi32, #tpu.memory_space<vmem>> -> memref<32xi32, #tpu.memory_space<vmem>>
    %dma_start3A_275 = arith.constant 0 : i32
    %dma_start3A_276 = arith.constant 0 : i32
    %dma_start3A_277 = tpu.memref_slice %arg2[%dma_start3A_275, %dma_start3A_276] : memref<32768x1024xf32, #tpu.memory_space<hbm>> -> memref<32768x1024xf32, #tpu.memory_space<hbm>>
    tpu.enqueue_indirect_dma source(%dma_start3A_277 : memref<32768x1024xf32, #tpu.memory_space<hbm>>) target(%arg7 : memref<32x1024xf32, #tpu.memory_space<vmem>>) offsets(%dma_start3A_274 : memref<32xi32, #tpu.memory_space<vmem>>) semaphore(%arg10 : memref<!tpu.dma_semaphore, #tpu.memory_space<semaphore_mem>>)
    %dma_wait3A_278 = arith.constant 160 : i32
    %dma_wait3A_279 = tpu.memref_slice %arg5[%dma_wait3A_278] : memref<512xi32, #tpu.memory_space<vmem>> -> memref<32xi32, #tpu.memory_space<vmem>>
    %dma_wait3A_280 = arith.constant 0 : i32
    %dma_wait3A_281 = arith.constant 0 : i32
    %dma_wait3A_282 = tpu.memref_slice %arg2[%dma_wait3A_280, %dma_wait3A_281] : memref<32768x1024xf32, #tpu.memory_space<hbm>> -> memref<32768x1024xf32, #tpu.memory_space<hbm>>
    tpu.wait_indirect_dma semaphore(%arg11 : memref<!tpu.dma_semaphore, #tpu.memory_space<semaphore_mem>>) src(%dma_wait3A_282 : memref<32768x1024xf32, #tpu.memory_space<hbm>>) dst(%arg8 : memref<32x1024xf32, #tpu.memory_space<vmem>>)
    %add3A_283 = arith.constant 80 : i32
    %add3A_284 = arith.addi %mul3A_2, %add3A_283 : i32
    %dma_start3A_285 = arith.constant 0 : i32
    %dma_start3A_286 = arith.constant 0 : i32
    %dma_start3A_287 = tpu.memref_slice %arg8[%dma_start3A_285, %dma_start3A_286] : memref<32x1024xf32, #tpu.memory_space<vmem>> -> memref<16x1024xf32, #tpu.memory_space<vmem>>
    %dma_start3A_288 = arith.constant 0 : i32
    %dma_start3A_289 = tpu.memref_slice %arg4[%add3A_284, %dma_start3A_288] : memref<8192x2051xf32, #tpu.memory_space<hbm>> -> memref<16x1024xf32, #tpu.memory_space<hbm>>
    %dma_start3A_290 = arith.constant 0 : i32
    %dma_start3A_291 = tpu.memref_slice %arg4[%add3A_284, %dma_start3A_290] : memref<8192x2051xf32, #tpu.memory_space<hbm>> -> memref<16x1024xf32, #tpu.memory_space<hbm>>
    %dma_start3A_292 = arith.constant 0 : i32
    %dma_start3A_293 = arith.constant 0 : i32
    %dma_start3A_294 = tpu.memref_slice %arg8[%dma_start3A_292, %dma_start3A_293] : memref<32x1024xf32, #tpu.memory_space<vmem>> -> memref<16x1024xf32, #tpu.memory_space<vmem>>
    tpu.enqueue_dma source(%dma_start3A_294 : memref<16x1024xf32, #tpu.memory_space<vmem>>) target(%dma_start3A_291 : memref<16x1024xf32, #tpu.memory_space<hbm>>) target_semaphore(%arg14 : memref<!tpu.dma_semaphore, #tpu.memory_space<semaphore_mem>>)
    %dma_start3A_295 = arith.constant 16 : i32
    %dma_start3A_296 = arith.constant 0 : i32
    %dma_start3A_297 = tpu.memref_slice %arg8[%dma_start3A_295, %dma_start3A_296] : memref<32x1024xf32, #tpu.memory_space<vmem>> -> memref<16x1024xf32, #tpu.memory_space<vmem>>
    %dma_start3A_298 = arith.constant 1024 : i32
    %dma_start3A_299 = tpu.memref_slice %arg4[%add3A_284, %dma_start3A_298] : memref<8192x2051xf32, #tpu.memory_space<hbm>> -> memref<16x1024xf32, #tpu.memory_space<hbm>>
    %dma_start3A_300 = arith.constant 1024 : i32
    %dma_start3A_301 = tpu.memref_slice %arg4[%add3A_284, %dma_start3A_300] : memref<8192x2051xf32, #tpu.memory_space<hbm>> -> memref<16x1024xf32, #tpu.memory_space<hbm>>
    %dma_start3A_302 = arith.constant 16 : i32
    %dma_start3A_303 = arith.constant 0 : i32
    %dma_start3A_304 = tpu.memref_slice %arg8[%dma_start3A_302, %dma_start3A_303] : memref<32x1024xf32, #tpu.memory_space<vmem>> -> memref<16x1024xf32, #tpu.memory_space<vmem>>
    tpu.enqueue_dma source(%dma_start3A_304 : memref<16x1024xf32, #tpu.memory_space<vmem>>) target(%dma_start3A_301 : memref<16x1024xf32, #tpu.memory_space<hbm>>) target_semaphore(%arg14 : memref<!tpu.dma_semaphore, #tpu.memory_space<semaphore_mem>>)
    %dma_wait3A_305 = arith.constant 0 : i32
    %dma_wait3A_306 = arith.constant 0 : i32
    %dma_wait3A_307 = tpu.memref_slice %arg8[%dma_wait3A_305, %dma_wait3A_306] : memref<32x1024xf32, #tpu.memory_space<vmem>> -> memref<16x1024xf32, #tpu.memory_space<vmem>>
    %dma_wait3A_308 = arith.constant 0 : i32
    %dma_wait3A_309 = tpu.memref_slice %arg4[%add3A_284, %dma_wait3A_308] : memref<8192x2051xf32, #tpu.memory_space<hbm>> -> memref<16x1024xf32, #tpu.memory_space<hbm>>
    %dma_wait3A_310 = arith.constant 0 : i32
    %dma_wait3A_311 = tpu.memref_slice %arg4[%add3A_284, %dma_wait3A_310] : memref<8192x2051xf32, #tpu.memory_space<hbm>> -> memref<16x1024xf32, #tpu.memory_space<hbm>>
    %dma_wait3A_312 = arith.constant 0 : i32
    %dma_wait3A_313 = arith.constant 0 : i32
    %dma_wait3A_314 = tpu.memref_slice %arg8[%dma_wait3A_312, %dma_wait3A_313] : memref<32x1024xf32, #tpu.memory_space<vmem>> -> memref<16x1024xf32, #tpu.memory_space<vmem>>
    tpu.wait_dma2 semaphore(%arg14 : memref<!tpu.dma_semaphore, #tpu.memory_space<semaphore_mem>>) src(%dma_wait3A_314 : memref<16x1024xf32, #tpu.memory_space<vmem>>) dst(%dma_wait3A_311 : memref<16x1024xf32, #tpu.memory_space<hbm>>)
    %dma_wait3A_315 = arith.constant 16 : i32
    %dma_wait3A_316 = arith.constant 0 : i32
    %dma_wait3A_317 = tpu.memref_slice %arg8[%dma_wait3A_315, %dma_wait3A_316] : memref<32x1024xf32, #tpu.memory_space<vmem>> -> memref<16x1024xf32, #tpu.memory_space<vmem>>
    %dma_wait3A_318 = arith.constant 1024 : i32
    %dma_wait3A_319 = tpu.memref_slice %arg4[%add3A_284, %dma_wait3A_318] : memref<8192x2051xf32, #tpu.memory_space<hbm>> -> memref<16x1024xf32, #tpu.memory_space<hbm>>
    %dma_wait3A_320 = arith.constant 1024 : i32
    %dma_wait3A_321 = tpu.memref_slice %arg4[%add3A_284, %dma_wait3A_320] : memref<8192x2051xf32, #tpu.memory_space<hbm>> -> memref<16x1024xf32, #tpu.memory_space<hbm>>
    %dma_wait3A_322 = arith.constant 16 : i32
    %dma_wait3A_323 = arith.constant 0 : i32
    %dma_wait3A_324 = tpu.memref_slice %arg8[%dma_wait3A_322, %dma_wait3A_323] : memref<32x1024xf32, #tpu.memory_space<vmem>> -> memref<16x1024xf32, #tpu.memory_space<vmem>>
    tpu.wait_dma2 semaphore(%arg14 : memref<!tpu.dma_semaphore, #tpu.memory_space<semaphore_mem>>) src(%dma_wait3A_324 : memref<16x1024xf32, #tpu.memory_space<vmem>>) dst(%dma_wait3A_321 : memref<16x1024xf32, #tpu.memory_space<hbm>>)
    %dma_start3A_325 = arith.constant 256 : i32
    %dma_start3A_326 = tpu.memref_slice %arg5[%dma_start3A_325] : memref<512xi32, #tpu.memory_space<vmem>> -> memref<32xi32, #tpu.memory_space<vmem>>
    %dma_start3A_327 = arith.constant 0 : i32
    %dma_start3A_328 = arith.constant 0 : i32
    %dma_start3A_329 = tpu.memref_slice %arg2[%dma_start3A_327, %dma_start3A_328] : memref<32768x1024xf32, #tpu.memory_space<hbm>> -> memref<32768x1024xf32, #tpu.memory_space<hbm>>
    tpu.enqueue_indirect_dma source(%dma_start3A_329 : memref<32768x1024xf32, #tpu.memory_space<hbm>>) target(%arg8 : memref<32x1024xf32, #tpu.memory_space<vmem>>) offsets(%dma_start3A_326 : memref<32xi32, #tpu.memory_space<vmem>>) semaphore(%arg11 : memref<!tpu.dma_semaphore, #tpu.memory_space<semaphore_mem>>)
    %dma_wait3A_330 = arith.constant 192 : i32
    %dma_wait3A_331 = tpu.memref_slice %arg5[%dma_wait3A_330] : memref<512xi32, #tpu.memory_space<vmem>> -> memref<32xi32, #tpu.memory_space<vmem>>
    %dma_wait3A_332 = arith.constant 0 : i32
    %dma_wait3A_333 = arith.constant 0 : i32
    %dma_wait3A_334 = tpu.memref_slice %arg2[%dma_wait3A_332, %dma_wait3A_333] : memref<32768x1024xf32, #tpu.memory_space<hbm>> -> memref<32768x1024xf32, #tpu.memory_space<hbm>>
    tpu.wait_indirect_dma semaphore(%arg9 : memref<!tpu.dma_semaphore, #tpu.memory_space<semaphore_mem>>) src(%dma_wait3A_334 : memref<32768x1024xf32, #tpu.memory_space<hbm>>) dst(%arg6 : memref<32x1024xf32, #tpu.memory_space<vmem>>)
    %add3A_335 = arith.constant 96 : i32
    %add3A_336 = arith.addi %mul3A_2, %add3A_335 : i32
    %dma_start3A_337 = arith.constant 0 : i32
    %dma_start3A_338 = arith.constant 0 : i32
    %dma_start3A_339 = tpu.memref_slice %arg6[%dma_start3A_337, %dma_start3A_338] : memref<32x1024xf32, #tpu.memory_space<vmem>> -> memref<16x1024xf32, #tpu.memory_space<vmem>>
    %dma_start3A_340 = arith.constant 0 : i32
    %dma_start3A_341 = tpu.memref_slice %arg4[%add3A_336, %dma_start3A_340] : memref<8192x2051xf32, #tpu.memory_space<hbm>> -> memref<16x1024xf32, #tpu.memory_space<hbm>>
    %dma_start3A_342 = arith.constant 0 : i32
    %dma_start3A_343 = tpu.memref_slice %arg4[%add3A_336, %dma_start3A_342] : memref<8192x2051xf32, #tpu.memory_space<hbm>> -> memref<16x1024xf32, #tpu.memory_space<hbm>>
    %dma_start3A_344 = arith.constant 0 : i32
    %dma_start3A_345 = arith.constant 0 : i32
    %dma_start3A_346 = tpu.memref_slice %arg6[%dma_start3A_344, %dma_start3A_345] : memref<32x1024xf32, #tpu.memory_space<vmem>> -> memref<16x1024xf32, #tpu.memory_space<vmem>>
    tpu.enqueue_dma source(%dma_start3A_346 : memref<16x1024xf32, #tpu.memory_space<vmem>>) target(%dma_start3A_343 : memref<16x1024xf32, #tpu.memory_space<hbm>>) target_semaphore(%arg12 : memref<!tpu.dma_semaphore, #tpu.memory_space<semaphore_mem>>)
    %dma_start3A_347 = arith.constant 16 : i32
    %dma_start3A_348 = arith.constant 0 : i32
    %dma_start3A_349 = tpu.memref_slice %arg6[%dma_start3A_347, %dma_start3A_348] : memref<32x1024xf32, #tpu.memory_space<vmem>> -> memref<16x1024xf32, #tpu.memory_space<vmem>>
    %dma_start3A_350 = arith.constant 1024 : i32
    %dma_start3A_351 = tpu.memref_slice %arg4[%add3A_336, %dma_start3A_350] : memref<8192x2051xf32, #tpu.memory_space<hbm>> -> memref<16x1024xf32, #tpu.memory_space<hbm>>
    %dma_start3A_352 = arith.constant 1024 : i32
    %dma_start3A_353 = tpu.memref_slice %arg4[%add3A_336, %dma_start3A_352] : memref<8192x2051xf32, #tpu.memory_space<hbm>> -> memref<16x1024xf32, #tpu.memory_space<hbm>>
    %dma_start3A_354 = arith.constant 16 : i32
    %dma_start3A_355 = arith.constant 0 : i32
    %dma_start3A_356 = tpu.memref_slice %arg6[%dma_start3A_354, %dma_start3A_355] : memref<32x1024xf32, #tpu.memory_space<vmem>> -> memref<16x1024xf32, #tpu.memory_space<vmem>>
    tpu.enqueue_dma source(%dma_start3A_356 : memref<16x1024xf32, #tpu.memory_space<vmem>>) target(%dma_start3A_353 : memref<16x1024xf32, #tpu.memory_space<hbm>>) target_semaphore(%arg12 : memref<!tpu.dma_semaphore, #tpu.memory_space<semaphore_mem>>)
    %dma_wait3A_357 = arith.constant 0 : i32
    %dma_wait3A_358 = arith.constant 0 : i32
    %dma_wait3A_359 = tpu.memref_slice %arg6[%dma_wait3A_357, %dma_wait3A_358] : memref<32x1024xf32, #tpu.memory_space<vmem>> -> memref<16x1024xf32, #tpu.memory_space<vmem>>
    %dma_wait3A_360 = arith.constant 0 : i32
    %dma_wait3A_361 = tpu.memref_slice %arg4[%add3A_336, %dma_wait3A_360] : memref<8192x2051xf32, #tpu.memory_space<hbm>> -> memref<16x1024xf32, #tpu.memory_space<hbm>>
    %dma_wait3A_362 = arith.constant 0 : i32
    %dma_wait3A_363 = tpu.memref_slice %arg4[%add3A_336, %dma_wait3A_362] : memref<8192x2051xf32, #tpu.memory_space<hbm>> -> memref<16x1024xf32, #tpu.memory_space<hbm>>
    %dma_wait3A_364 = arith.constant 0 : i32
    %dma_wait3A_365 = arith.constant 0 : i32
    %dma_wait3A_366 = tpu.memref_slice %arg6[%dma_wait3A_364, %dma_wait3A_365] : memref<32x1024xf32, #tpu.memory_space<vmem>> -> memref<16x1024xf32, #tpu.memory_space<vmem>>
    tpu.wait_dma2 semaphore(%arg12 : memref<!tpu.dma_semaphore, #tpu.memory_space<semaphore_mem>>) src(%dma_wait3A_366 : memref<16x1024xf32, #tpu.memory_space<vmem>>) dst(%dma_wait3A_363 : memref<16x1024xf32, #tpu.memory_space<hbm>>)
    %dma_wait3A_367 = arith.constant 16 : i32
    %dma_wait3A_368 = arith.constant 0 : i32
    %dma_wait3A_369 = tpu.memref_slice %arg6[%dma_wait3A_367, %dma_wait3A_368] : memref<32x1024xf32, #tpu.memory_space<vmem>> -> memref<16x1024xf32, #tpu.memory_space<vmem>>
    %dma_wait3A_370 = arith.constant 1024 : i32
    %dma_wait3A_371 = tpu.memref_slice %arg4[%add3A_336, %dma_wait3A_370] : memref<8192x2051xf32, #tpu.memory_space<hbm>> -> memref<16x1024xf32, #tpu.memory_space<hbm>>
    %dma_wait3A_372 = arith.constant 1024 : i32
    %dma_wait3A_373 = tpu.memref_slice %arg4[%add3A_336, %dma_wait3A_372] : memref<8192x2051xf32, #tpu.memory_space<hbm>> -> memref<16x1024xf32, #tpu.memory_space<hbm>>
    %dma_wait3A_374 = arith.constant 16 : i32
    %dma_wait3A_375 = arith.constant 0 : i32
    %dma_wait3A_376 = tpu.memref_slice %arg6[%dma_wait3A_374, %dma_wait3A_375] : memref<32x1024xf32, #tpu.memory_space<vmem>> -> memref<16x1024xf32, #tpu.memory_space<vmem>>
    tpu.wait_dma2 semaphore(%arg12 : memref<!tpu.dma_semaphore, #tpu.memory_space<semaphore_mem>>) src(%dma_wait3A_376 : memref<16x1024xf32, #tpu.memory_space<vmem>>) dst(%dma_wait3A_373 : memref<16x1024xf32, #tpu.memory_space<hbm>>)
    %dma_start3A_377 = arith.constant 288 : i32
    %dma_start3A_378 = tpu.memref_slice %arg5[%dma_start3A_377] : memref<512xi32, #tpu.memory_space<vmem>> -> memref<32xi32, #tpu.memory_space<vmem>>
    %dma_start3A_379 = arith.constant 0 : i32
    %dma_start3A_380 = arith.constant 0 : i32
    %dma_start3A_381 = tpu.memref_slice %arg2[%dma_start3A_379, %dma_start3A_380] : memref<32768x1024xf32, #tpu.memory_space<hbm>> -> memref<32768x1024xf32, #tpu.memory_space<hbm>>
    tpu.enqueue_indirect_dma source(%dma_start3A_381 : memref<32768x1024xf32, #tpu.memory_space<hbm>>) target(%arg6 : memref<32x1024xf32, #tpu.memory_space<vmem>>) offsets(%dma_start3A_378 : memref<32xi32, #tpu.memory_space<vmem>>) semaphore(%arg9 : memref<!tpu.dma_semaphore, #tpu.memory_space<semaphore_mem>>)
    %dma_wait3A_382 = arith.constant 224 : i32
    %dma_wait3A_383 = tpu.memref_slice %arg5[%dma_wait3A_382] : memref<512xi32, #tpu.memory_space<vmem>> -> memref<32xi32, #tpu.memory_space<vmem>>
    %dma_wait3A_384 = arith.constant 0 : i32
    %dma_wait3A_385 = arith.constant 0 : i32
    %dma_wait3A_386 = tpu.memref_slice %arg2[%dma_wait3A_384, %dma_wait3A_385] : memref<32768x1024xf32, #tpu.memory_space<hbm>> -> memref<32768x1024xf32, #tpu.memory_space<hbm>>
    tpu.wait_indirect_dma semaphore(%arg10 : memref<!tpu.dma_semaphore, #tpu.memory_space<semaphore_mem>>) src(%dma_wait3A_386 : memref<32768x1024xf32, #tpu.memory_space<hbm>>) dst(%arg7 : memref<32x1024xf32, #tpu.memory_space<vmem>>)
    %add3A_387 = arith.constant 112 : i32
    %add3A_388 = arith.addi %mul3A_2, %add3A_387 : i32
    %dma_start3A_389 = arith.constant 0 : i32
    %dma_start3A_390 = arith.constant 0 : i32
    %dma_start3A_391 = tpu.memref_slice %arg7[%dma_start3A_389, %dma_start3A_390] : memref<32x1024xf32, #tpu.memory_space<vmem>> -> memref<16x1024xf32, #tpu.memory_space<vmem>>
    %dma_start3A_392 = arith.constant 0 : i32
    %dma_start3A_393 = tpu.memref_slice %arg4[%add3A_388, %dma_start3A_392] : memref<8192x2051xf32, #tpu.memory_space<hbm>> -> memref<16x1024xf32, #tpu.memory_space<hbm>>
    %dma_start3A_394 = arith.constant 0 : i32
    %dma_start3A_395 = tpu.memref_slice %arg4[%add3A_388, %dma_start3A_394] : memref<8192x2051xf32, #tpu.memory_space<hbm>> -> memref<16x1024xf32, #tpu.memory_space<hbm>>
    %dma_start3A_396 = arith.constant 0 : i32
    %dma_start3A_397 = arith.constant 0 : i32
    %dma_start3A_398 = tpu.memref_slice %arg7[%dma_start3A_396, %dma_start3A_397] : memref<32x1024xf32, #tpu.memory_space<vmem>> -> memref<16x1024xf32, #tpu.memory_space<vmem>>
    tpu.enqueue_dma source(%dma_start3A_398 : memref<16x1024xf32, #tpu.memory_space<vmem>>) target(%dma_start3A_395 : memref<16x1024xf32, #tpu.memory_space<hbm>>) target_semaphore(%arg13 : memref<!tpu.dma_semaphore, #tpu.memory_space<semaphore_mem>>)
    %dma_start3A_399 = arith.constant 16 : i32
    %dma_start3A_400 = arith.constant 0 : i32
    %dma_start3A_401 = tpu.memref_slice %arg7[%dma_start3A_399, %dma_start3A_400] : memref<32x1024xf32, #tpu.memory_space<vmem>> -> memref<16x1024xf32, #tpu.memory_space<vmem>>
    %dma_start3A_402 = arith.constant 1024 : i32
    %dma_start3A_403 = tpu.memref_slice %arg4[%add3A_388, %dma_start3A_402] : memref<8192x2051xf32, #tpu.memory_space<hbm>> -> memref<16x1024xf32, #tpu.memory_space<hbm>>
    %dma_start3A_404 = arith.constant 1024 : i32
    %dma_start3A_405 = tpu.memref_slice %arg4[%add3A_388, %dma_start3A_404] : memref<8192x2051xf32, #tpu.memory_space<hbm>> -> memref<16x1024xf32, #tpu.memory_space<hbm>>
    %dma_start3A_406 = arith.constant 16 : i32
    %dma_start3A_407 = arith.constant 0 : i32
    %dma_start3A_408 = tpu.memref_slice %arg7[%dma_start3A_406, %dma_start3A_407] : memref<32x1024xf32, #tpu.memory_space<vmem>> -> memref<16x1024xf32, #tpu.memory_space<vmem>>
    tpu.enqueue_dma source(%dma_start3A_408 : memref<16x1024xf32, #tpu.memory_space<vmem>>) target(%dma_start3A_405 : memref<16x1024xf32, #tpu.memory_space<hbm>>) target_semaphore(%arg13 : memref<!tpu.dma_semaphore, #tpu.memory_space<semaphore_mem>>)
    %dma_wait3A_409 = arith.constant 0 : i32
    %dma_wait3A_410 = arith.constant 0 : i32
    %dma_wait3A_411 = tpu.memref_slice %arg7[%dma_wait3A_409, %dma_wait3A_410] : memref<32x1024xf32, #tpu.memory_space<vmem>> -> memref<16x1024xf32, #tpu.memory_space<vmem>>
    %dma_wait3A_412 = arith.constant 0 : i32
    %dma_wait3A_413 = tpu.memref_slice %arg4[%add3A_388, %dma_wait3A_412] : memref<8192x2051xf32, #tpu.memory_space<hbm>> -> memref<16x1024xf32, #tpu.memory_space<hbm>>
    %dma_wait3A_414 = arith.constant 0 : i32
    %dma_wait3A_415 = tpu.memref_slice %arg4[%add3A_388, %dma_wait3A_414] : memref<8192x2051xf32, #tpu.memory_space<hbm>> -> memref<16x1024xf32, #tpu.memory_space<hbm>>
    %dma_wait3A_416 = arith.constant 0 : i32
    %dma_wait3A_417 = arith.constant 0 : i32
    %dma_wait3A_418 = tpu.memref_slice %arg7[%dma_wait3A_416, %dma_wait3A_417] : memref<32x1024xf32, #tpu.memory_space<vmem>> -> memref<16x1024xf32, #tpu.memory_space<vmem>>
    tpu.wait_dma2 semaphore(%arg13 : memref<!tpu.dma_semaphore, #tpu.memory_space<semaphore_mem>>) src(%dma_wait3A_418 : memref<16x1024xf32, #tpu.memory_space<vmem>>) dst(%dma_wait3A_415 : memref<16x1024xf32, #tpu.memory_space<hbm>>)
    %dma_wait3A_419 = arith.constant 16 : i32
    %dma_wait3A_420 = arith.constant 0 : i32
    %dma_wait3A_421 = tpu.memref_slice %arg7[%dma_wait3A_419, %dma_wait3A_420] : memref<32x1024xf32, #tpu.memory_space<vmem>> -> memref<16x1024xf32, #tpu.memory_space<vmem>>
    %dma_wait3A_422 = arith.constant 1024 : i32
    %dma_wait3A_423 = tpu.memref_slice %arg4[%add3A_388, %dma_wait3A_422] : memref<8192x2051xf32, #tpu.memory_space<hbm>> -> memref<16x1024xf32, #tpu.memory_space<hbm>>
    %dma_wait3A_424 = arith.constant 1024 : i32
    %dma_wait3A_425 = tpu.memref_slice %arg4[%add3A_388, %dma_wait3A_424] : memref<8192x2051xf32, #tpu.memory_space<hbm>> -> memref<16x1024xf32, #tpu.memory_space<hbm>>
    %dma_wait3A_426 = arith.constant 16 : i32
    %dma_wait3A_427 = arith.constant 0 : i32
    %dma_wait3A_428 = tpu.memref_slice %arg7[%dma_wait3A_426, %dma_wait3A_427] : memref<32x1024xf32, #tpu.memory_space<vmem>> -> memref<16x1024xf32, #tpu.memory_space<vmem>>
    tpu.wait_dma2 semaphore(%arg13 : memref<!tpu.dma_semaphore, #tpu.memory_space<semaphore_mem>>) src(%dma_wait3A_428 : memref<16x1024xf32, #tpu.memory_space<vmem>>) dst(%dma_wait3A_425 : memref<16x1024xf32, #tpu.memory_space<hbm>>)
    %dma_start3A_429 = arith.constant 320 : i32
    %dma_start3A_430 = tpu.memref_slice %arg5[%dma_start3A_429] : memref<512xi32, #tpu.memory_space<vmem>> -> memref<32xi32, #tpu.memory_space<vmem>>
    %dma_start3A_431 = arith.constant 0 : i32
    %dma_start3A_432 = arith.constant 0 : i32
    %dma_start3A_433 = tpu.memref_slice %arg2[%dma_start3A_431, %dma_start3A_432] : memref<32768x1024xf32, #tpu.memory_space<hbm>> -> memref<32768x1024xf32, #tpu.memory_space<hbm>>
    tpu.enqueue_indirect_dma source(%dma_start3A_433 : memref<32768x1024xf32, #tpu.memory_space<hbm>>) target(%arg7 : memref<32x1024xf32, #tpu.memory_space<vmem>>) offsets(%dma_start3A_430 : memref<32xi32, #tpu.memory_space<vmem>>) semaphore(%arg10 : memref<!tpu.dma_semaphore, #tpu.memory_space<semaphore_mem>>)
    %dma_wait3A_434 = arith.constant 256 : i32
    %dma_wait3A_435 = tpu.memref_slice %arg5[%dma_wait3A_434] : memref<512xi32, #tpu.memory_space<vmem>> -> memref<32xi32, #tpu.memory_space<vmem>>
    %dma_wait3A_436 = arith.constant 0 : i32
    %dma_wait3A_437 = arith.constant 0 : i32
    %dma_wait3A_438 = tpu.memref_slice %arg2[%dma_wait3A_436, %dma_wait3A_437] : memref<32768x1024xf32, #tpu.memory_space<hbm>> -> memref<32768x1024xf32, #tpu.memory_space<hbm>>
    tpu.wait_indirect_dma semaphore(%arg11 : memref<!tpu.dma_semaphore, #tpu.memory_space<semaphore_mem>>) src(%dma_wait3A_438 : memref<32768x1024xf32, #tpu.memory_space<hbm>>) dst(%arg8 : memref<32x1024xf32, #tpu.memory_space<vmem>>)
    %add3A_439 = arith.constant 128 : i32
    %add3A_440 = arith.addi %mul3A_2, %add3A_439 : i32
    %dma_start3A_441 = arith.constant 0 : i32
    %dma_start3A_442 = arith.constant 0 : i32
    %dma_start3A_443 = tpu.memref_slice %arg8[%dma_start3A_441, %dma_start3A_442] : memref<32x1024xf32, #tpu.memory_space<vmem>> -> memref<16x1024xf32, #tpu.memory_space<vmem>>
    %dma_start3A_444 = arith.constant 0 : i32
    %dma_start3A_445 = tpu.memref_slice %arg4[%add3A_440, %dma_start3A_444] : memref<8192x2051xf32, #tpu.memory_space<hbm>> -> memref<16x1024xf32, #tpu.memory_space<hbm>>
    %dma_start3A_446 = arith.constant 0 : i32
    %dma_start3A_447 = tpu.memref_slice %arg4[%add3A_440, %dma_start3A_446] : memref<8192x2051xf32, #tpu.memory_space<hbm>> -> memref<16x1024xf32, #tpu.memory_space<hbm>>
    %dma_start3A_448 = arith.constant 0 : i32
    %dma_start3A_449 = arith.constant 0 : i32
    %dma_start3A_450 = tpu.memref_slice %arg8[%dma_start3A_448, %dma_start3A_449] : memref<32x1024xf32, #tpu.memory_space<vmem>> -> memref<16x1024xf32, #tpu.memory_space<vmem>>
    tpu.enqueue_dma source(%dma_start3A_450 : memref<16x1024xf32, #tpu.memory_space<vmem>>) target(%dma_start3A_447 : memref<16x1024xf32, #tpu.memory_space<hbm>>) target_semaphore(%arg14 : memref<!tpu.dma_semaphore, #tpu.memory_space<semaphore_mem>>)
    %dma_start3A_451 = arith.constant 16 : i32
    %dma_start3A_452 = arith.constant 0 : i32
    %dma_start3A_453 = tpu.memref_slice %arg8[%dma_start3A_451, %dma_start3A_452] : memref<32x1024xf32, #tpu.memory_space<vmem>> -> memref<16x1024xf32, #tpu.memory_space<vmem>>
    %dma_start3A_454 = arith.constant 1024 : i32
    %dma_start3A_455 = tpu.memref_slice %arg4[%add3A_440, %dma_start3A_454] : memref<8192x2051xf32, #tpu.memory_space<hbm>> -> memref<16x1024xf32, #tpu.memory_space<hbm>>
    %dma_start3A_456 = arith.constant 1024 : i32
    %dma_start3A_457 = tpu.memref_slice %arg4[%add3A_440, %dma_start3A_456] : memref<8192x2051xf32, #tpu.memory_space<hbm>> -> memref<16x1024xf32, #tpu.memory_space<hbm>>
    %dma_start3A_458 = arith.constant 16 : i32
    %dma_start3A_459 = arith.constant 0 : i32
    %dma_start3A_460 = tpu.memref_slice %arg8[%dma_start3A_458, %dma_start3A_459] : memref<32x1024xf32, #tpu.memory_space<vmem>> -> memref<16x1024xf32, #tpu.memory_space<vmem>>
    tpu.enqueue_dma source(%dma_start3A_460 : memref<16x1024xf32, #tpu.memory_space<vmem>>) target(%dma_start3A_457 : memref<16x1024xf32, #tpu.memory_space<hbm>>) target_semaphore(%arg14 : memref<!tpu.dma_semaphore, #tpu.memory_space<semaphore_mem>>)
    %dma_wait3A_461 = arith.constant 0 : i32
    %dma_wait3A_462 = arith.constant 0 : i32
    %dma_wait3A_463 = tpu.memref_slice %arg8[%dma_wait3A_461, %dma_wait3A_462] : memref<32x1024xf32, #tpu.memory_space<vmem>> -> memref<16x1024xf32, #tpu.memory_space<vmem>>
    %dma_wait3A_464 = arith.constant 0 : i32
    %dma_wait3A_465 = tpu.memref_slice %arg4[%add3A_440, %dma_wait3A_464] : memref<8192x2051xf32, #tpu.memory_space<hbm>> -> memref<16x1024xf32, #tpu.memory_space<hbm>>
    %dma_wait3A_466 = arith.constant 0 : i32
    %dma_wait3A_467 = tpu.memref_slice %arg4[%add3A_440, %dma_wait3A_466] : memref<8192x2051xf32, #tpu.memory_space<hbm>> -> memref<16x1024xf32, #tpu.memory_space<hbm>>
    %dma_wait3A_468 = arith.constant 0 : i32
    %dma_wait3A_469 = arith.constant 0 : i32
    %dma_wait3A_470 = tpu.memref_slice %arg8[%dma_wait3A_468, %dma_wait3A_469] : memref<32x1024xf32, #tpu.memory_space<vmem>> -> memref<16x1024xf32, #tpu.memory_space<vmem>>
    tpu.wait_dma2 semaphore(%arg14 : memref<!tpu.dma_semaphore, #tpu.memory_space<semaphore_mem>>) src(%dma_wait3A_470 : memref<16x1024xf32, #tpu.memory_space<vmem>>) dst(%dma_wait3A_467 : memref<16x1024xf32, #tpu.memory_space<hbm>>)
    %dma_wait3A_471 = arith.constant 16 : i32
    %dma_wait3A_472 = arith.constant 0 : i32
    %dma_wait3A_473 = tpu.memref_slice %arg8[%dma_wait3A_471, %dma_wait3A_472] : memref<32x1024xf32, #tpu.memory_space<vmem>> -> memref<16x1024xf32, #tpu.memory_space<vmem>>
    %dma_wait3A_474 = arith.constant 1024 : i32
    %dma_wait3A_475 = tpu.memref_slice %arg4[%add3A_440, %dma_wait3A_474] : memref<8192x2051xf32, #tpu.memory_space<hbm>> -> memref<16x1024xf32, #tpu.memory_space<hbm>>
    %dma_wait3A_476 = arith.constant 1024 : i32
    %dma_wait3A_477 = tpu.memref_slice %arg4[%add3A_440, %dma_wait3A_476] : memref<8192x2051xf32, #tpu.memory_space<hbm>> -> memref<16x1024xf32, #tpu.memory_space<hbm>>
    %dma_wait3A_478 = arith.constant 16 : i32
    %dma_wait3A_479 = arith.constant 0 : i32
    %dma_wait3A_480 = tpu.memref_slice %arg8[%dma_wait3A_478, %dma_wait3A_479] : memref<32x1024xf32, #tpu.memory_space<vmem>> -> memref<16x1024xf32, #tpu.memory_space<vmem>>
    tpu.wait_dma2 semaphore(%arg14 : memref<!tpu.dma_semaphore, #tpu.memory_space<semaphore_mem>>) src(%dma_wait3A_480 : memref<16x1024xf32, #tpu.memory_space<vmem>>) dst(%dma_wait3A_477 : memref<16x1024xf32, #tpu.memory_space<hbm>>)
    %dma_start3A_481 = arith.constant 352 : i32
    %dma_start3A_482 = tpu.memref_slice %arg5[%dma_start3A_481] : memref<512xi32, #tpu.memory_space<vmem>> -> memref<32xi32, #tpu.memory_space<vmem>>
    %dma_start3A_483 = arith.constant 0 : i32
    %dma_start3A_484 = arith.constant 0 : i32
    %dma_start3A_485 = tpu.memref_slice %arg2[%dma_start3A_483, %dma_start3A_484] : memref<32768x1024xf32, #tpu.memory_space<hbm>> -> memref<32768x1024xf32, #tpu.memory_space<hbm>>
    tpu.enqueue_indirect_dma source(%dma_start3A_485 : memref<32768x1024xf32, #tpu.memory_space<hbm>>) target(%arg8 : memref<32x1024xf32, #tpu.memory_space<vmem>>) offsets(%dma_start3A_482 : memref<32xi32, #tpu.memory_space<vmem>>) semaphore(%arg11 : memref<!tpu.dma_semaphore, #tpu.memory_space<semaphore_mem>>)
    %dma_wait3A_486 = arith.constant 288 : i32
    %dma_wait3A_487 = tpu.memref_slice %arg5[%dma_wait3A_486] : memref<512xi32, #tpu.memory_space<vmem>> -> memref<32xi32, #tpu.memory_space<vmem>>
    %dma_wait3A_488 = arith.constant 0 : i32
    %dma_wait3A_489 = arith.constant 0 : i32
    %dma_wait3A_490 = tpu.memref_slice %arg2[%dma_wait3A_488, %dma_wait3A_489] : memref<32768x1024xf32, #tpu.memory_space<hbm>> -> memref<32768x1024xf32, #tpu.memory_space<hbm>>
    tpu.wait_indirect_dma semaphore(%arg9 : memref<!tpu.dma_semaphore, #tpu.memory_space<semaphore_mem>>) src(%dma_wait3A_490 : memref<32768x1024xf32, #tpu.memory_space<hbm>>) dst(%arg6 : memref<32x1024xf32, #tpu.memory_space<vmem>>)
    %add3A_491 = arith.constant 144 : i32
    %add3A_492 = arith.addi %mul3A_2, %add3A_491 : i32
    %dma_start3A_493 = arith.constant 0 : i32
    %dma_start3A_494 = arith.constant 0 : i32
    %dma_start3A_495 = tpu.memref_slice %arg6[%dma_start3A_493, %dma_start3A_494] : memref<32x1024xf32, #tpu.memory_space<vmem>> -> memref<16x1024xf32, #tpu.memory_space<vmem>>
    %dma_start3A_496 = arith.constant 0 : i32
    %dma_start3A_497 = tpu.memref_slice %arg4[%add3A_492, %dma_start3A_496] : memref<8192x2051xf32, #tpu.memory_space<hbm>> -> memref<16x1024xf32, #tpu.memory_space<hbm>>
    %dma_start3A_498 = arith.constant 0 : i32
    %dma_start3A_499 = tpu.memref_slice %arg4[%add3A_492, %dma_start3A_498] : memref<8192x2051xf32, #tpu.memory_space<hbm>> -> memref<16x1024xf32, #tpu.memory_space<hbm>>
    %dma_start3A_500 = arith.constant 0 : i32
    %dma_start3A_501 = arith.constant 0 : i32
    %dma_start3A_502 = tpu.memref_slice %arg6[%dma_start3A_500, %dma_start3A_501] : memref<32x1024xf32, #tpu.memory_space<vmem>> -> memref<16x1024xf32, #tpu.memory_space<vmem>>
    tpu.enqueue_dma source(%dma_start3A_502 : memref<16x1024xf32, #tpu.memory_space<vmem>>) target(%dma_start3A_499 : memref<16x1024xf32, #tpu.memory_space<hbm>>) target_semaphore(%arg12 : memref<!tpu.dma_semaphore, #tpu.memory_space<semaphore_mem>>)
    %dma_start3A_503 = arith.constant 16 : i32
    %dma_start3A_504 = arith.constant 0 : i32
    %dma_start3A_505 = tpu.memref_slice %arg6[%dma_start3A_503, %dma_start3A_504] : memref<32x1024xf32, #tpu.memory_space<vmem>> -> memref<16x1024xf32, #tpu.memory_space<vmem>>
    %dma_start3A_506 = arith.constant 1024 : i32
    %dma_start3A_507 = tpu.memref_slice %arg4[%add3A_492, %dma_start3A_506] : memref<8192x2051xf32, #tpu.memory_space<hbm>> -> memref<16x1024xf32, #tpu.memory_space<hbm>>
    %dma_start3A_508 = arith.constant 1024 : i32
    %dma_start3A_509 = tpu.memref_slice %arg4[%add3A_492, %dma_start3A_508] : memref<8192x2051xf32, #tpu.memory_space<hbm>> -> memref<16x1024xf32, #tpu.memory_space<hbm>>
    %dma_start3A_510 = arith.constant 16 : i32
    %dma_start3A_511 = arith.constant 0 : i32
    %dma_start3A_512 = tpu.memref_slice %arg6[%dma_start3A_510, %dma_start3A_511] : memref<32x1024xf32, #tpu.memory_space<vmem>> -> memref<16x1024xf32, #tpu.memory_space<vmem>>
    tpu.enqueue_dma source(%dma_start3A_512 : memref<16x1024xf32, #tpu.memory_space<vmem>>) target(%dma_start3A_509 : memref<16x1024xf32, #tpu.memory_space<hbm>>) target_semaphore(%arg12 : memref<!tpu.dma_semaphore, #tpu.memory_space<semaphore_mem>>)
    %dma_wait3A_513 = arith.constant 0 : i32
    %dma_wait3A_514 = arith.constant 0 : i32
    %dma_wait3A_515 = tpu.memref_slice %arg6[%dma_wait3A_513, %dma_wait3A_514] : memref<32x1024xf32, #tpu.memory_space<vmem>> -> memref<16x1024xf32, #tpu.memory_space<vmem>>
    %dma_wait3A_516 = arith.constant 0 : i32
    %dma_wait3A_517 = tpu.memref_slice %arg4[%add3A_492, %dma_wait3A_516] : memref<8192x2051xf32, #tpu.memory_space<hbm>> -> memref<16x1024xf32, #tpu.memory_space<hbm>>
    %dma_wait3A_518 = arith.constant 0 : i32
    %dma_wait3A_519 = tpu.memref_slice %arg4[%add3A_492, %dma_wait3A_518] : memref<8192x2051xf32, #tpu.memory_space<hbm>> -> memref<16x1024xf32, #tpu.memory_space<hbm>>
    %dma_wait3A_520 = arith.constant 0 : i32
    %dma_wait3A_521 = arith.constant 0 : i32
    %dma_wait3A_522 = tpu.memref_slice %arg6[%dma_wait3A_520, %dma_wait3A_521] : memref<32x1024xf32, #tpu.memory_space<vmem>> -> memref<16x1024xf32, #tpu.memory_space<vmem>>
    tpu.wait_dma2 semaphore(%arg12 : memref<!tpu.dma_semaphore, #tpu.memory_space<semaphore_mem>>) src(%dma_wait3A_522 : memref<16x1024xf32, #tpu.memory_space<vmem>>) dst(%dma_wait3A_519 : memref<16x1024xf32, #tpu.memory_space<hbm>>)
    %dma_wait3A_523 = arith.constant 16 : i32
    %dma_wait3A_524 = arith.constant 0 : i32
    %dma_wait3A_525 = tpu.memref_slice %arg6[%dma_wait3A_523, %dma_wait3A_524] : memref<32x1024xf32, #tpu.memory_space<vmem>> -> memref<16x1024xf32, #tpu.memory_space<vmem>>
    %dma_wait3A_526 = arith.constant 1024 : i32
    %dma_wait3A_527 = tpu.memref_slice %arg4[%add3A_492, %dma_wait3A_526] : memref<8192x2051xf32, #tpu.memory_space<hbm>> -> memref<16x1024xf32, #tpu.memory_space<hbm>>
    %dma_wait3A_528 = arith.constant 1024 : i32
    %dma_wait3A_529 = tpu.memref_slice %arg4[%add3A_492, %dma_wait3A_528] : memref<8192x2051xf32, #tpu.memory_space<hbm>> -> memref<16x1024xf32, #tpu.memory_space<hbm>>
    %dma_wait3A_530 = arith.constant 16 : i32
    %dma_wait3A_531 = arith.constant 0 : i32
    %dma_wait3A_532 = tpu.memref_slice %arg6[%dma_wait3A_530, %dma_wait3A_531] : memref<32x1024xf32, #tpu.memory_space<vmem>> -> memref<16x1024xf32, #tpu.memory_space<vmem>>
    tpu.wait_dma2 semaphore(%arg12 : memref<!tpu.dma_semaphore, #tpu.memory_space<semaphore_mem>>) src(%dma_wait3A_532 : memref<16x1024xf32, #tpu.memory_space<vmem>>) dst(%dma_wait3A_529 : memref<16x1024xf32, #tpu.memory_space<hbm>>)
    %dma_start3A_533 = arith.constant 384 : i32
    %dma_start3A_534 = tpu.memref_slice %arg5[%dma_start3A_533] : memref<512xi32, #tpu.memory_space<vmem>> -> memref<32xi32, #tpu.memory_space<vmem>>
    %dma_start3A_535 = arith.constant 0 : i32
    %dma_start3A_536 = arith.constant 0 : i32
    %dma_start3A_537 = tpu.memref_slice %arg2[%dma_start3A_535, %dma_start3A_536] : memref<32768x1024xf32, #tpu.memory_space<hbm>> -> memref<32768x1024xf32, #tpu.memory_space<hbm>>
    tpu.enqueue_indirect_dma source(%dma_start3A_537 : memref<32768x1024xf32, #tpu.memory_space<hbm>>) target(%arg6 : memref<32x1024xf32, #tpu.memory_space<vmem>>) offsets(%dma_start3A_534 : memref<32xi32, #tpu.memory_space<vmem>>) semaphore(%arg9 : memref<!tpu.dma_semaphore, #tpu.memory_space<semaphore_mem>>)
    %dma_wait3A_538 = arith.constant 320 : i32
    %dma_wait3A_539 = tpu.memref_slice %arg5[%dma_wait3A_538] : memref<512xi32, #tpu.memory_space<vmem>> -> memref<32xi32, #tpu.memory_space<vmem>>
    %dma_wait3A_540 = arith.constant 0 : i32
    %dma_wait3A_541 = arith.constant 0 : i32
    %dma_wait3A_542 = tpu.memref_slice %arg2[%dma_wait3A_540, %dma_wait3A_541] : memref<32768x1024xf32, #tpu.memory_space<hbm>> -> memref<32768x1024xf32, #tpu.memory_space<hbm>>
    tpu.wait_indirect_dma semaphore(%arg10 : memref<!tpu.dma_semaphore, #tpu.memory_space<semaphore_mem>>) src(%dma_wait3A_542 : memref<32768x1024xf32, #tpu.memory_space<hbm>>) dst(%arg7 : memref<32x1024xf32, #tpu.memory_space<vmem>>)
    %add3A_543 = arith.constant 160 : i32
    %add3A_544 = arith.addi %mul3A_2, %add3A_543 : i32
    %dma_start3A_545 = arith.constant 0 : i32
    %dma_start3A_546 = arith.constant 0 : i32
    %dma_start3A_547 = tpu.memref_slice %arg7[%dma_start3A_545, %dma_start3A_546] : memref<32x1024xf32, #tpu.memory_space<vmem>> -> memref<16x1024xf32, #tpu.memory_space<vmem>>
    %dma_start3A_548 = arith.constant 0 : i32
    %dma_start3A_549 = tpu.memref_slice %arg4[%add3A_544, %dma_start3A_548] : memref<8192x2051xf32, #tpu.memory_space<hbm>> -> memref<16x1024xf32, #tpu.memory_space<hbm>>
    %dma_start3A_550 = arith.constant 0 : i32
    %dma_start3A_551 = tpu.memref_slice %arg4[%add3A_544, %dma_start3A_550] : memref<8192x2051xf32, #tpu.memory_space<hbm>> -> memref<16x1024xf32, #tpu.memory_space<hbm>>
    %dma_start3A_552 = arith.constant 0 : i32
    %dma_start3A_553 = arith.constant 0 : i32
    %dma_start3A_554 = tpu.memref_slice %arg7[%dma_start3A_552, %dma_start3A_553] : memref<32x1024xf32, #tpu.memory_space<vmem>> -> memref<16x1024xf32, #tpu.memory_space<vmem>>
    tpu.enqueue_dma source(%dma_start3A_554 : memref<16x1024xf32, #tpu.memory_space<vmem>>) target(%dma_start3A_551 : memref<16x1024xf32, #tpu.memory_space<hbm>>) target_semaphore(%arg13 : memref<!tpu.dma_semaphore, #tpu.memory_space<semaphore_mem>>)
    %dma_start3A_555 = arith.constant 16 : i32
    %dma_start3A_556 = arith.constant 0 : i32
    %dma_start3A_557 = tpu.memref_slice %arg7[%dma_start3A_555, %dma_start3A_556] : memref<32x1024xf32, #tpu.memory_space<vmem>> -> memref<16x1024xf32, #tpu.memory_space<vmem>>
    %dma_start3A_558 = arith.constant 1024 : i32
    %dma_start3A_559 = tpu.memref_slice %arg4[%add3A_544, %dma_start3A_558] : memref<8192x2051xf32, #tpu.memory_space<hbm>> -> memref<16x1024xf32, #tpu.memory_space<hbm>>
    %dma_start3A_560 = arith.constant 1024 : i32
    %dma_start3A_561 = tpu.memref_slice %arg4[%add3A_544, %dma_start3A_560] : memref<8192x2051xf32, #tpu.memory_space<hbm>> -> memref<16x1024xf32, #tpu.memory_space<hbm>>
    %dma_start3A_562 = arith.constant 16 : i32
    %dma_start3A_563 = arith.constant 0 : i32
    %dma_start3A_564 = tpu.memref_slice %arg7[%dma_start3A_562, %dma_start3A_563] : memref<32x1024xf32, #tpu.memory_space<vmem>> -> memref<16x1024xf32, #tpu.memory_space<vmem>>
    tpu.enqueue_dma source(%dma_start3A_564 : memref<16x1024xf32, #tpu.memory_space<vmem>>) target(%dma_start3A_561 : memref<16x1024xf32, #tpu.memory_space<hbm>>) target_semaphore(%arg13 : memref<!tpu.dma_semaphore, #tpu.memory_space<semaphore_mem>>)
    %dma_wait3A_565 = arith.constant 0 : i32
    %dma_wait3A_566 = arith.constant 0 : i32
    %dma_wait3A_567 = tpu.memref_slice %arg7[%dma_wait3A_565, %dma_wait3A_566] : memref<32x1024xf32, #tpu.memory_space<vmem>> -> memref<16x1024xf32, #tpu.memory_space<vmem>>
    %dma_wait3A_568 = arith.constant 0 : i32
    %dma_wait3A_569 = tpu.memref_slice %arg4[%add3A_544, %dma_wait3A_568] : memref<8192x2051xf32, #tpu.memory_space<hbm>> -> memref<16x1024xf32, #tpu.memory_space<hbm>>
    %dma_wait3A_570 = arith.constant 0 : i32
    %dma_wait3A_571 = tpu.memref_slice %arg4[%add3A_544, %dma_wait3A_570] : memref<8192x2051xf32, #tpu.memory_space<hbm>> -> memref<16x1024xf32, #tpu.memory_space<hbm>>
    %dma_wait3A_572 = arith.constant 0 : i32
    %dma_wait3A_573 = arith.constant 0 : i32
    %dma_wait3A_574 = tpu.memref_slice %arg7[%dma_wait3A_572, %dma_wait3A_573] : memref<32x1024xf32, #tpu.memory_space<vmem>> -> memref<16x1024xf32, #tpu.memory_space<vmem>>
    tpu.wait_dma2 semaphore(%arg13 : memref<!tpu.dma_semaphore, #tpu.memory_space<semaphore_mem>>) src(%dma_wait3A_574 : memref<16x1024xf32, #tpu.memory_space<vmem>>) dst(%dma_wait3A_571 : memref<16x1024xf32, #tpu.memory_space<hbm>>)
    %dma_wait3A_575 = arith.constant 16 : i32
    %dma_wait3A_576 = arith.constant 0 : i32
    %dma_wait3A_577 = tpu.memref_slice %arg7[%dma_wait3A_575, %dma_wait3A_576] : memref<32x1024xf32, #tpu.memory_space<vmem>> -> memref<16x1024xf32, #tpu.memory_space<vmem>>
    %dma_wait3A_578 = arith.constant 1024 : i32
    %dma_wait3A_579 = tpu.memref_slice %arg4[%add3A_544, %dma_wait3A_578] : memref<8192x2051xf32, #tpu.memory_space<hbm>> -> memref<16x1024xf32, #tpu.memory_space<hbm>>
    %dma_wait3A_580 = arith.constant 1024 : i32
    %dma_wait3A_581 = tpu.memref_slice %arg4[%add3A_544, %dma_wait3A_580] : memref<8192x2051xf32, #tpu.memory_space<hbm>> -> memref<16x1024xf32, #tpu.memory_space<hbm>>
    %dma_wait3A_582 = arith.constant 16 : i32
    %dma_wait3A_583 = arith.constant 0 : i32
    %dma_wait3A_584 = tpu.memref_slice %arg7[%dma_wait3A_582, %dma_wait3A_583] : memref<32x1024xf32, #tpu.memory_space<vmem>> -> memref<16x1024xf32, #tpu.memory_space<vmem>>
    tpu.wait_dma2 semaphore(%arg13 : memref<!tpu.dma_semaphore, #tpu.memory_space<semaphore_mem>>) src(%dma_wait3A_584 : memref<16x1024xf32, #tpu.memory_space<vmem>>) dst(%dma_wait3A_581 : memref<16x1024xf32, #tpu.memory_space<hbm>>)
    %dma_start3A_585 = arith.constant 416 : i32
    %dma_start3A_586 = tpu.memref_slice %arg5[%dma_start3A_585] : memref<512xi32, #tpu.memory_space<vmem>> -> memref<32xi32, #tpu.memory_space<vmem>>
    %dma_start3A_587 = arith.constant 0 : i32
    %dma_start3A_588 = arith.constant 0 : i32
    %dma_start3A_589 = tpu.memref_slice %arg2[%dma_start3A_587, %dma_start3A_588] : memref<32768x1024xf32, #tpu.memory_space<hbm>> -> memref<32768x1024xf32, #tpu.memory_space<hbm>>
    tpu.enqueue_indirect_dma source(%dma_start3A_589 : memref<32768x1024xf32, #tpu.memory_space<hbm>>) target(%arg7 : memref<32x1024xf32, #tpu.memory_space<vmem>>) offsets(%dma_start3A_586 : memref<32xi32, #tpu.memory_space<vmem>>) semaphore(%arg10 : memref<!tpu.dma_semaphore, #tpu.memory_space<semaphore_mem>>)
    %dma_wait3A_590 = arith.constant 352 : i32
    %dma_wait3A_591 = tpu.memref_slice %arg5[%dma_wait3A_590] : memref<512xi32, #tpu.memory_space<vmem>> -> memref<32xi32, #tpu.memory_space<vmem>>
    %dma_wait3A_592 = arith.constant 0 : i32
    %dma_wait3A_593 = arith.constant 0 : i32
    %dma_wait3A_594 = tpu.memref_slice %arg2[%dma_wait3A_592, %dma_wait3A_593] : memref<32768x1024xf32, #tpu.memory_space<hbm>> -> memref<32768x1024xf32, #tpu.memory_space<hbm>>
    tpu.wait_indirect_dma semaphore(%arg11 : memref<!tpu.dma_semaphore, #tpu.memory_space<semaphore_mem>>) src(%dma_wait3A_594 : memref<32768x1024xf32, #tpu.memory_space<hbm>>) dst(%arg8 : memref<32x1024xf32, #tpu.memory_space<vmem>>)
    %add3A_595 = arith.constant 176 : i32
    %add3A_596 = arith.addi %mul3A_2, %add3A_595 : i32
    %dma_start3A_597 = arith.constant 0 : i32
    %dma_start3A_598 = arith.constant 0 : i32
    %dma_start3A_599 = tpu.memref_slice %arg8[%dma_start3A_597, %dma_start3A_598] : memref<32x1024xf32, #tpu.memory_space<vmem>> -> memref<16x1024xf32, #tpu.memory_space<vmem>>
    %dma_start3A_600 = arith.constant 0 : i32
    %dma_start3A_601 = tpu.memref_slice %arg4[%add3A_596, %dma_start3A_600] : memref<8192x2051xf32, #tpu.memory_space<hbm>> -> memref<16x1024xf32, #tpu.memory_space<hbm>>
    %dma_start3A_602 = arith.constant 0 : i32
    %dma_start3A_603 = tpu.memref_slice %arg4[%add3A_596, %dma_start3A_602] : memref<8192x2051xf32, #tpu.memory_space<hbm>> -> memref<16x1024xf32, #tpu.memory_space<hbm>>
    %dma_start3A_604 = arith.constant 0 : i32
    %dma_start3A_605 = arith.constant 0 : i32
    %dma_start3A_606 = tpu.memref_slice %arg8[%dma_start3A_604, %dma_start3A_605] : memref<32x1024xf32, #tpu.memory_space<vmem>> -> memref<16x1024xf32, #tpu.memory_space<vmem>>
    tpu.enqueue_dma source(%dma_start3A_606 : memref<16x1024xf32, #tpu.memory_space<vmem>>) target(%dma_start3A_603 : memref<16x1024xf32, #tpu.memory_space<hbm>>) target_semaphore(%arg14 : memref<!tpu.dma_semaphore, #tpu.memory_space<semaphore_mem>>)
    %dma_start3A_607 = arith.constant 16 : i32
    %dma_start3A_608 = arith.constant 0 : i32
    %dma_start3A_609 = tpu.memref_slice %arg8[%dma_start3A_607, %dma_start3A_608] : memref<32x1024xf32, #tpu.memory_space<vmem>> -> memref<16x1024xf32, #tpu.memory_space<vmem>>
    %dma_start3A_610 = arith.constant 1024 : i32
    %dma_start3A_611 = tpu.memref_slice %arg4[%add3A_596, %dma_start3A_610] : memref<8192x2051xf32, #tpu.memory_space<hbm>> -> memref<16x1024xf32, #tpu.memory_space<hbm>>
    %dma_start3A_612 = arith.constant 1024 : i32
    %dma_start3A_613 = tpu.memref_slice %arg4[%add3A_596, %dma_start3A_612] : memref<8192x2051xf32, #tpu.memory_space<hbm>> -> memref<16x1024xf32, #tpu.memory_space<hbm>>
    %dma_start3A_614 = arith.constant 16 : i32
    %dma_start3A_615 = arith.constant 0 : i32
    %dma_start3A_616 = tpu.memref_slice %arg8[%dma_start3A_614, %dma_start3A_615] : memref<32x1024xf32, #tpu.memory_space<vmem>> -> memref<16x1024xf32, #tpu.memory_space<vmem>>
    tpu.enqueue_dma source(%dma_start3A_616 : memref<16x1024xf32, #tpu.memory_space<vmem>>) target(%dma_start3A_613 : memref<16x1024xf32, #tpu.memory_space<hbm>>) target_semaphore(%arg14 : memref<!tpu.dma_semaphore, #tpu.memory_space<semaphore_mem>>)
    %dma_wait3A_617 = arith.constant 0 : i32
    %dma_wait3A_618 = arith.constant 0 : i32
    %dma_wait3A_619 = tpu.memref_slice %arg8[%dma_wait3A_617, %dma_wait3A_618] : memref<32x1024xf32, #tpu.memory_space<vmem>> -> memref<16x1024xf32, #tpu.memory_space<vmem>>
    %dma_wait3A_620 = arith.constant 0 : i32
    %dma_wait3A_621 = tpu.memref_slice %arg4[%add3A_596, %dma_wait3A_620] : memref<8192x2051xf32, #tpu.memory_space<hbm>> -> memref<16x1024xf32, #tpu.memory_space<hbm>>
    %dma_wait3A_622 = arith.constant 0 : i32
    %dma_wait3A_623 = tpu.memref_slice %arg4[%add3A_596, %dma_wait3A_622] : memref<8192x2051xf32, #tpu.memory_space<hbm>> -> memref<16x1024xf32, #tpu.memory_space<hbm>>
    %dma_wait3A_624 = arith.constant 0 : i32
    %dma_wait3A_625 = arith.constant 0 : i32
    %dma_wait3A_626 = tpu.memref_slice %arg8[%dma_wait3A_624, %dma_wait3A_625] : memref<32x1024xf32, #tpu.memory_space<vmem>> -> memref<16x1024xf32, #tpu.memory_space<vmem>>
    tpu.wait_dma2 semaphore(%arg14 : memref<!tpu.dma_semaphore, #tpu.memory_space<semaphore_mem>>) src(%dma_wait3A_626 : memref<16x1024xf32, #tpu.memory_space<vmem>>) dst(%dma_wait3A_623 : memref<16x1024xf32, #tpu.memory_space<hbm>>)
    %dma_wait3A_627 = arith.constant 16 : i32
    %dma_wait3A_628 = arith.constant 0 : i32
    %dma_wait3A_629 = tpu.memref_slice %arg8[%dma_wait3A_627, %dma_wait3A_628] : memref<32x1024xf32, #tpu.memory_space<vmem>> -> memref<16x1024xf32, #tpu.memory_space<vmem>>
    %dma_wait3A_630 = arith.constant 1024 : i32
    %dma_wait3A_631 = tpu.memref_slice %arg4[%add3A_596, %dma_wait3A_630] : memref<8192x2051xf32, #tpu.memory_space<hbm>> -> memref<16x1024xf32, #tpu.memory_space<hbm>>
    %dma_wait3A_632 = arith.constant 1024 : i32
    %dma_wait3A_633 = tpu.memref_slice %arg4[%add3A_596, %dma_wait3A_632] : memref<8192x2051xf32, #tpu.memory_space<hbm>> -> memref<16x1024xf32, #tpu.memory_space<hbm>>
    %dma_wait3A_634 = arith.constant 16 : i32
    %dma_wait3A_635 = arith.constant 0 : i32
    %dma_wait3A_636 = tpu.memref_slice %arg8[%dma_wait3A_634, %dma_wait3A_635] : memref<32x1024xf32, #tpu.memory_space<vmem>> -> memref<16x1024xf32, #tpu.memory_space<vmem>>
    tpu.wait_dma2 semaphore(%arg14 : memref<!tpu.dma_semaphore, #tpu.memory_space<semaphore_mem>>) src(%dma_wait3A_636 : memref<16x1024xf32, #tpu.memory_space<vmem>>) dst(%dma_wait3A_633 : memref<16x1024xf32, #tpu.memory_space<hbm>>)
    %dma_start3A_637 = arith.constant 448 : i32
    %dma_start3A_638 = tpu.memref_slice %arg5[%dma_start3A_637] : memref<512xi32, #tpu.memory_space<vmem>> -> memref<32xi32, #tpu.memory_space<vmem>>
    %dma_start3A_639 = arith.constant 0 : i32
    %dma_start3A_640 = arith.constant 0 : i32
    %dma_start3A_641 = tpu.memref_slice %arg2[%dma_start3A_639, %dma_start3A_640] : memref<32768x1024xf32, #tpu.memory_space<hbm>> -> memref<32768x1024xf32, #tpu.memory_space<hbm>>
    tpu.enqueue_indirect_dma source(%dma_start3A_641 : memref<32768x1024xf32, #tpu.memory_space<hbm>>) target(%arg8 : memref<32x1024xf32, #tpu.memory_space<vmem>>) offsets(%dma_start3A_638 : memref<32xi32, #tpu.memory_space<vmem>>) semaphore(%arg11 : memref<!tpu.dma_semaphore, #tpu.memory_space<semaphore_mem>>)
    %dma_wait3A_642 = arith.constant 384 : i32
    %dma_wait3A_643 = tpu.memref_slice %arg5[%dma_wait3A_642] : memref<512xi32, #tpu.memory_space<vmem>> -> memref<32xi32, #tpu.memory_space<vmem>>
    %dma_wait3A_644 = arith.constant 0 : i32
    %dma_wait3A_645 = arith.constant 0 : i32
    %dma_wait3A_646 = tpu.memref_slice %arg2[%dma_wait3A_644, %dma_wait3A_645] : memref<32768x1024xf32, #tpu.memory_space<hbm>> -> memref<32768x1024xf32, #tpu.memory_space<hbm>>
    tpu.wait_indirect_dma semaphore(%arg9 : memref<!tpu.dma_semaphore, #tpu.memory_space<semaphore_mem>>) src(%dma_wait3A_646 : memref<32768x1024xf32, #tpu.memory_space<hbm>>) dst(%arg6 : memref<32x1024xf32, #tpu.memory_space<vmem>>)
    %add3A_647 = arith.constant 192 : i32
    %add3A_648 = arith.addi %mul3A_2, %add3A_647 : i32
    %dma_start3A_649 = arith.constant 0 : i32
    %dma_start3A_650 = arith.constant 0 : i32
    %dma_start3A_651 = tpu.memref_slice %arg6[%dma_start3A_649, %dma_start3A_650] : memref<32x1024xf32, #tpu.memory_space<vmem>> -> memref<16x1024xf32, #tpu.memory_space<vmem>>
    %dma_start3A_652 = arith.constant 0 : i32
    %dma_start3A_653 = tpu.memref_slice %arg4[%add3A_648, %dma_start3A_652] : memref<8192x2051xf32, #tpu.memory_space<hbm>> -> memref<16x1024xf32, #tpu.memory_space<hbm>>
    %dma_start3A_654 = arith.constant 0 : i32
    %dma_start3A_655 = tpu.memref_slice %arg4[%add3A_648, %dma_start3A_654] : memref<8192x2051xf32, #tpu.memory_space<hbm>> -> memref<16x1024xf32, #tpu.memory_space<hbm>>
    %dma_start3A_656 = arith.constant 0 : i32
    %dma_start3A_657 = arith.constant 0 : i32
    %dma_start3A_658 = tpu.memref_slice %arg6[%dma_start3A_656, %dma_start3A_657] : memref<32x1024xf32, #tpu.memory_space<vmem>> -> memref<16x1024xf32, #tpu.memory_space<vmem>>
    tpu.enqueue_dma source(%dma_start3A_658 : memref<16x1024xf32, #tpu.memory_space<vmem>>) target(%dma_start3A_655 : memref<16x1024xf32, #tpu.memory_space<hbm>>) target_semaphore(%arg12 : memref<!tpu.dma_semaphore, #tpu.memory_space<semaphore_mem>>)
    %dma_start3A_659 = arith.constant 16 : i32
    %dma_start3A_660 = arith.constant 0 : i32
    %dma_start3A_661 = tpu.memref_slice %arg6[%dma_start3A_659, %dma_start3A_660] : memref<32x1024xf32, #tpu.memory_space<vmem>> -> memref<16x1024xf32, #tpu.memory_space<vmem>>
    %dma_start3A_662 = arith.constant 1024 : i32
    %dma_start3A_663 = tpu.memref_slice %arg4[%add3A_648, %dma_start3A_662] : memref<8192x2051xf32, #tpu.memory_space<hbm>> -> memref<16x1024xf32, #tpu.memory_space<hbm>>
    %dma_start3A_664 = arith.constant 1024 : i32
    %dma_start3A_665 = tpu.memref_slice %arg4[%add3A_648, %dma_start3A_664] : memref<8192x2051xf32, #tpu.memory_space<hbm>> -> memref<16x1024xf32, #tpu.memory_space<hbm>>
    %dma_start3A_666 = arith.constant 16 : i32
    %dma_start3A_667 = arith.constant 0 : i32
    %dma_start3A_668 = tpu.memref_slice %arg6[%dma_start3A_666, %dma_start3A_667] : memref<32x1024xf32, #tpu.memory_space<vmem>> -> memref<16x1024xf32, #tpu.memory_space<vmem>>
    tpu.enqueue_dma source(%dma_start3A_668 : memref<16x1024xf32, #tpu.memory_space<vmem>>) target(%dma_start3A_665 : memref<16x1024xf32, #tpu.memory_space<hbm>>) target_semaphore(%arg12 : memref<!tpu.dma_semaphore, #tpu.memory_space<semaphore_mem>>)
    %dma_wait3A_669 = arith.constant 0 : i32
    %dma_wait3A_670 = arith.constant 0 : i32
    %dma_wait3A_671 = tpu.memref_slice %arg6[%dma_wait3A_669, %dma_wait3A_670] : memref<32x1024xf32, #tpu.memory_space<vmem>> -> memref<16x1024xf32, #tpu.memory_space<vmem>>
    %dma_wait3A_672 = arith.constant 0 : i32
    %dma_wait3A_673 = tpu.memref_slice %arg4[%add3A_648, %dma_wait3A_672] : memref<8192x2051xf32, #tpu.memory_space<hbm>> -> memref<16x1024xf32, #tpu.memory_space<hbm>>
    %dma_wait3A_674 = arith.constant 0 : i32
    %dma_wait3A_675 = tpu.memref_slice %arg4[%add3A_648, %dma_wait3A_674] : memref<8192x2051xf32, #tpu.memory_space<hbm>> -> memref<16x1024xf32, #tpu.memory_space<hbm>>
    %dma_wait3A_676 = arith.constant 0 : i32
    %dma_wait3A_677 = arith.constant 0 : i32
    %dma_wait3A_678 = tpu.memref_slice %arg6[%dma_wait3A_676, %dma_wait3A_677] : memref<32x1024xf32, #tpu.memory_space<vmem>> -> memref<16x1024xf32, #tpu.memory_space<vmem>>
    tpu.wait_dma2 semaphore(%arg12 : memref<!tpu.dma_semaphore, #tpu.memory_space<semaphore_mem>>) src(%dma_wait3A_678 : memref<16x1024xf32, #tpu.memory_space<vmem>>) dst(%dma_wait3A_675 : memref<16x1024xf32, #tpu.memory_space<hbm>>)
    %dma_wait3A_679 = arith.constant 16 : i32
    %dma_wait3A_680 = arith.constant 0 : i32
    %dma_wait3A_681 = tpu.memref_slice %arg6[%dma_wait3A_679, %dma_wait3A_680] : memref<32x1024xf32, #tpu.memory_space<vmem>> -> memref<16x1024xf32, #tpu.memory_space<vmem>>
    %dma_wait3A_682 = arith.constant 1024 : i32
    %dma_wait3A_683 = tpu.memref_slice %arg4[%add3A_648, %dma_wait3A_682] : memref<8192x2051xf32, #tpu.memory_space<hbm>> -> memref<16x1024xf32, #tpu.memory_space<hbm>>
    %dma_wait3A_684 = arith.constant 1024 : i32
    %dma_wait3A_685 = tpu.memref_slice %arg4[%add3A_648, %dma_wait3A_684] : memref<8192x2051xf32, #tpu.memory_space<hbm>> -> memref<16x1024xf32, #tpu.memory_space<hbm>>
    %dma_wait3A_686 = arith.constant 16 : i32
    %dma_wait3A_687 = arith.constant 0 : i32
    %dma_wait3A_688 = tpu.memref_slice %arg6[%dma_wait3A_686, %dma_wait3A_687] : memref<32x1024xf32, #tpu.memory_space<vmem>> -> memref<16x1024xf32, #tpu.memory_space<vmem>>
    tpu.wait_dma2 semaphore(%arg12 : memref<!tpu.dma_semaphore, #tpu.memory_space<semaphore_mem>>) src(%dma_wait3A_688 : memref<16x1024xf32, #tpu.memory_space<vmem>>) dst(%dma_wait3A_685 : memref<16x1024xf32, #tpu.memory_space<hbm>>)
    %dma_start3A_689 = arith.constant 480 : i32
    %dma_start3A_690 = tpu.memref_slice %arg5[%dma_start3A_689] : memref<512xi32, #tpu.memory_space<vmem>> -> memref<32xi32, #tpu.memory_space<vmem>>
    %dma_start3A_691 = arith.constant 0 : i32
    %dma_start3A_692 = arith.constant 0 : i32
    %dma_start3A_693 = tpu.memref_slice %arg2[%dma_start3A_691, %dma_start3A_692] : memref<32768x1024xf32, #tpu.memory_space<hbm>> -> memref<32768x1024xf32, #tpu.memory_space<hbm>>
    tpu.enqueue_indirect_dma source(%dma_start3A_693 : memref<32768x1024xf32, #tpu.memory_space<hbm>>) target(%arg6 : memref<32x1024xf32, #tpu.memory_space<vmem>>) offsets(%dma_start3A_690 : memref<32xi32, #tpu.memory_space<vmem>>) semaphore(%arg9 : memref<!tpu.dma_semaphore, #tpu.memory_space<semaphore_mem>>)
    %dma_wait3A_694 = arith.constant 416 : i32
    %dma_wait3A_695 = tpu.memref_slice %arg5[%dma_wait3A_694] : memref<512xi32, #tpu.memory_space<vmem>> -> memref<32xi32, #tpu.memory_space<vmem>>
    %dma_wait3A_696 = arith.constant 0 : i32
    %dma_wait3A_697 = arith.constant 0 : i32
    %dma_wait3A_698 = tpu.memref_slice %arg2[%dma_wait3A_696, %dma_wait3A_697] : memref<32768x1024xf32, #tpu.memory_space<hbm>> -> memref<32768x1024xf32, #tpu.memory_space<hbm>>
    tpu.wait_indirect_dma semaphore(%arg10 : memref<!tpu.dma_semaphore, #tpu.memory_space<semaphore_mem>>) src(%dma_wait3A_698 : memref<32768x1024xf32, #tpu.memory_space<hbm>>) dst(%arg7 : memref<32x1024xf32, #tpu.memory_space<vmem>>)
    %add3A_699 = arith.constant 208 : i32
    %add3A_700 = arith.addi %mul3A_2, %add3A_699 : i32
    %dma_start3A_701 = arith.constant 0 : i32
    %dma_start3A_702 = arith.constant 0 : i32
    %dma_start3A_703 = tpu.memref_slice %arg7[%dma_start3A_701, %dma_start3A_702] : memref<32x1024xf32, #tpu.memory_space<vmem>> -> memref<16x1024xf32, #tpu.memory_space<vmem>>
    %dma_start3A_704 = arith.constant 0 : i32
    %dma_start3A_705 = tpu.memref_slice %arg4[%add3A_700, %dma_start3A_704] : memref<8192x2051xf32, #tpu.memory_space<hbm>> -> memref<16x1024xf32, #tpu.memory_space<hbm>>
    %dma_start3A_706 = arith.constant 0 : i32
    %dma_start3A_707 = tpu.memref_slice %arg4[%add3A_700, %dma_start3A_706] : memref<8192x2051xf32, #tpu.memory_space<hbm>> -> memref<16x1024xf32, #tpu.memory_space<hbm>>
    %dma_start3A_708 = arith.constant 0 : i32
    %dma_start3A_709 = arith.constant 0 : i32
    %dma_start3A_710 = tpu.memref_slice %arg7[%dma_start3A_708, %dma_start3A_709] : memref<32x1024xf32, #tpu.memory_space<vmem>> -> memref<16x1024xf32, #tpu.memory_space<vmem>>
    tpu.enqueue_dma source(%dma_start3A_710 : memref<16x1024xf32, #tpu.memory_space<vmem>>) target(%dma_start3A_707 : memref<16x1024xf32, #tpu.memory_space<hbm>>) target_semaphore(%arg13 : memref<!tpu.dma_semaphore, #tpu.memory_space<semaphore_mem>>)
    %dma_start3A_711 = arith.constant 16 : i32
    %dma_start3A_712 = arith.constant 0 : i32
    %dma_start3A_713 = tpu.memref_slice %arg7[%dma_start3A_711, %dma_start3A_712] : memref<32x1024xf32, #tpu.memory_space<vmem>> -> memref<16x1024xf32, #tpu.memory_space<vmem>>
    %dma_start3A_714 = arith.constant 1024 : i32
    %dma_start3A_715 = tpu.memref_slice %arg4[%add3A_700, %dma_start3A_714] : memref<8192x2051xf32, #tpu.memory_space<hbm>> -> memref<16x1024xf32, #tpu.memory_space<hbm>>
    %dma_start3A_716 = arith.constant 1024 : i32
    %dma_start3A_717 = tpu.memref_slice %arg4[%add3A_700, %dma_start3A_716] : memref<8192x2051xf32, #tpu.memory_space<hbm>> -> memref<16x1024xf32, #tpu.memory_space<hbm>>
    %dma_start3A_718 = arith.constant 16 : i32
    %dma_start3A_719 = arith.constant 0 : i32
    %dma_start3A_720 = tpu.memref_slice %arg7[%dma_start3A_718, %dma_start3A_719] : memref<32x1024xf32, #tpu.memory_space<vmem>> -> memref<16x1024xf32, #tpu.memory_space<vmem>>
    tpu.enqueue_dma source(%dma_start3A_720 : memref<16x1024xf32, #tpu.memory_space<vmem>>) target(%dma_start3A_717 : memref<16x1024xf32, #tpu.memory_space<hbm>>) target_semaphore(%arg13 : memref<!tpu.dma_semaphore, #tpu.memory_space<semaphore_mem>>)
    %dma_wait3A_721 = arith.constant 448 : i32
    %dma_wait3A_722 = tpu.memref_slice %arg5[%dma_wait3A_721] : memref<512xi32, #tpu.memory_space<vmem>> -> memref<32xi32, #tpu.memory_space<vmem>>
    %dma_wait3A_723 = arith.constant 0 : i32
    %dma_wait3A_724 = arith.constant 0 : i32
    %dma_wait3A_725 = tpu.memref_slice %arg2[%dma_wait3A_723, %dma_wait3A_724] : memref<32768x1024xf32, #tpu.memory_space<hbm>> -> memref<32768x1024xf32, #tpu.memory_space<hbm>>
    tpu.wait_indirect_dma semaphore(%arg11 : memref<!tpu.dma_semaphore, #tpu.memory_space<semaphore_mem>>) src(%dma_wait3A_725 : memref<32768x1024xf32, #tpu.memory_space<hbm>>) dst(%arg8 : memref<32x1024xf32, #tpu.memory_space<vmem>>)
    %add3A_726 = arith.constant 224 : i32
    %add3A_727 = arith.addi %mul3A_2, %add3A_726 : i32
    %dma_start3A_728 = arith.constant 0 : i32
    %dma_start3A_729 = arith.constant 0 : i32
    %dma_start3A_730 = tpu.memref_slice %arg8[%dma_start3A_728, %dma_start3A_729] : memref<32x1024xf32, #tpu.memory_space<vmem>> -> memref<16x1024xf32, #tpu.memory_space<vmem>>
    %dma_start3A_731 = arith.constant 0 : i32
    %dma_start3A_732 = tpu.memref_slice %arg4[%add3A_727, %dma_start3A_731] : memref<8192x2051xf32, #tpu.memory_space<hbm>> -> memref<16x1024xf32, #tpu.memory_space<hbm>>
    %dma_start3A_733 = arith.constant 0 : i32
    %dma_start3A_734 = tpu.memref_slice %arg4[%add3A_727, %dma_start3A_733] : memref<8192x2051xf32, #tpu.memory_space<hbm>> -> memref<16x1024xf32, #tpu.memory_space<hbm>>
    %dma_start3A_735 = arith.constant 0 : i32
    %dma_start3A_736 = arith.constant 0 : i32
    %dma_start3A_737 = tpu.memref_slice %arg8[%dma_start3A_735, %dma_start3A_736] : memref<32x1024xf32, #tpu.memory_space<vmem>> -> memref<16x1024xf32, #tpu.memory_space<vmem>>
    tpu.enqueue_dma source(%dma_start3A_737 : memref<16x1024xf32, #tpu.memory_space<vmem>>) target(%dma_start3A_734 : memref<16x1024xf32, #tpu.memory_space<hbm>>) target_semaphore(%arg14 : memref<!tpu.dma_semaphore, #tpu.memory_space<semaphore_mem>>)
    %dma_start3A_738 = arith.constant 16 : i32
    %dma_start3A_739 = arith.constant 0 : i32
    %dma_start3A_740 = tpu.memref_slice %arg8[%dma_start3A_738, %dma_start3A_739] : memref<32x1024xf32, #tpu.memory_space<vmem>> -> memref<16x1024xf32, #tpu.memory_space<vmem>>
    %dma_start3A_741 = arith.constant 1024 : i32
    %dma_start3A_742 = tpu.memref_slice %arg4[%add3A_727, %dma_start3A_741] : memref<8192x2051xf32, #tpu.memory_space<hbm>> -> memref<16x1024xf32, #tpu.memory_space<hbm>>
    %dma_start3A_743 = arith.constant 1024 : i32
    %dma_start3A_744 = tpu.memref_slice %arg4[%add3A_727, %dma_start3A_743] : memref<8192x2051xf32, #tpu.memory_space<hbm>> -> memref<16x1024xf32, #tpu.memory_space<hbm>>
    %dma_start3A_745 = arith.constant 16 : i32
    %dma_start3A_746 = arith.constant 0 : i32
    %dma_start3A_747 = tpu.memref_slice %arg8[%dma_start3A_745, %dma_start3A_746] : memref<32x1024xf32, #tpu.memory_space<vmem>> -> memref<16x1024xf32, #tpu.memory_space<vmem>>
    tpu.enqueue_dma source(%dma_start3A_747 : memref<16x1024xf32, #tpu.memory_space<vmem>>) target(%dma_start3A_744 : memref<16x1024xf32, #tpu.memory_space<hbm>>) target_semaphore(%arg14 : memref<!tpu.dma_semaphore, #tpu.memory_space<semaphore_mem>>)
    %dma_wait3A_748 = arith.constant 480 : i32
    %dma_wait3A_749 = tpu.memref_slice %arg5[%dma_wait3A_748] : memref<512xi32, #tpu.memory_space<vmem>> -> memref<32xi32, #tpu.memory_space<vmem>>
    %dma_wait3A_750 = arith.constant 0 : i32
    %dma_wait3A_751 = arith.constant 0 : i32
    %dma_wait3A_752 = tpu.memref_slice %arg2[%dma_wait3A_750, %dma_wait3A_751] : memref<32768x1024xf32, #tpu.memory_space<hbm>> -> memref<32768x1024xf32, #tpu.memory_space<hbm>>
    tpu.wait_indirect_dma semaphore(%arg9 : memref<!tpu.dma_semaphore, #tpu.memory_space<semaphore_mem>>) src(%dma_wait3A_752 : memref<32768x1024xf32, #tpu.memory_space<hbm>>) dst(%arg6 : memref<32x1024xf32, #tpu.memory_space<vmem>>)
    %add3A_753 = arith.constant 240 : i32
    %add3A_754 = arith.addi %mul3A_2, %add3A_753 : i32
    %dma_start3A_755 = arith.constant 0 : i32
    %dma_start3A_756 = arith.constant 0 : i32
    %dma_start3A_757 = tpu.memref_slice %arg6[%dma_start3A_755, %dma_start3A_756] : memref<32x1024xf32, #tpu.memory_space<vmem>> -> memref<16x1024xf32, #tpu.memory_space<vmem>>
    %dma_start3A_758 = arith.constant 0 : i32
    %dma_start3A_759 = tpu.memref_slice %arg4[%add3A_754, %dma_start3A_758] : memref<8192x2051xf32, #tpu.memory_space<hbm>> -> memref<16x1024xf32, #tpu.memory_space<hbm>>
    %dma_start3A_760 = arith.constant 0 : i32
    %dma_start3A_761 = tpu.memref_slice %arg4[%add3A_754, %dma_start3A_760] : memref<8192x2051xf32, #tpu.memory_space<hbm>> -> memref<16x1024xf32, #tpu.memory_space<hbm>>
    %dma_start3A_762 = arith.constant 0 : i32
    %dma_start3A_763 = arith.constant 0 : i32
    %dma_start3A_764 = tpu.memref_slice %arg6[%dma_start3A_762, %dma_start3A_763] : memref<32x1024xf32, #tpu.memory_space<vmem>> -> memref<16x1024xf32, #tpu.memory_space<vmem>>
    tpu.enqueue_dma source(%dma_start3A_764 : memref<16x1024xf32, #tpu.memory_space<vmem>>) target(%dma_start3A_761 : memref<16x1024xf32, #tpu.memory_space<hbm>>) target_semaphore(%arg12 : memref<!tpu.dma_semaphore, #tpu.memory_space<semaphore_mem>>)
    %dma_start3A_765 = arith.constant 16 : i32
    %dma_start3A_766 = arith.constant 0 : i32
    %dma_start3A_767 = tpu.memref_slice %arg6[%dma_start3A_765, %dma_start3A_766] : memref<32x1024xf32, #tpu.memory_space<vmem>> -> memref<16x1024xf32, #tpu.memory_space<vmem>>
    %dma_start3A_768 = arith.constant 1024 : i32
    %dma_start3A_769 = tpu.memref_slice %arg4[%add3A_754, %dma_start3A_768] : memref<8192x2051xf32, #tpu.memory_space<hbm>> -> memref<16x1024xf32, #tpu.memory_space<hbm>>
    %dma_start3A_770 = arith.constant 1024 : i32
    %dma_start3A_771 = tpu.memref_slice %arg4[%add3A_754, %dma_start3A_770] : memref<8192x2051xf32, #tpu.memory_space<hbm>> -> memref<16x1024xf32, #tpu.memory_space<hbm>>
    %dma_start3A_772 = arith.constant 16 : i32
    %dma_start3A_773 = arith.constant 0 : i32
    %dma_start3A_774 = tpu.memref_slice %arg6[%dma_start3A_772, %dma_start3A_773] : memref<32x1024xf32, #tpu.memory_space<vmem>> -> memref<16x1024xf32, #tpu.memory_space<vmem>>
    tpu.enqueue_dma source(%dma_start3A_774 : memref<16x1024xf32, #tpu.memory_space<vmem>>) target(%dma_start3A_771 : memref<16x1024xf32, #tpu.memory_space<hbm>>) target_semaphore(%arg12 : memref<!tpu.dma_semaphore, #tpu.memory_space<semaphore_mem>>)
    %dma_wait3A_775 = arith.constant 0 : i32
    %dma_wait3A_776 = arith.constant 0 : i32
    %dma_wait3A_777 = tpu.memref_slice %arg7[%dma_wait3A_775, %dma_wait3A_776] : memref<32x1024xf32, #tpu.memory_space<vmem>> -> memref<16x1024xf32, #tpu.memory_space<vmem>>
    %dma_wait3A_778 = arith.constant 0 : i32
    %dma_wait3A_779 = tpu.memref_slice %arg4[%add3A_700, %dma_wait3A_778] : memref<8192x2051xf32, #tpu.memory_space<hbm>> -> memref<16x1024xf32, #tpu.memory_space<hbm>>
    %dma_wait3A_780 = arith.constant 0 : i32
    %dma_wait3A_781 = tpu.memref_slice %arg4[%add3A_700, %dma_wait3A_780] : memref<8192x2051xf32, #tpu.memory_space<hbm>> -> memref<16x1024xf32, #tpu.memory_space<hbm>>
    %dma_wait3A_782 = arith.constant 0 : i32
    %dma_wait3A_783 = arith.constant 0 : i32
    %dma_wait3A_784 = tpu.memref_slice %arg7[%dma_wait3A_782, %dma_wait3A_783] : memref<32x1024xf32, #tpu.memory_space<vmem>> -> memref<16x1024xf32, #tpu.memory_space<vmem>>
    tpu.wait_dma2 semaphore(%arg13 : memref<!tpu.dma_semaphore, #tpu.memory_space<semaphore_mem>>) src(%dma_wait3A_784 : memref<16x1024xf32, #tpu.memory_space<vmem>>) dst(%dma_wait3A_781 : memref<16x1024xf32, #tpu.memory_space<hbm>>)
    %dma_wait3A_785 = arith.constant 16 : i32
    %dma_wait3A_786 = arith.constant 0 : i32
    %dma_wait3A_787 = tpu.memref_slice %arg7[%dma_wait3A_785, %dma_wait3A_786] : memref<32x1024xf32, #tpu.memory_space<vmem>> -> memref<16x1024xf32, #tpu.memory_space<vmem>>
    %dma_wait3A_788 = arith.constant 1024 : i32
    %dma_wait3A_789 = tpu.memref_slice %arg4[%add3A_700, %dma_wait3A_788] : memref<8192x2051xf32, #tpu.memory_space<hbm>> -> memref<16x1024xf32, #tpu.memory_space<hbm>>
    %dma_wait3A_790 = arith.constant 1024 : i32
    %dma_wait3A_791 = tpu.memref_slice %arg4[%add3A_700, %dma_wait3A_790] : memref<8192x2051xf32, #tpu.memory_space<hbm>> -> memref<16x1024xf32, #tpu.memory_space<hbm>>
    %dma_wait3A_792 = arith.constant 16 : i32
    %dma_wait3A_793 = arith.constant 0 : i32
    %dma_wait3A_794 = tpu.memref_slice %arg7[%dma_wait3A_792, %dma_wait3A_793] : memref<32x1024xf32, #tpu.memory_space<vmem>> -> memref<16x1024xf32, #tpu.memory_space<vmem>>
    tpu.wait_dma2 semaphore(%arg13 : memref<!tpu.dma_semaphore, #tpu.memory_space<semaphore_mem>>) src(%dma_wait3A_794 : memref<16x1024xf32, #tpu.memory_space<vmem>>) dst(%dma_wait3A_791 : memref<16x1024xf32, #tpu.memory_space<hbm>>)
    %dma_wait3A_795 = arith.constant 0 : i32
    %dma_wait3A_796 = arith.constant 0 : i32
    %dma_wait3A_797 = tpu.memref_slice %arg8[%dma_wait3A_795, %dma_wait3A_796] : memref<32x1024xf32, #tpu.memory_space<vmem>> -> memref<16x1024xf32, #tpu.memory_space<vmem>>
    %dma_wait3A_798 = arith.constant 0 : i32
    %dma_wait3A_799 = tpu.memref_slice %arg4[%add3A_727, %dma_wait3A_798] : memref<8192x2051xf32, #tpu.memory_space<hbm>> -> memref<16x1024xf32, #tpu.memory_space<hbm>>
    %dma_wait3A_800 = arith.constant 0 : i32
    %dma_wait3A_801 = tpu.memref_slice %arg4[%add3A_727, %dma_wait3A_800] : memref<8192x2051xf32, #tpu.memory_space<hbm>> -> memref<16x1024xf32, #tpu.memory_space<hbm>>
    %dma_wait3A_802 = arith.constant 0 : i32
    %dma_wait3A_803 = arith.constant 0 : i32
    %dma_wait3A_804 = tpu.memref_slice %arg8[%dma_wait3A_802, %dma_wait3A_803] : memref<32x1024xf32, #tpu.memory_space<vmem>> -> memref<16x1024xf32, #tpu.memory_space<vmem>>
    tpu.wait_dma2 semaphore(%arg14 : memref<!tpu.dma_semaphore, #tpu.memory_space<semaphore_mem>>) src(%dma_wait3A_804 : memref<16x1024xf32, #tpu.memory_space<vmem>>) dst(%dma_wait3A_801 : memref<16x1024xf32, #tpu.memory_space<hbm>>)
    %dma_wait3A_805 = arith.constant 16 : i32
    %dma_wait3A_806 = arith.constant 0 : i32
    %dma_wait3A_807 = tpu.memref_slice %arg8[%dma_wait3A_805, %dma_wait3A_806] : memref<32x1024xf32, #tpu.memory_space<vmem>> -> memref<16x1024xf32, #tpu.memory_space<vmem>>
    %dma_wait3A_808 = arith.constant 1024 : i32
    %dma_wait3A_809 = tpu.memref_slice %arg4[%add3A_727, %dma_wait3A_808] : memref<8192x2051xf32, #tpu.memory_space<hbm>> -> memref<16x1024xf32, #tpu.memory_space<hbm>>
    %dma_wait3A_810 = arith.constant 1024 : i32
    %dma_wait3A_811 = tpu.memref_slice %arg4[%add3A_727, %dma_wait3A_810] : memref<8192x2051xf32, #tpu.memory_space<hbm>> -> memref<16x1024xf32, #tpu.memory_space<hbm>>
    %dma_wait3A_812 = arith.constant 16 : i32
    %dma_wait3A_813 = arith.constant 0 : i32
    %dma_wait3A_814 = tpu.memref_slice %arg8[%dma_wait3A_812, %dma_wait3A_813] : memref<32x1024xf32, #tpu.memory_space<vmem>> -> memref<16x1024xf32, #tpu.memory_space<vmem>>
    tpu.wait_dma2 semaphore(%arg14 : memref<!tpu.dma_semaphore, #tpu.memory_space<semaphore_mem>>) src(%dma_wait3A_814 : memref<16x1024xf32, #tpu.memory_space<vmem>>) dst(%dma_wait3A_811 : memref<16x1024xf32, #tpu.memory_space<hbm>>)
    %dma_wait3A_815 = arith.constant 0 : i32
    %dma_wait3A_816 = arith.constant 0 : i32
    %dma_wait3A_817 = tpu.memref_slice %arg6[%dma_wait3A_815, %dma_wait3A_816] : memref<32x1024xf32, #tpu.memory_space<vmem>> -> memref<16x1024xf32, #tpu.memory_space<vmem>>
    %dma_wait3A_818 = arith.constant 0 : i32
    %dma_wait3A_819 = tpu.memref_slice %arg4[%add3A_754, %dma_wait3A_818] : memref<8192x2051xf32, #tpu.memory_space<hbm>> -> memref<16x1024xf32, #tpu.memory_space<hbm>>
    %dma_wait3A_820 = arith.constant 0 : i32
    %dma_wait3A_821 = tpu.memref_slice %arg4[%add3A_754, %dma_wait3A_820] : memref<8192x2051xf32, #tpu.memory_space<hbm>> -> memref<16x1024xf32, #tpu.memory_space<hbm>>
    %dma_wait3A_822 = arith.constant 0 : i32
    %dma_wait3A_823 = arith.constant 0 : i32
    %dma_wait3A_824 = tpu.memref_slice %arg6[%dma_wait3A_822, %dma_wait3A_823] : memref<32x1024xf32, #tpu.memory_space<vmem>> -> memref<16x1024xf32, #tpu.memory_space<vmem>>
    tpu.wait_dma2 semaphore(%arg12 : memref<!tpu.dma_semaphore, #tpu.memory_space<semaphore_mem>>) src(%dma_wait3A_824 : memref<16x1024xf32, #tpu.memory_space<vmem>>) dst(%dma_wait3A_821 : memref<16x1024xf32, #tpu.memory_space<hbm>>)
    %dma_wait3A_825 = arith.constant 16 : i32
    %dma_wait3A_826 = arith.constant 0 : i32
    %dma_wait3A_827 = tpu.memref_slice %arg6[%dma_wait3A_825, %dma_wait3A_826] : memref<32x1024xf32, #tpu.memory_space<vmem>> -> memref<16x1024xf32, #tpu.memory_space<vmem>>
    %dma_wait3A_828 = arith.constant 1024 : i32
    %dma_wait3A_829 = tpu.memref_slice %arg4[%add3A_754, %dma_wait3A_828] : memref<8192x2051xf32, #tpu.memory_space<hbm>> -> memref<16x1024xf32, #tpu.memory_space<hbm>>
    %dma_wait3A_830 = arith.constant 1024 : i32
    %dma_wait3A_831 = tpu.memref_slice %arg4[%add3A_754, %dma_wait3A_830] : memref<8192x2051xf32, #tpu.memory_space<hbm>> -> memref<16x1024xf32, #tpu.memory_space<hbm>>
    %dma_wait3A_832 = arith.constant 16 : i32
    %dma_wait3A_833 = arith.constant 0 : i32
    %dma_wait3A_834 = tpu.memref_slice %arg6[%dma_wait3A_832, %dma_wait3A_833] : memref<32x1024xf32, #tpu.memory_space<vmem>> -> memref<16x1024xf32, #tpu.memory_space<vmem>>
    tpu.wait_dma2 semaphore(%arg12 : memref<!tpu.dma_semaphore, #tpu.memory_space<semaphore_mem>>) src(%dma_wait3A_834 : memref<16x1024xf32, #tpu.memory_space<vmem>>) dst(%dma_wait3A_831 : memref<16x1024xf32, #tpu.memory_space<hbm>>)
    return
  }
}

module attributes {stable_mosaic.version = 14 : i64} {
  func.func @end_point_aggregator_dist(%arg0: i32, %arg1: memref<8192x1xi32, #tpu.memory_space<vmem>>, %arg2: memref<8192x1xi32, #tpu.memory_space<vmem>>, %arg3: memref<1x6xf32, #tpu.memory_space<smem>>, %arg4: memref<8192x2051xf32, #tpu.memory_space<any>>, %arg5: memref<8192x128xf32, #tpu.memory_space<vmem>>) attributes {dimension_semantics = [#tpu.dimension_semantics<arbitrary>], iteration_bounds = array<i64: 1>, scalar_prefetch = 0 : i64, scratch_operands = 0 : i64, tpu.core_type = #tpu.core_type<tc>, window_params = [{pipeline_mode = #tpu.pipeline_mode<synchronous>, transform_indices = @transform_0, window_bounds = array<i64: 8192, 1>}, {pipeline_mode = #tpu.pipeline_mode<synchronous>, transform_indices = @transform_1, window_bounds = array<i64: 8192, 1>}, {transform_indices = @transform_2, window_bounds = array<i64: 1, 6>}, {}, {transform_indices = @transform_4, window_bounds = array<i64: 8192, 128>}]} {
    %get3A = arith.constant 0 : index
    %get3A_0 = arith.constant 0 : index
    %get3A_1 = vector.load %arg2[%get3A, %get3A_0] : memref<8192x1xi32, #tpu.memory_space<vmem>>, vector<8192x1xi32>
    %get3A_2 = arith.constant 0 : index
    %get3A_3 = arith.constant 0 : index
    %get3A_4 = vector.load %arg1[%get3A_2, %get3A_3] : memref<8192x1xi32, #tpu.memory_space<vmem>>, vector<8192x1xi32>
    %sub3A = arith.subi %get3A_1, %get3A_4 : vector<8192x1xi32>
    %convert_element_type3A = arith.sitofp %sub3A : vector<8192x1xi32> to vector<8192x1xf32>
    %iota3A = tpu.iota {dimensions = array<i32: 1>} : vector<1x128xi32>
    %eq3A = arith.constant 0 : i32
    %eq3A_5 = vector.broadcast %eq3A : i32 to vector<1x128xi32>
    %eq3A_6 = arith.cmpi eq, %iota3A, %eq3A_5 : vector<1x128xi32>
    %get3A_7 = arith.constant 0 : index
    %get3A_8 = arith.constant 0 : index
    %get3A_9 = memref.load %arg3[%get3A_7, %get3A_8] : memref<1x6xf32, #tpu.memory_space<smem>>
    %eq3A_10 = arith.constant 1 : i32
    %eq3A_11 = vector.broadcast %eq3A_10 : i32 to vector<1x128xi32>
    %eq3A_12 = arith.cmpi eq, %iota3A, %eq3A_11 : vector<1x128xi32>
    %get3A_13 = arith.constant 0 : index
    %get3A_14 = arith.constant 1 : index
    %get3A_15 = memref.load %arg3[%get3A_13, %get3A_14] : memref<1x6xf32, #tpu.memory_space<smem>>
    %get3A_16 = arith.constant 0 : index
    %get3A_17 = arith.constant 2 : index
    %get3A_18 = memref.load %arg3[%get3A_16, %get3A_17] : memref<1x6xf32, #tpu.memory_space<smem>>
    %broadcast_in_dim3A = vector.broadcast %get3A_15 : f32 to vector<1x128xf32>
    %broadcast_in_dim3A_19 = vector.broadcast %get3A_18 : f32 to vector<1x128xf32>
    %select_n3A = arith.select %eq3A_12, %broadcast_in_dim3A, %broadcast_in_dim3A_19 : vector<1x128xi1>, vector<1x128xf32>
    %broadcast_in_dim3A_20 = vector.broadcast %get3A_9 : f32 to vector<1x128xf32>
    %select_n3A_21 = arith.select %eq3A_6, %broadcast_in_dim3A_20, %select_n3A : vector<1x128xi1>, vector<1x128xf32>
    %eq3A_22 = arith.constant 0 : i32
    %eq3A_23 = vector.broadcast %eq3A_22 : i32 to vector<1x128xi32>
    %eq3A_24 = arith.cmpi eq, %iota3A, %eq3A_23 : vector<1x128xi32>
    %get3A_25 = arith.constant 0 : index
    %get3A_26 = arith.constant 3 : index
    %get3A_27 = memref.load %arg3[%get3A_25, %get3A_26] : memref<1x6xf32, #tpu.memory_space<smem>>
    %eq3A_28 = arith.constant 1 : i32
    %eq3A_29 = vector.broadcast %eq3A_28 : i32 to vector<1x128xi32>
    %eq3A_30 = arith.cmpi eq, %iota3A, %eq3A_29 : vector<1x128xi32>
    %get3A_31 = arith.constant 0 : index
    %get3A_32 = arith.constant 4 : index
    %get3A_33 = memref.load %arg3[%get3A_31, %get3A_32] : memref<1x6xf32, #tpu.memory_space<smem>>
    %get3A_34 = arith.constant 0 : index
    %get3A_35 = arith.constant 5 : index
    %get3A_36 = memref.load %arg3[%get3A_34, %get3A_35] : memref<1x6xf32, #tpu.memory_space<smem>>
    %broadcast_in_dim3A_37 = vector.broadcast %get3A_33 : f32 to vector<1x128xf32>
    %broadcast_in_dim3A_38 = vector.broadcast %get3A_36 : f32 to vector<1x128xf32>
    %select_n3A_39 = arith.select %eq3A_30, %broadcast_in_dim3A_37, %broadcast_in_dim3A_38 : vector<1x128xi1>, vector<1x128xf32>
    %broadcast_in_dim3A_40 = vector.broadcast %get3A_27 : f32 to vector<1x128xf32>
    %select_n3A_41 = arith.select %eq3A_24, %broadcast_in_dim3A_40, %select_n3A_39 : vector<1x128xi1>, vector<1x128xf32>
    %convert_element_type3A_42 = arith.truncf %convert_element_type3A : vector<8192x1xf32> to vector<8192x1xbf16>
    %convert_element_type3A_43 = arith.truncf %select_n3A_21 : vector<1x128xf32> to vector<1x128xbf16>
    %mul3A = vector.broadcast %convert_element_type3A_42 : vector<8192x1xbf16> to vector<8192x128xbf16>
    %mul3A_44 = vector.broadcast %convert_element_type3A_43 : vector<1x128xbf16> to vector<8192x128xbf16>
    %mul3A_45 = arith.mulf %mul3A, %mul3A_44 : vector<8192x128xbf16>
    %convert_element_type3A_46 = arith.truncf %select_n3A_41 : vector<1x128xf32> to vector<1x128xbf16>
    %add3A = vector.broadcast %convert_element_type3A_46 : vector<1x128xbf16> to vector<8192x128xbf16>
    %add3A_47 = arith.addf %mul3A_45, %add3A : vector<8192x128xbf16>
    %tanh3A = math.tanh %add3A_47 : vector<8192x128xbf16>
    %convert_element_type3A_48 = arith.extf %tanh3A : vector<8192x128xbf16> to vector<8192x128xf32>
    %swap3A = arith.constant 0 : index
    %swap3A_49 = arith.constant 0 : index
    %swap3A_50 = vector.load %arg5[%swap3A, %swap3A_49] : memref<8192x128xf32, #tpu.memory_space<vmem>>, vector<8192x128xf32>
    tpu.vector_store %arg5[%swap3A, %swap3A_49], %convert_element_type3A_48 {strides = array<i32>} : memref<8192x128xf32, #tpu.memory_space<vmem>>, vector<8192x128xf32>,
    return
  }
  func.func @transform_0(%arg0: i32) -> (i32, i32) {
    %c0_i32 = arith.constant 0 : i32
    %c0_i32_0 = arith.constant 0 : i32
    %c0_i32_1 = arith.constant 0 : i32
    return %c0_i32, %c0_i32_0 : i32, i32
  }
  func.func @transform_1(%arg0: i32) -> (i32, i32) {
    %c0_i32 = arith.constant 0 : i32
    %c0_i32_0 = arith.constant 0 : i32
    %c0_i32_1 = arith.constant 0 : i32
    return %c0_i32, %c0_i32_0 : i32, i32
  }
  func.func @transform_2(%arg0: i32) -> (i32, i32) {
    %c0_i32 = arith.constant 0 : i32
    %c0_i32_0 = arith.constant 0 : i32
    %c0_i32_1 = arith.constant 0 : i32
    return %c0_i32, %c0_i32_0 : i32, i32
  }
  func.func @transform_4(%arg0: i32) -> (i32, i32) {
    %c0_i32 = arith.constant 0 : i32
    %c16_i32 = arith.constant 16 : i32
    %c0_i32_0 = arith.constant 0 : i32
    return %c0_i32, %c16_i32 : i32, i32
  }
}

</mosaic_0001>

<sc_bundles>
// kernel: end_point_aggregator_sc.3.cloned.1.call-start
scs
__scs_entry_jumppad:
0x0: {  	(pc) =	sbr.rel $0x88, $3  }
0x1: {  	(tag) =	ssettag $0x0;
	lr =	simm.s32 $0x1  }
0x2: {  	[smem:$0x3F9D] =	sst lr;
	_ =	strace $0xD0000000  }
0x3: {  	_ = 	snop  }
0x4: {  	_ = 	snop  }
0x5: {  	_ = 	snop  }
0x6: {  	_ = 	snop  }
0x7: {  	_ = 	snop  }
__scs_overlays_trampoline_lowered:
0x8: {  	[smem:$0x3FAC] =	sst s0  }
0x9: {  	[smem:$0x3FAD] =	sst s1  }
0xa: {  	[smem:$0x3FAE] =	sst s2  }
0xb: {  	[smem:$0x3FAF] =	sst s3  }
0xc: {  	[smem:$0x3FB0] =	sst s4  }
0xd: {  	[smem:$0x3FB1] =	sst s5  }
0xe: {  	[smem:$0x3FB2] =	sst s6  }
0xf: {  	[smem:$0x3FB3] =	sst s7  }
0x10: {  	[smem:$0x3FB4] =	sst s8  }
0x11: {  	[smem:$0x3FB5] =	sst s9;
	s0 =	simm.s32 @!p0 $0x0  }
0x12: {  	s1 =	sld [smem:$0x3F9B];
	s0 =	simm.s32 @p0 $0x1  }
0x13: {  	[smem:$0x3FB6] =	sst s0;
	s0 =	simm.s32 @!p1 $0x0  }
0x14: {  	s2 =	sld [smem:$0x3F9A];
	s0 =	simm.s32 @p1 $0x1  }
0x15: {  	[smem:$0x3FB7] =	sst s0;
	s0 =	simm.s32 @!p2 $0x0  }
0x16: {  	s3 =	sld [smem:$0x3FDB];
	s0 =	simm.s32 @p2 $0x1  }
0x17: {  	s4 =	simm.s32 $0x1BF5;
	[smem:$0x3FB9] =	sst s0  }
0x18: {  	s0 =	sld [smem:$0x3F9C];
	_ =	swait.ge [sflag:s4], $0x0  }
0x19: {  	s7 =	sld [smem:$0x3F9D]  }
0x1a: {  	s8 =	sadd.s32 $0xFFFFE003, lr  }
0x1b: {  	s9 =	sadd.s32 $0xFFFFFEF7, lr;
	s5 =	simm.s32 $0xFFFFFFFF;
	p2 =	slt.u32 s8, $0xFFFFF086  }
0x1c: {  	p1 =	slt.u32 s9, $0xF7A;
	s5 =	simm.s32 @!p2 $0x0  }
0x1d: {  	s5 =	simm.s32 @p1 $0x1;
	p0 =	seq.s32 s7, s2  }
0x1e: {  	s7 =	smul.u32 @!p0 $0xF7A, s2;
	p2 =	seq.s32 @!p0 s5, $0x0  }
0x1f: {  	s9 =	smul.u32 $0xF7A, s1;
	s8 =	simm.s32 @!p0 $0x1BF5;
	p2 =	por !p2, p0  }
0x20: {  	[sflag:s8] =	ssyncset.s32 @!p0 $0xFFFFF086;
	s6 =	sadd.s32 @!p0 s3, s7;
	s7 =	simm.s32 @!p0 $0x108  }
0x21: {  	s3 =	sadd.s32 s3, s9;
	s6 =	sadd.s32 @!p0 $0x88, s6;
	s7 =	simm.s32 @p2 $0x1082  }
0x22: {  	[simem:s7], [sflag:s8] =	dma.local @!p0 [hbm:s6], $0xF7A  }
0x23: {  	s9 =	sor.u32 $0xD0000000, s2;
	s6 =	simm.s32 $0x108;
	_ =	swait.ge @!p0 [sflag:s8], $0x0  }
0x24: {  	s3 =	sadd.s32 $0x88, s3;
	s6 =	simm.s32 @!p1 $0x1082;
	[sflag:s4] =	ssyncset.s32 $0xFFFFF086  }
0x25: {  	[simem:s6], [sflag:s4] =	dma.local [hbm:s3], $0xF7A  }
0x26: {  	[smem:$0x3F9D] =	sst s1;
	(tag) =	ssettag s2;
	_ =	strace s9  }
0x27: {  	s1 =	sld [smem:$0x3FAD]  }
0x28: {  	s2 =	sld [smem:$0x3FAE]  }
0x29: {  	s4 =	sld [smem:$0x3FB0]  }
0x2a: {  	p0 =	seq.s32 s5, $0x0;
	s5 =	sld [smem:$0x3FB1]  }
0x2b: {  	s6 =	sld [smem:$0x3FB2]  }
0x2c: {  	s7 =	sld [smem:$0x3FB3]  }
0x2d: {  	s3 =	simm.s32 $0x108;
	s8 =	sld [smem:$0x3FB4]  }
0x2e: {  	s3 =	simm.s32 @!p0 $0x1082;
	s9 =	sld [smem:$0x3FB5]  }
0x2f: {  	lr =	sadd.s32 s0, s3;
	s0 =	sld [smem:$0x3FAC]  }
0x30: {  	s3 =	sld [smem:$0x3FAF]  }
0x31: {  	[smem:$0x3FB8] =	sst s10  }
0x32: {  	s10 =	sld [smem:$0x3FB6];
	_ =	sdelay $0x3  }
0x33: {  	p0 =	seq.s32 s10, $0x1;
	s10 =	sld [smem:$0x3FB8];
	_ =	sdelay $0x3  }
0x34: {  	[smem:$0x3FB8] =	sst s10  }
0x35: {  	s10 =	sld [smem:$0x3FB7];
	_ =	sdelay $0x3  }
0x36: {  	p1 =	seq.s32 s10, $0x1;
	s10 =	sld [smem:$0x3FB8];
	_ =	sdelay $0x3  }
0x37: {  	[smem:$0x3FB8] =	sst s10  }
0x38: {  	s10 =	sld [smem:$0x3FB9]  }
0x39: {  	_ = 	snop;
	(pc) =	sbr.ind lr, $3  }
0x3a: {  	_ = 	snop  }
0x3b: {  	_ = 	snop  }
0x3c: {  	p2 =	seq.s32 s10, $0x1;
	s10 =	sld [smem:$0x3FB8]  }
0x3d: {  	_ =	shalt  }
0x3e: {  	_ =	shalt  }
0x3f: {  	_ =	shalt  }
0x40: {  	_ =	shalt  }
0x41: {  	_ =	shalt  }
0x42: {  	_ =	shalt  }
0x43: {  	_ =	shalt  }
0x44: {  	_ =	shalt  }
0x45: {  	_ =	shalt  }
0x46: {  	_ =	shalt  }
0x47: {  	_ =	shalt  }
0x48: {  	_ =	shalt  }
0x49: {  	_ =	shalt  }
0x4a: {  	_ =	shalt  }
0x4b: {  	_ =	shalt  }
0x4c: {  	_ =	shalt  }
0x4d: {  	_ =	shalt  }
0x4e: {  	_ =	shalt  }
0x4f: {  	_ =	shalt  }
0x50: {  	_ =	shalt  }
0x51: {  	_ =	shalt  }
0x52: {  	_ =	shalt  }
0x53: {  	_ =	shalt  }
0x54: {  	_ =	shalt  }
0x55: {  	_ =	shalt  }
0x56: {  	_ =	shalt  }
0x57: {  	_ =	shalt  }
0x58: {  	_ =	shalt  }
0x59: {  	_ =	shalt  }
0x5a: {  	_ =	shalt  }
0x5b: {  	_ =	shalt  }
0x5c: {  	_ =	shalt  }
0x5d: {  	_ =	shalt  }
0x5e: {  	_ =	shalt  }
0x5f: {  	_ =	shalt  }
0x60: {  	_ =	shalt  }
0x61: {  	_ =	shalt  }
0x62: {  	_ =	shalt  }
0x63: {  	_ =	shalt  }
0x64: {  	_ =	shalt  }
0x65: {  	_ =	shalt  }
0x66: {  	_ =	shalt  }
0x67: {  	_ =	shalt  }
0x68: {  	_ =	shalt  }
0x69: {  	_ =	shalt  }
0x6a: {  	_ =	shalt  }
0x6b: {  	_ =	shalt  }
0x6c: {  	_ =	shalt  }
0x6d: {  	_ =	shalt  }
0x6e: {  	_ =	shalt  }
0x6f: {  	_ =	shalt  }
0x70: {  	_ =	shalt  }
0x71: {  	_ =	shalt  }
0x72: {  	_ =	shalt  }
0x73: {  	_ =	shalt  }
0x74: {  	_ =	shalt  }
0x75: {  	_ =	shalt  }
0x76: {  	_ =	shalt  }
0x77: {  	_ =	shalt  }
0x78: {  	_ =	shalt  }
0x79: {  	_ =	shalt  }
0x7a: {  	_ =	shalt  }
0x7b: {  	_ =	shalt  }
0x7c: {  	_ =	shalt  }
0x7d: {  	_ =	shalt  }
0x7e: {  	_ =	shalt  }
0x7f: {  	_ =	shalt  }
0x80: {  	_ =	shalt  }
0x81: {  	_ =	shalt  }
0x82: {  	_ =	shalt  }
0x83: {  	_ =	shalt  }
0x84: {  	_ =	shalt  }
0x85: {  	_ =	shalt  }
0x86: {  	_ =	shalt  }
0x87: {  	_ =	shalt  }
.Lfunc_end0:
.L_simem_size_0:
called_computation.1_lowered:
.L_overlay_start_0:
0x88: {  	s2 =	sld [smem:$0x3FD9]  }
0x89: {  	s3 =	sld [smem:$0x3FFE];
	_ =	sdelay $0x1  }
0x8a: {  	s1 =	srdreg.scid  }
0x8b: {  	s0 =	sand.u32 $0x1, s1  }
0x8c: {  	s17 =	sshll.u32 s0, $0xA;
	s2 =	sadd.s32 s3, s2  }
0x8d: {  	s2 =	sadd.s32 s2, s17  }
0x8e: {  	[smem:$0x3FC4] =	sst s2  }
0x8f: {  	_ = 	snop  }
0x90: {  	s2 =	sld [smem:$0x3FC9]  }
0x91: {  	s18 =	sld [smem:$0x3FD0];
	(tm) =	ssettm $0x1  }
0x92: {  	s4 =	sld [smem:$0x3FFB];
	_ =	sdelay $0x3  }
0x93: {  	_ =	strace s4  }
0x94: {  	s4 =	sld [smem:$0x3FFC];
	_ =	sdelay $0x3  }
0x95: {  	_ =	strace s4  }
0x96: {  	s4 =	sld [smem:$0x3FFD];
	_ =	sdelay $0x3  }
0x97: {  	_ =	strace s4  }
0x98: {  	_ =	strace $0x8FFFFFFF  }
0x99: {  	s19 =	sld [smem:$0x3FDB];
	_ =	sdelay $0x1  }
0x9a: {  	s5 =	simm.s32 $_scs_section_size  }
0x9b: {  	s6 =	simm.s32 $_size__tile_overlayer_lowered;
	s7 =	simm.s32 $_tile_overlayer_lowered  }
0x9c: {  	s22 =	simm.s32 $0x1BFF;
	s21 =	sshll.u32 s7, $0x1;
	s4 =	sadd.s32 s5, s19  }
0x9d: {  	s8 =	simm.s32 $0x0;
	s20 =	sshll.u32 s6, $0x1;
	s6 =	sadd.s32 s21, s4  }
0x9e: {  	[timem:s8], [sflag:s22] =	dma.local [hbm:s6], s20  }
0x9f: {  	_ =	swait.ge [sflag:s22], s20  }
0xa0: {  	s5 =	ssub.s32 $0x0, s20;
	[sflag:s22] =	ssyncset.done $0x0  }
0xa1: {  	[sflag:s22] =	ssyncadd.s32 s5;
	_ =	sdelay $0x1  }
0xa2: {  	s23 =	simm.s32 $0x1B8B  }
0xa3: {  	_ =	swait.ge [sflag:s23], $0x1  }
0xa4: {  	[sflag:s23] =	ssyncset.done $0x0  }
0xa5: {  	s25 =	simm.s32 $0x1B8E;
	s24 =	sld [smem:$0x3FFE];
	[sflag:s23] =	ssyncadd.s32 $0xFFFFFFFF  }
0xa6: {  	s26 =	simm.s32 $execute0_lowered;
	[smem:$0x3FD2] =	sst s25  }
0xa7: {  	s6 =	sshll.u32 s26, $0x1;
	_ =	strace $0x80000046;
	[dreg:$0x1] =	wrdreg $0xFFFFFFFF  }
0xa8: {  	s28 =	simm.s32 $_size_execute0_lowered;
	s4 =	sadd.s32 s4, s6;
	[dreg:$0x0] =	wrdreg $0x0  }
0xa9: {  	s6 =	sshll.u32 s28, $0x1;
	[dreg:$0x2] =	wrdreg s4  }
0xaa: {  	[dreg:$0x3] =	wrdreg s6  }
0xab: {  	[dreg:$0x4] =	wrdreg $0xC0  }
0xac: {  	_ =	task [dreg:s8], $0x5FFFF  }
0xad: {  	[dreg:$0x1] =	wrdreg $0xFFFFFFFF  }
0xae: {  	[dreg:$0x0] =	wrdreg $0x60  }
0xaf: {  	[dreg:$0x2] =	wrdreg s2  }
0xb0: {  	[dreg:$0x3] =	wrdreg s18  }
0xb1: {  	[dreg:$0x4] =	wrdreg s24  }
0xb2: {  	[dreg:$0x5] =	wrdreg $0x9  }
0xb3: {  	_ =	task.clear_ibuf [dreg:s8], $0x6FFFF;
	_ =	strace $0x90000046  }
0xb4: {  	s29 =	simm.s32 $0x9;
	_ =	strace $0x80000048  }
0xb5: {  	_ =	swait.ge [sflag:s29], $0x1  }
0xb6: {  	[sflag:s29] =	ssyncadd.s32 $0xFFFFFFFF  }
0xb7: {  	_ =	strace $0x90000048  }
0xb8: {  	_ =	sfence  }
0xb9: {  	s30 =	sld [smem:$0x0];
	_ =	sdelay $0x2  }
0xba: {  	s31 =	sshll.u32 s1, $0xD;
	s1 =	sshrl.u32 s1, $0x2  }
0xbb: {  	s3 =	sand.u32 $0x4000, s31;
	s1 =	sadd.s32 s1, s30  }
0xbc: {  	s0 =	sor.u32 s3, s0;
	s1 =	sshll.u32 s1, $0x11  }
0xbd: {  	s0 =	sor.u32 s1, s0  }
0xbe: {  	s0 =	sadd.s32 $0x8F2B, s0  }
0xbf: {  	[sflag:s0] =	ssyncadd.remote.s32 $0x1  }
0xc0: {  	_ =	sfence.sel $0xFFFF  }
0xc1: {  	[dreg:$0x0] =	wrdreg $0xFFFFFFFF;
	(pc) =	sbr.abs _section_cstart, $3  }
0xc2: {  	[dreg:$0x1] =	wrdreg $0xFFFFFFFF  }
0xc3: {  	_ =	task.clear_ibuf [dreg:s8], $0x2FFFF;
	_ =	strace $0x9FFFFFFF  }
0xc4: {  	(tm) =	ssettm $0x7FFFFFFF  }
0xc5: {  	_ =	shalt  }
tec
execute0_lowered:
.L_overlay_start_1:
0x0: {  	(tag) =	ssettag $0x1  }
0x1: {  	s0 =	srdreg.scid;
	s3 =	stileid.u32  }
0x2: {  	s2 =	sand.u32 $0x1, s0;
	s21 =	sshll.u32 s3, $0x1  }
0x3: {  	s1 =	rddreg [dreg:$0x0];
	s0 =	sor.u32 s2, s21  }
0x4: {  	s4 =	rddreg [dreg:$0x1];
	s6 =	smul.u32 $0x88000, s0  }
0x5: {  	s5 =	rddreg [dreg:$0x2]  }
0x6: {  	s3 =	simm.s32 $0x0;
	s7 =	sshll.u32 s0, $0x6;
	s6 =	sshrl.u32 s6, $0x3  }
0x7: {  	[smem:$0x7FF] =	sst s3;
	s4 =	sadd.s32 s4, s7;
	s0 =	sadd.s32 s6, s5  }
0x8: {  	_ =	strace $0x80000047;
	[dreg:$0x4] =	wrdreg s4;
	s22 =	sadd.s32 $0x1A00, s0  }
0x9: {  	s23 =	sadd.s32 $0x1E00, s0;
	[dreg:$0x5] =	wrdreg s22  }
0xa: {  	s24 =	sadd.s32 $0x2B00, s0;
	[dreg:$0x6] =	wrdreg s23  }
0xb: {  	s25 =	sadd.s32 $0x2F00, s0;
	[dreg:$0x7] =	wrdreg s24  }
0xc: {  	s26 =	sadd.s32 $0x3C00, s0;
	[dreg:$0x8] =	wrdreg s25  }
0xd: {  	s29 =	sadd.s32 $0x4000, s0;
	[dreg:$0x9] =	wrdreg s26  }
0xe: {  	s31 =	sadd.s32 $0x4D00, s0;
	[dreg:$0xa] =	wrdreg s29  }
0xf: {  	s5 =	sadd.s32 $0x5100, s0;
	[dreg:$0xb] =	wrdreg s31  }
0x10: {  	s6 =	sadd.s32 $0x5E00, s0;
	[dreg:$0xc] =	wrdreg s5  }
0x11: {  	s7 =	sadd.s32 $0x6200, s0;
	[dreg:$0xd] =	wrdreg s6  }
0x12: {  	s8 =	sadd.s32 $0x6F00, s0;
	[dreg:$0xe] =	wrdreg s7  }
0x13: {  	s9 =	sadd.s32 $0x7300, s0;
	[dreg:$0xf] =	wrdreg s8  }
0x14: {  	s10 =	sadd.s32 $0x8000, s0;
	[dreg:$0x10] =	wrdreg s9  }
0x15: {  	s11 =	sadd.s32 $0x8400, s0;
	[dreg:$0x11] =	wrdreg s10  }
0x16: {  	s12 =	sadd.s32 $0x9100, s0;
	[dreg:$0x12] =	wrdreg s11  }
0x17: {  	s13 =	sadd.s32 $0x9500, s0;
	[dreg:$0x13] =	wrdreg s12  }
0x18: {  	s14 =	sadd.s32 $0xA200, s0;
	[dreg:$0x14] =	wrdreg s13  }
0x19: {  	s15 =	sadd.s32 $0xA600, s0;
	[dreg:$0x15] =	wrdreg s14  }
0x1a: {  	s16 =	sadd.s32 $0xB300, s0;
	[dreg:$0x16] =	wrdreg s15  }
0x1b: {  	s17 =	sadd.s32 $0xB700, s0;
	[dreg:$0x17] =	wrdreg s16  }
0x1c: {  	s18 =	sadd.s32 $0xC400, s0;
	[dreg:$0x18] =	wrdreg s17  }
0x1d: {  	s19 =	sadd.s32 $0xC800, s0;
	[dreg:$0x19] =	wrdreg s18  }
0x1e: {  	s28 =	simm.s32 $0x4400;
	s20 =	sadd.s32 $0xD500, s0;
	[dreg:$0x1a] =	wrdreg s19  }
0x1f: {  	s30 =	simm.s32 $0x4;
	s21 =	sadd.s32 $0xD900, s0;
	[dreg:$0x1b] =	wrdreg s20  }
0x20: {  	s2 =	ssub.s32 $0x2, s2;
	[dreg:$0x1c] =	wrdreg s21;
	s22 =	sadd.s32 $0xE600, s0  }
0x21: {  	s4 =	sadd.s32 $0x100, s1;
	s23 =	sadd.s32 $0xEA00, s0;
	[dreg:$0x1d] =	wrdreg s22  }
0x22: {  	s24 =	sadd.s32 $0xF700, s0;
	s25 =	sadd.s32 $0xFB00, s0;
	[dreg:$0x1e] =	wrdreg s23  }
0x23: {  	s26 =	sshrl.u32 s2, $0x1;
	s29 =	sadd.s32 $0x10800, s0;
	[dreg:$0x1f] =	wrdreg s24  }
0x24: {  	s31 =	sadd.s32 $0x10C00, s0;
	s6 =	sadd.s32 $0x11900, s0;
	[smem:$0x7F9] =	sst s25  }
0x25: {  	s5 =	sadd.s32 $0x200, s1;
	s0 =	sadd.s32 $0x11D00, s0;
	[smem:$0x7FA] =	sst s29  }
0x26: {  	s20 =	simm.s32 $0x2;
	s10 =	simm.s32 $0x5;
	[smem:$0x7FB] =	sst s31  }
0x27: {  	v2 =	vlaneseq.u32;
	s11 =	simm.s32 $0x3;
	s12 =	simm.s32 $0x6;
	[smem:$0x7FC] =	sst s6  }
0x28: {  	vm0 =	vmmov $0xffff;
	v1 =	vshrl.u32 v2, $0x3;
	s2 =	ssub.s32 s2, s26;
	s6 =	sadd.s32 $0x300, s1;
	[smem:$0x7FD] =	sst s0  }
0x29: {  	v0 =	vand.u32 $0x7, v2;
	v2 =	vor.u32 $0x8, v2;
	v1 =	vmul.u32 $0x8, v1;
	s0 =	simm.s32 $0x2000;
	s7 =	smax.u32 s2, $0x1;
	s2 =	simm.s32 $0x1  }
.LBB2_1:
0x2a: {  	[smem:$0x7F8] =	sst s7  }
0x2b: {  	s13 =	rddreg [dreg:$0x4];
	s29 =	simm.s32 $0x7  }
0x2c: {  	[tilespmem:s3], [sflag:$0x7] =	stream.linear.gather [hbm4b:s13+s3], $0x200, $0x38;
	[tilespmem:$0x18200] =	vst v63  }
0x2d: {  	_ =	swait.ge [sflag:s29], $0x200  }
0x2e: {  	[sflag:s29] =	ssyncset.done $0x0  }
0x2f: {  	[sflag:s29] =	ssyncadd.s32 $0xFFFFFE00  }
0x30: {  	v3 =	vld [tilespmem:$0x0];
	_ =	sdelay $0x4  }
0x31: {  	v4 =	vshll.u32 v3, $0x3  }
0x32: {  	v3 =	vand.u32 $0x7, v3;
	v4 =	vand.u32 $0xFFFFFFC0, v4  }
0x33: {  	v3 =	vor.u32 v3, v4  }
0x34: {  	v4 =	vperm.xlane v3, v0;
	_ =	sdelay $0x1  }
0x35: {  	v4 =	vadd.s32 v1, v4;
	_ =	sdelay $0x3  }
0x36: {  	s31 =	simm.s32 $0x200  }
0x37: {  	[tilespmem:s31], [sflag:$0x1] =	stream.indirect_vreg.gather [hbm4b:s1+s3], $0x80, v4, vm0, $0xb8;
	[tilespmem:$0x18200] =	vst v63  }
0x38: {  	s7 =	simm.s32 $0xA00;
	v3 =	vperm.xlane v3, v2  }
0x39: {  	[tilespmem:s7], [sflag:$0x1] =	stream.indirect_vreg.gather [hbm4b:s4+s3], $0x80, v4, vm0, $0xb8;
	[tilespmem:$0x18200] =	vst v63  }
0x3a: {  	s8 =	simm.s32 $0x1200;
	v3 =	vadd.s32 v1, v3  }
0x3b: {  	[tilespmem:s8], [sflag:$0x1] =	stream.indirect_vreg.gather [hbm4b:s5+s3], $0x80, v4, vm0, $0xb8;
	[tilespmem:$0x18200] =	vst v63  }
0x3c: {  	s9 =	simm.s32 $0x1A00  }
0x3d: {  	[tilespmem:s9], [sflag:$0x1] =	stream.indirect_vreg.gather [hbm4b:s6+s3], $0x80, v4, vm0, $0xb8;
	[tilespmem:$0x18200] =	vst v63  }
0x3e: {  	s14 =	simm.s32 $0x2200  }
0x3f: {  	[tilespmem:s14], [sflag:$0x1] =	stream.indirect_vreg.gather [hbm4b:s1+s3], $0x80, v3, vm0, $0xb8;
	[tilespmem:$0x18200] =	vst v63  }
0x40: {  	s15 =	simm.s32 $0x2A00  }
0x41: {  	[tilespmem:s15], [sflag:$0x1] =	stream.indirect_vreg.gather [hbm4b:s4+s3], $0x80, v3, vm0, $0xb8;
	[tilespmem:$0x18200] =	vst v63  }
0x42: {  	s17 =	simm.s32 $0x3200  }
0x43: {  	[tilespmem:s17], [sflag:$0x1] =	stream.indirect_vreg.gather [hbm4b:s5+s3], $0x80, v3, vm0, $0xb8;
	[tilespmem:$0x18200] =	vst v63  }
0x44: {  	s18 =	simm.s32 $0x3A00  }
0x45: {  	[tilespmem:s18], [sflag:$0x1] =	stream.indirect_vreg.gather [hbm4b:s6+s3], $0x80, v3, vm0, $0xb8;
	[tilespmem:$0x18200] =	vst v63  }
0x46: {  	v3 =	vld [tilespmem:$0x10];
	_ =	sdelay $0x4  }
0x47: {  	v33 =	vshll.u32 v3, $0x3  }
0x48: {  	v3 =	vand.u32 $0x7, v3;
	v4 =	vand.u32 $0xFFFFFFC0, v33  }
0x49: {  	v3 =	vor.u32 v3, v4  }
0x4a: {  	v4 =	vperm.xlane v3, v0;
	_ =	sdelay $0x1  }
0x4b: {  	v4 =	vadd.s32 v1, v4;
	_ =	sdelay $0x3  }
0x4c: {  	s19 =	simm.s32 $0x4200  }
0x4d: {  	[tilespmem:s19], [sflag:$0x1] =	stream.indirect_vreg.gather [hbm4b:s1+s3], $0x80, v4, vm0, $0xb8;
	[tilespmem:$0x18200] =	vst v63  }
0x4e: {  	s21 =	simm.s32 $0x4A00;
	v3 =	vperm.xlane v3, v2  }
0x4f: {  	[tilespmem:s21], [sflag:$0x1] =	stream.indirect_vreg.gather [hbm4b:s4+s3], $0x80, v4, vm0, $0xb8;
	[tilespmem:$0x18200] =	vst v63  }
0x50: {  	s22 =	simm.s32 $0x5200;
	v3 =	vadd.s32 v1, v3  }
0x51: {  	[tilespmem:s22], [sflag:$0x1] =	stream.indirect_vreg.gather [hbm4b:s5+s3], $0x80, v4, vm0, $0xb8;
	[tilespmem:$0x18200] =	vst v63  }
0x52: {  	s23 =	simm.s32 $0x5A00  }
0x53: {  	[tilespmem:s23], [sflag:$0x1] =	stream.indirect_vreg.gather [hbm4b:s6+s3], $0x80, v4, vm0, $0xb8;
	[tilespmem:$0x18200] =	vst v63  }
0x54: {  	s25 =	simm.s32 $0x6200  }
0x55: {  	[tilespmem:s25], [sflag:$0x1] =	stream.indirect_vreg.gather [hbm4b:s1+s3], $0x80, v3, vm0, $0xb8;
	[tilespmem:$0x18200] =	vst v63  }
0x56: {  	s26 =	simm.s32 $0x6A00  }
0x57: {  	[tilespmem:s26], [sflag:$0x1] =	stream.indirect_vreg.gather [hbm4b:s4+s3], $0x80, v3, vm0, $0xb8;
	[tilespmem:$0x18200] =	vst v63  }
0x58: {  	s29 =	simm.s32 $0x7200  }
0x59: {  	[tilespmem:s29], [sflag:$0x1] =	stream.indirect_vreg.gather [hbm4b:s5+s3], $0x80, v3, vm0, $0xb8;
	[tilespmem:$0x18200] =	vst v63  }
0x5a: {  	s31 =	simm.s32 $0x7A00  }
0x5b: {  	[tilespmem:s31], [sflag:$0x1] =	stream.indirect_vreg.gather [hbm4b:s6+s3], $0x80, v3, vm0, $0xb8;
	[tilespmem:$0x18200] =	vst v63  }
0x5c: {  	v3 =	vld [tilespmem:$0x20];
	_ =	sdelay $0x4  }
0x5d: {  	v34 =	vshll.u32 v3, $0x3  }
0x5e: {  	v3 =	vand.u32 $0x7, v3;
	v4 =	vand.u32 $0xFFFFFFC0, v34  }
0x5f: {  	v3 =	vor.u32 v3, v4  }
0x60: {  	v4 =	vperm.xlane v3, v0;
	_ =	sdelay $0x1  }
0x61: {  	v4 =	vadd.s32 v1, v4;
	_ =	sdelay $0x3  }
0x62: {  	s9 =	simm.s32 $0x8200  }
0x63: {  	[tilespmem:s9], [sflag:$0x2] =	stream.indirect_vreg.gather [hbm4b:s1+s3], $0x80, v4, vm0, $0xb8;
	[tilespmem:$0x18200] =	vst v63  }
0x64: {  	s7 =	simm.s32 $0x8A00;
	v3 =	vperm.xlane v3, v2  }
0x65: {  	[tilespmem:s7], [sflag:$0x2] =	stream.indirect_vreg.gather [hbm4b:s4+s3], $0x80, v4, vm0, $0xb8;
	[tilespmem:$0x18200] =	vst v63  }
0x66: {  	s8 =	simm.s32 $0x9200;
	v3 =	vadd.s32 v1, v3  }
0x67: {  	[tilespmem:s8], [sflag:$0x2] =	stream.indirect_vreg.gather [hbm4b:s5+s3], $0x80, v4, vm0, $0xb8;
	[tilespmem:$0x18200] =	vst v63  }
0x68: {  	s13 =	simm.s32 $0x9A00  }
0x69: {  	[tilespmem:s13], [sflag:$0x2] =	stream.indirect_vreg.gather [hbm4b:s6+s3], $0x80, v4, vm0, $0xb8;
	[tilespmem:$0x18200] =	vst v63  }
0x6a: {  	s14 =	simm.s32 $0xA200  }
0x6b: {  	[tilespmem:s14], [sflag:$0x2] =	stream.indirect_vreg.gather [hbm4b:s1+s3], $0x80, v3, vm0, $0xb8;
	[tilespmem:$0x18200] =	vst v63  }
0x6c: {  	s17 =	simm.s32 $0xAA00  }
0x6d: {  	[tilespmem:s17], [sflag:$0x2] =	stream.indirect_vreg.gather [hbm4b:s4+s3], $0x80, v3, vm0, $0xb8;
	[tilespmem:$0x18200] =	vst v63  }
0x6e: {  	s26 =	simm.s32 $0xB200  }
0x6f: {  	[tilespmem:s26], [sflag:$0x2] =	stream.indirect_vreg.gather [hbm4b:s5+s3], $0x80, v3, vm0, $0xb8;
	[tilespmem:$0x18200] =	vst v63  }
0x70: {  	s29 =	simm.s32 $0xBA00  }
0x71: {  	[tilespmem:s29], [sflag:$0x2] =	stream.indirect_vreg.gather [hbm4b:s6+s3], $0x80, v3, vm0, $0xb8;
	[tilespmem:$0x18200] =	vst v63  }
0x72: {  	v3 =	vld [tilespmem:$0x30];
	_ =	sdelay $0x4  }
0x73: {  	v35 =	vshll.u32 v3, $0x3  }
0x74: {  	v3 =	vand.u32 $0x7, v3;
	v4 =	vand.u32 $0xFFFFFFC0, v35  }
0x75: {  	v3 =	vor.u32 v3, v4  }
0x76: {  	v4 =	vperm.xlane v3, v0;
	_ =	sdelay $0x1  }
0x77: {  	v4 =	vadd.s32 v1, v4;
	_ =	sdelay $0x3  }
0x78: {  	s8 =	simm.s32 $0xC200  }
0x79: {  	[tilespmem:s8], [sflag:$0x2] =	stream.indirect_vreg.gather [hbm4b:s1+s3], $0x80, v4, vm0, $0xb8;
	[tilespmem:$0x18200] =	vst v63  }
0x7a: {  	s7 =	simm.s32 $0xCA00;
	v3 =	vperm.xlane v3, v2  }
0x7b: {  	[tilespmem:s7], [sflag:$0x2] =	stream.indirect_vreg.gather [hbm4b:s4+s3], $0x80, v4, vm0, $0xb8;
	[tilespmem:$0x18200] =	vst v63  }
0x7c: {  	v3 =	vadd.s32 v1, v3;
	s8 =	simm.s32 $0xD200  }
0x7d: {  	[tilespmem:s8], [sflag:$0x2] =	stream.indirect_vreg.gather [hbm4b:s5+s3], $0x80, v4, vm0, $0xb8;
	[tilespmem:$0x18200] =	vst v63  }
0x7e: {  	s13 =	simm.s32 $0xDA00  }
0x7f: {  	[tilespmem:s13], [sflag:$0x2] =	stream.indirect_vreg.gather [hbm4b:s6+s3], $0x80, v4, vm0, $0xb8;
	[tilespmem:$0x18200] =	vst v63  }
0x80: {  	s14 =	simm.s32 $0xE200  }
0x81: {  	[tilespmem:s14], [sflag:$0x2] =	stream.indirect_vreg.gather [hbm4b:s1+s3], $0x80, v3, vm0, $0xb8;
	[tilespmem:$0x18200] =	vst v63  }
0x82: {  	s7 =	simm.s32 $0xEA00  }
0x83: {  	[tilespmem:s7], [sflag:$0x2] =	stream.indirect_vreg.gather [hbm4b:s4+s3], $0x80, v3, vm0, $0xb8;
	[tilespmem:$0x18200] =	vst v63  }
0x84: {  	s8 =	simm.s32 $0xF200  }
0x85: {  	[tilespmem:s8], [sflag:$0x2] =	stream.indirect_vreg.gather [hbm4b:s5+s3], $0x80, v3, vm0, $0xb8;
	[tilespmem:$0x18200] =	vst v63  }
0x86: {  	s13 =	simm.s32 $0xFA00  }
0x87: {  	[tilespmem:s13], [sflag:$0x2] =	stream.indirect_vreg.gather [hbm4b:s6+s3], $0x80, v3, vm0, $0xb8;
	[tilespmem:$0x18200] =	vst v63  }
0x88: {  	v3 =	vld [tilespmem:$0x40];
	_ =	sdelay $0x4  }
0x89: {  	v36 =	vshll.u32 v3, $0x3  }
0x8a: {  	v3 =	vand.u32 $0x7, v3;
	v4 =	vand.u32 $0xFFFFFFC0, v36  }
0x8b: {  	v3 =	vor.u32 v3, v4  }
0x8c: {  	v4 =	vperm.xlane v3, v0;
	_ =	sdelay $0x1  }
0x8d: {  	v4 =	vadd.s32 v1, v4;
	_ =	sdelay $0x3  }
0x8e: {  	s14 =	simm.s32 $0x10200  }
0x8f: {  	[tilespmem:s14], [sflag:$0x3] =	stream.indirect_vreg.gather [hbm4b:s1+s3], $0x80, v4, vm0, $0xb8;
	[tilespmem:$0x18200] =	vst v63  }
0x90: {  	s7 =	simm.s32 $0x10A00;
	v3 =	vperm.xlane v3, v2  }
0x91: {  	[tilespmem:s7], [sflag:$0x3] =	stream.indirect_vreg.gather [hbm4b:s4+s3], $0x80, v4, vm0, $0xb8;
	[tilespmem:$0x18200] =	vst v63  }
0x92: {  	s8 =	simm.s32 $0x11200;
	v3 =	vadd.s32 v1, v3  }
0x93: {  	[tilespmem:s8], [sflag:$0x3] =	stream.indirect_vreg.gather [hbm4b:s5+s3], $0x80, v4, vm0, $0xb8;
	[tilespmem:$0x18200] =	vst v63  }
0x94: {  	s13 =	simm.s32 $0x11A00  }
0x95: {  	[tilespmem:s13], [sflag:$0x3] =	stream.indirect_vreg.gather [hbm4b:s6+s3], $0x80, v4, vm0, $0xb8;
	[tilespmem:$0x18200] =	vst v63  }
0x96: {  	s14 =	simm.s32 $0x12200  }
0x97: {  	[tilespmem:s14], [sflag:$0x3] =	stream.indirect_vreg.gather [hbm4b:s1+s3], $0x80, v3, vm0, $0xb8;
	[tilespmem:$0x18200] =	vst v63  }
0x98: {  	s7 =	simm.s32 $0x12A00  }
0x99: {  	[tilespmem:s7], [sflag:$0x3] =	stream.indirect_vreg.gather [hbm4b:s4+s3], $0x80, v3, vm0, $0xb8;
	[tilespmem:$0x18200] =	vst v63  }
0x9a: {  	s8 =	simm.s32 $0x13200  }
0x9b: {  	[tilespmem:s8], [sflag:$0x3] =	stream.indirect_vreg.gather [hbm4b:s5+s3], $0x80, v3, vm0, $0xb8;
	[tilespmem:$0x18200] =	vst v63  }
0x9c: {  	s13 =	simm.s32 $0x13A00  }
0x9d: {  	[tilespmem:s13], [sflag:$0x3] =	stream.indirect_vreg.gather [hbm4b:s6+s3], $0x80, v3, vm0, $0xb8;
	[tilespmem:$0x18200] =	vst v63  }
0x9e: {  	v3 =	vld [tilespmem:$0x50];
	_ =	sdelay $0x4  }
0x9f: {  	v37 =	vshll.u32 v3, $0x3  }
0xa0: {  	v3 =	vand.u32 $0x7, v3;
	v4 =	vand.u32 $0xFFFFFFC0, v37  }
0xa1: {  	v3 =	vor.u32 v3, v4  }
0xa2: {  	v4 =	vperm.xlane v3, v0;
	_ =	sdelay $0x1  }
0xa3: {  	v4 =	vadd.s32 v1, v4;
	_ =	sdelay $0x3  }
0xa4: {  	s14 =	simm.s32 $0x14200  }
0xa5: {  	[tilespmem:s14], [sflag:$0x3] =	stream.indirect_vreg.gather [hbm4b:s1+s3], $0x80, v4, vm0, $0xb8;
	[tilespmem:$0x18200] =	vst v63  }
0xa6: {  	s7 =	simm.s32 $0x14A00;
	v3 =	vperm.xlane v3, v2  }
0xa7: {  	[tilespmem:s7], [sflag:$0x3] =	stream.indirect_vreg.gather [hbm4b:s4+s3], $0x80, v4, vm0, $0xb8;
	[tilespmem:$0x18200] =	vst v63  }
0xa8: {  	s9 =	simm.s32 $0x15200;
	v3 =	vadd.s32 v1, v3  }
0xa9: {  	[tilespmem:s9], [sflag:$0x3] =	stream.indirect_vreg.gather [hbm4b:s5+s3], $0x80, v4, vm0, $0xb8;
	[tilespmem:$0x18200] =	vst v63  }
0xaa: {  	s14 =	simm.s32 $0x15A00  }
0xab: {  	[tilespmem:s14], [sflag:$0x3] =	stream.indirect_vreg.gather [hbm4b:s6+s3], $0x80, v4, vm0, $0xb8;
	[tilespmem:$0x18200] =	vst v63  }
0xac: {  	s7 =	simm.s32 $0x16200  }
0xad: {  	[tilespmem:s7], [sflag:$0x3] =	stream.indirect_vreg.gather [hbm4b:s1+s3], $0x80, v3, vm0, $0xb8;
	[tilespmem:$0x18200] =	vst v63  }
0xae: {  	s9 =	simm.s32 $0x16A00  }
0xaf: {  	[tilespmem:s9], [sflag:$0x3] =	stream.indirect_vreg.gather [hbm4b:s4+s3], $0x80, v3, vm0, $0xb8;
	[tilespmem:$0x18200] =	vst v63  }
0xb0: {  	s14 =	simm.s32 $0x17200  }
0xb1: {  	[tilespmem:s14], [sflag:$0x3] =	stream.indirect_vreg.gather [hbm4b:s5+s3], $0x80, v3, vm0, $0xb8;
	[tilespmem:$0x18200] =	vst v63  }
0xb2: {  	s7 =	simm.s32 $0x17A00  }
0xb3: {  	[tilespmem:s7], [sflag:$0x3] =	stream.indirect_vreg.gather [hbm4b:s6+s3], $0x80, v3, vm0, $0xb8;
	[tilespmem:$0x18200] =	vst v63  }
0xb4: {  	_ =	swait.ge [sflag:s2], $0x8000  }
0xb5: {  	[sflag:s2] =	ssyncset.done $0x0  }
0xb6: {  	s7 =	simm.s32 $0x200;
	s9 =	rddreg [dreg:$0x5];
	[sflag:s2] =	ssyncadd.s32 $0xFFFF8000  }
0xb7: {  	[hbm4b:s9+s0] =	stream.strided.scatter [tilespmem:s7], [sflag:$0x4], $0x4000, s28, s0, $0x38;
	[tilespmem:$0x18200] =	vst v63  }
0xb8: {  	s14 =	rddreg [dreg:$0x6];
	s9 =	simm.s32 $0x4200  }
0xb9: {  	[hbm4b:s14+s0] =	stream.strided.scatter [tilespmem:s9], [sflag:$0x4], $0x4000, s28, s0, $0x38;
	[tilespmem:$0x18200] =	vst v63  }
0xba: {  	_ =	swait.ge [sflag:s30], $0x4000  }
0xbb: {  	[sflag:s30] =	ssyncset.done $0x0  }
0xbc: {  	[sflag:s30] =	ssyncadd.s32 $0xFFFFC000  }
0xbd: {  	_ =	swait.ge [sflag:s30], $0x4000  }
0xbe: {  	[sflag:s30] =	ssyncset.done $0x0  }
0xbf: {  	[sflag:s30] =	ssyncadd.s32 $0xFFFFC000  }
0xc0: {  	v3 =	vld [tilespmem:$0x60];
	_ =	sdelay $0x4  }
0xc1: {  	v38 =	vshll.u32 v3, $0x3  }
0xc2: {  	v3 =	vand.u32 $0x7, v3;
	v4 =	vand.u32 $0xFFFFFFC0, v38  }
0xc3: {  	v3 =	vor.u32 v3, v4  }
0xc4: {  	v4 =	vperm.xlane v3, v0;
	_ =	sdelay $0x1  }
0xc5: {  	v4 =	vadd.s32 v1, v4;
	_ =	sdelay $0x4  }
0xc6: {  	[tilespmem:s7], [sflag:$0x1] =	stream.indirect_vreg.gather [hbm4b:s1+s3], $0x80, v4, vm0, $0xb8;
	[tilespmem:$0x18200] =	vst v63  }
0xc7: {  	s16 =	simm.s32 $0xA00;
	v3 =	vperm.xlane v3, v2  }
0xc8: {  	[tilespmem:s16], [sflag:$0x1] =	stream.indirect_vreg.gather [hbm4b:s4+s3], $0x80, v4, vm0, $0xb8;
	[tilespmem:$0x18200] =	vst v63  }
0xc9: {  	s24 =	simm.s32 $0x1200;
	v3 =	vadd.s32 v1, v3  }
0xca: {  	[tilespmem:s24], [sflag:$0x1] =	stream.indirect_vreg.gather [hbm4b:s5+s3], $0x80, v4, vm0, $0xb8;
	[tilespmem:$0x18200] =	vst v63  }
0xcb: {  	s24 =	simm.s32 $0x1A00  }
0xcc: {  	[tilespmem:s24], [sflag:$0x1] =	stream.indirect_vreg.gather [hbm4b:s6+s3], $0x80, v4, vm0, $0xb8;
	[tilespmem:$0x18200] =	vst v63  }
0xcd: {  	s13 =	simm.s32 $0x2200  }
0xce: {  	[tilespmem:s13], [sflag:$0x1] =	stream.indirect_vreg.gather [hbm4b:s1+s3], $0x80, v3, vm0, $0xb8;
	[tilespmem:$0x18200] =	vst v63  }
0xcf: {  	s14 =	simm.s32 $0x2A00  }
0xd0: {  	[tilespmem:s14], [sflag:$0x1] =	stream.indirect_vreg.gather [hbm4b:s4+s3], $0x80, v3, vm0, $0xb8;
	[tilespmem:$0x18200] =	vst v63  }
0xd1: {  	s16 =	simm.s32 $0x3200  }
0xd2: {  	[tilespmem:s16], [sflag:$0x1] =	stream.indirect_vreg.gather [hbm4b:s5+s3], $0x80, v3, vm0, $0xb8;
	[tilespmem:$0x18200] =	vst v63  }
0xd3: {  	s18 =	simm.s32 $0x3A00  }
0xd4: {  	[tilespmem:s18], [sflag:$0x1] =	stream.indirect_vreg.gather [hbm4b:s6+s3], $0x80, v3, vm0, $0xb8;
	[tilespmem:$0x18200] =	vst v63  }
0xd5: {  	v3 =	vld [tilespmem:$0x70];
	_ =	sdelay $0x4  }
0xd6: {  	v39 =	vshll.u32 v3, $0x3  }
0xd7: {  	v3 =	vand.u32 $0x7, v3;
	v4 =	vand.u32 $0xFFFFFFC0, v39  }
0xd8: {  	v3 =	vor.u32 v3, v4  }
0xd9: {  	v4 =	vperm.xlane v3, v0;
	_ =	sdelay $0x1  }
0xda: {  	v4 =	vadd.s32 v1, v4;
	_ =	sdelay $0x4  }
0xdb: {  	[tilespmem:s9], [sflag:$0x1] =	stream.indirect_vreg.gather [hbm4b:s1+s3], $0x80, v4, vm0, $0xb8;
	[tilespmem:$0x18200] =	vst v63  }
0xdc: {  	s19 =	simm.s32 $0x4A00;
	v3 =	vperm.xlane v3, v2  }
0xdd: {  	[tilespmem:s19], [sflag:$0x1] =	stream.indirect_vreg.gather [hbm4b:s4+s3], $0x80, v4, vm0, $0xb8;
	[tilespmem:$0x18200] =	vst v63  }
0xde: {  	s24 =	simm.s32 $0x5200;
	v3 =	vadd.s32 v1, v3  }
0xdf: {  	[tilespmem:s24], [sflag:$0x1] =	stream.indirect_vreg.gather [hbm4b:s5+s3], $0x80, v4, vm0, $0xb8;
	[tilespmem:$0x18200] =	vst v63  }
0xe0: {  	s21 =	simm.s32 $0x5A00  }
0xe1: {  	[tilespmem:s21], [sflag:$0x1] =	stream.indirect_vreg.gather [hbm4b:s6+s3], $0x80, v4, vm0, $0xb8;
	[tilespmem:$0x18200] =	vst v63  }
0xe2: {  	s25 =	simm.s32 $0x6200  }
0xe3: {  	[tilespmem:s25], [sflag:$0x1] =	stream.indirect_vreg.gather [hbm4b:s1+s3], $0x80, v3, vm0, $0xb8;
	[tilespmem:$0x18200] =	vst v63  }
0xe4: {  	s22 =	simm.s32 $0x6A00  }
0xe5: {  	[tilespmem:s22], [sflag:$0x1] =	stream.indirect_vreg.gather [hbm4b:s4+s3], $0x80, v3, vm0, $0xb8;
	[tilespmem:$0x18200] =	vst v63  }
0xe6: {  	s23 =	simm.s32 $0x7200  }
0xe7: {  	[tilespmem:s23], [sflag:$0x1] =	stream.indirect_vreg.gather [hbm4b:s5+s3], $0x80, v3, vm0, $0xb8;
	[tilespmem:$0x18200] =	vst v63  }
0xe8: {  	s15 =	simm.s32 $0x7A00  }
0xe9: {  	[tilespmem:s15], [sflag:$0x1] =	stream.indirect_vreg.gather [hbm4b:s6+s3], $0x80, v3, vm0, $0xb8;
	[tilespmem:$0x18200] =	vst v63  }
0xea: {  	_ =	swait.ge [sflag:s20], $0x8000  }
0xeb: {  	[sflag:s20] =	ssyncset.done $0x0  }
0xec: {  	s9 =	simm.s32 $0x8200;
	s25 =	rddreg [dreg:$0x7];
	[sflag:s20] =	ssyncadd.s32 $0xFFFF8000  }
0xed: {  	[hbm4b:s25+s0] =	stream.strided.scatter [tilespmem:s9], [sflag:$0x5], $0x4000, s28, s0, $0x38;
	[tilespmem:$0x18200] =	vst v63  }
0xee: {  	s17 =	simm.s32 $0xC200;
	s7 =	rddreg [dreg:$0x8]  }
0xef: {  	[hbm4b:s7+s0] =	stream.strided.scatter [tilespmem:s17], [sflag:$0x5], $0x4000, s28, s0, $0x38;
	[tilespmem:$0x18200] =	vst v63  }
0xf0: {  	_ =	swait.ge [sflag:s10], $0x4000  }
0xf1: {  	[sflag:s10] =	ssyncset.done $0x0  }
0xf2: {  	[sflag:s10] =	ssyncadd.s32 $0xFFFFC000  }
0xf3: {  	_ =	swait.ge [sflag:s10], $0x4000  }
0xf4: {  	[sflag:s10] =	ssyncset.done $0x0  }
0xf5: {  	[sflag:s10] =	ssyncadd.s32 $0xFFFFC000  }
0xf6: {  	v3 =	vld [tilespmem:$0x80];
	_ =	sdelay $0x4  }
0xf7: {  	v40 =	vshll.u32 v3, $0x3  }
0xf8: {  	v3 =	vand.u32 $0x7, v3;
	v4 =	vand.u32 $0xFFFFFFC0, v40  }
0xf9: {  	v3 =	vor.u32 v3, v4  }
0xfa: {  	v4 =	vperm.xlane v3, v0;
	_ =	sdelay $0x1  }
0xfb: {  	v4 =	vadd.s32 v1, v4;
	_ =	sdelay $0x4  }
0xfc: {  	[tilespmem:s9], [sflag:$0x2] =	stream.indirect_vreg.gather [hbm4b:s1+s3], $0x80, v4, vm0, $0xb8;
	[tilespmem:$0x18200] =	vst v63  }
0xfd: {  	s31 =	simm.s32 $0x8A00;
	v3 =	vperm.xlane v3, v2  }
0xfe: {  	[tilespmem:s31], [sflag:$0x2] =	stream.indirect_vreg.gather [hbm4b:s4+s3], $0x80, v4, vm0, $0xb8;
	[tilespmem:$0x18200] =	vst v63  }
0xff: {  	s22 =	simm.s32 $0x9200;
	v3 =	vadd.s32 v1, v3  }
0x100: {  	[tilespmem:s22], [sflag:$0x2] =	stream.indirect_vreg.gather [hbm4b:s5+s3], $0x80, v4, vm0, $0xb8;
	[tilespmem:$0x18200] =	vst v63  }
0x101: {  	s23 =	simm.s32 $0x9A00  }
0x102: {  	[tilespmem:s23], [sflag:$0x2] =	stream.indirect_vreg.gather [hbm4b:s6+s3], $0x80, v4, vm0, $0xb8;
	[tilespmem:$0x18200] =	vst v63  }
0x103: {  	s24 =	simm.s32 $0xA200  }
0x104: {  	[tilespmem:s24], [sflag:$0x2] =	stream.indirect_vreg.gather [hbm4b:s1+s3], $0x80, v3, vm0, $0xb8;
	[tilespmem:$0x18200] =	vst v63  }
0x105: {  	s25 =	simm.s32 $0xAA00  }
0x106: {  	[tilespmem:s25], [sflag:$0x2] =	stream.indirect_vreg.gather [hbm4b:s4+s3], $0x80, v3, vm0, $0xb8;
	[tilespmem:$0x18200] =	vst v63  }
0x107: {  	s16 =	simm.s32 $0xB200  }
0x108: {  	[tilespmem:s16], [sflag:$0x2] =	stream.indirect_vreg.gather [hbm4b:s5+s3], $0x80, v3, vm0, $0xb8;
	[tilespmem:$0x18200] =	vst v63  }
0x109: {  	s26 =	simm.s32 $0xBA00  }
0x10a: {  	[tilespmem:s26], [sflag:$0x2] =	stream.indirect_vreg.gather [hbm4b:s6+s3], $0x80, v3, vm0, $0xb8;
	[tilespmem:$0x18200] =	vst v63  }
0x10b: {  	v3 =	vld [tilespmem:$0x90];
	_ =	sdelay $0x4  }
0x10c: {  	v41 =	vshll.u32 v3, $0x3  }
0x10d: {  	v3 =	vand.u32 $0x7, v3;
	v4 =	vand.u32 $0xFFFFFFC0, v41  }
0x10e: {  	v3 =	vor.u32 v3, v4  }
0x10f: {  	v4 =	vperm.xlane v3, v0;
	_ =	sdelay $0x1  }
0x110: {  	v4 =	vadd.s32 v1, v4;
	_ =	sdelay $0x4  }
0x111: {  	[tilespmem:s17], [sflag:$0x2] =	stream.indirect_vreg.gather [hbm4b:s1+s3], $0x80, v4, vm0, $0xb8;
	[tilespmem:$0x18200] =	vst v63  }
0x112: {  	s29 =	simm.s32 $0xCA00;
	v3 =	vperm.xlane v3, v2  }
0x113: {  	[tilespmem:s29], [sflag:$0x2] =	stream.indirect_vreg.gather [hbm4b:s4+s3], $0x80, v4, vm0, $0xb8;
	[tilespmem:$0x18200] =	vst v63  }
0x114: {  	s26 =	simm.s32 $0xD200;
	v3 =	vadd.s32 v1, v3  }
0x115: {  	[tilespmem:s26], [sflag:$0x2] =	stream.indirect_vreg.gather [hbm4b:s5+s3], $0x80, v4, vm0, $0xb8;
	[tilespmem:$0x18200] =	vst v63  }
0x116: {  	s29 =	simm.s32 $0xDA00  }
0x117: {  	[tilespmem:s29], [sflag:$0x2] =	stream.indirect_vreg.gather [hbm4b:s6+s3], $0x80, v4, vm0, $0xb8;
	[tilespmem:$0x18200] =	vst v63  }
0x118: {  	s7 =	simm.s32 $0xE200  }
0x119: {  	[tilespmem:s7], [sflag:$0x2] =	stream.indirect_vreg.gather [hbm4b:s1+s3], $0x80, v3, vm0, $0xb8;
	[tilespmem:$0x18200] =	vst v63  }
0x11a: {  	s14 =	simm.s32 $0xEA00  }
0x11b: {  	[tilespmem:s14], [sflag:$0x2] =	stream.indirect_vreg.gather [hbm4b:s4+s3], $0x80, v3, vm0, $0xb8;
	[tilespmem:$0x18200] =	vst v63  }
0x11c: {  	s15 =	simm.s32 $0xF200  }
0x11d: {  	[tilespmem:s15], [sflag:$0x2] =	stream.indirect_vreg.gather [hbm4b:s5+s3], $0x80, v3, vm0, $0xb8;
	[tilespmem:$0x18200] =	vst v63  }
0x11e: {  	s9 =	simm.s32 $0xFA00  }
0x11f: {  	[tilespmem:s9], [sflag:$0x2] =	stream.indirect_vreg.gather [hbm4b:s6+s3], $0x80, v3, vm0, $0xb8;
	[tilespmem:$0x18200] =	vst v63  }
0x120: {  	_ =	swait.ge [sflag:s11], $0x8000  }
0x121: {  	[sflag:s11] =	ssyncset.done $0x0  }
0x122: {  	s31 =	simm.s32 $0x10200;
	s17 =	rddreg [dreg:$0x9];
	[sflag:s11] =	ssyncadd.s32 $0xFFFF8000  }
0x123: {  	[hbm4b:s17+s0] =	stream.strided.scatter [tilespmem:s31], [sflag:$0x6], $0x4000, s28, s0, $0x38;
	[tilespmem:$0x18200] =	vst v63  }
0x124: {  	s8 =	simm.s32 $0x14200;
	s21 =	rddreg [dreg:$0xa]  }
0x125: {  	[hbm4b:s21+s0] =	stream.strided.scatter [tilespmem:s8], [sflag:$0x6], $0x4000, s28, s0, $0x38;
	[tilespmem:$0x18200] =	vst v63  }
0x126: {  	_ =	swait.ge [sflag:s12], $0x4000  }
0x127: {  	[sflag:s12] =	ssyncset.done $0x0  }
0x128: {  	[sflag:s12] =	ssyncadd.s32 $0xFFFFC000  }
0x129: {  	_ =	swait.ge [sflag:s12], $0x4000  }
0x12a: {  	[sflag:s12] =	ssyncset.done $0x0  }
0x12b: {  	[sflag:s12] =	ssyncadd.s32 $0xFFFFC000  }
0x12c: {  	v3 =	vld [tilespmem:$0xA0];
	_ =	sdelay $0x4  }
0x12d: {  	v42 =	vshll.u32 v3, $0x3  }
0x12e: {  	v3 =	vand.u32 $0x7, v3;
	v4 =	vand.u32 $0xFFFFFFC0, v42  }
0x12f: {  	v3 =	vor.u32 v3, v4  }
0x130: {  	v4 =	vperm.xlane v3, v0;
	_ =	sdelay $0x1  }
0x131: {  	v4 =	vadd.s32 v1, v4;
	_ =	sdelay $0x4  }
0x132: {  	[tilespmem:s31], [sflag:$0x3] =	stream.indirect_vreg.gather [hbm4b:s1+s3], $0x80, v4, vm0, $0xb8;
	[tilespmem:$0x18200] =	vst v63  }
0x133: {  	s15 =	simm.s32 $0x10A00;
	v3 =	vperm.xlane v3, v2  }
0x134: {  	[tilespmem:s15], [sflag:$0x3] =	stream.indirect_vreg.gather [hbm4b:s4+s3], $0x80, v4, vm0, $0xb8;
	[tilespmem:$0x18200] =	vst v63  }
0x135: {  	s14 =	simm.s32 $0x11200;
	v3 =	vadd.s32 v1, v3  }
0x136: {  	[tilespmem:s14], [sflag:$0x3] =	stream.indirect_vreg.gather [hbm4b:s5+s3], $0x80, v4, vm0, $0xb8;
	[tilespmem:$0x18200] =	vst v63  }
0x137: {  	s17 =	simm.s32 $0x11A00  }
0x138: {  	[tilespmem:s17], [sflag:$0x3] =	stream.indirect_vreg.gather [hbm4b:s6+s3], $0x80, v4, vm0, $0xb8;
	[tilespmem:$0x18200] =	vst v63  }
0x139: {  	s21 =	simm.s32 $0x12200  }
0x13a: {  	[tilespmem:s21], [sflag:$0x3] =	stream.indirect_vreg.gather [hbm4b:s1+s3], $0x80, v3, vm0, $0xb8;
	[tilespmem:$0x18200] =	vst v63  }
0x13b: {  	s31 =	simm.s32 $0x12A00  }
0x13c: {  	[tilespmem:s31], [sflag:$0x3] =	stream.indirect_vreg.gather [hbm4b:s4+s3], $0x80, v3, vm0, $0xb8;
	[tilespmem:$0x18200] =	vst v63  }
0x13d: {  	s21 =	simm.s32 $0x13200  }
0x13e: {  	[tilespmem:s21], [sflag:$0x3] =	stream.indirect_vreg.gather [hbm4b:s5+s3], $0x80, v3, vm0, $0xb8;
	[tilespmem:$0x18200] =	vst v63  }
0x13f: {  	s14 =	simm.s32 $0x13A00  }
0x140: {  	[tilespmem:s14], [sflag:$0x3] =	stream.indirect_vreg.gather [hbm4b:s6+s3], $0x80, v3, vm0, $0xb8;
	[tilespmem:$0x18200] =	vst v63  }
0x141: {  	v3 =	vld [tilespmem:$0xB0];
	_ =	sdelay $0x4  }
0x142: {  	v43 =	vshll.u32 v3, $0x3  }
0x143: {  	v3 =	vand.u32 $0x7, v3;
	v4 =	vand.u32 $0xFFFFFFC0, v43  }
0x144: {  	v3 =	vor.u32 v3, v4  }
0x145: {  	v4 =	vperm.xlane v3, v0;
	_ =	sdelay $0x1  }
0x146: {  	v4 =	vadd.s32 v1, v4;
	_ =	sdelay $0x4  }
0x147: {  	[tilespmem:s8], [sflag:$0x3] =	stream.indirect_vreg.gather [hbm4b:s1+s3], $0x80, v4, vm0, $0xb8;
	[tilespmem:$0x18200] =	vst v63  }
0x148: {  	s17 =	simm.s32 $0x14A00;
	v3 =	vperm.xlane v3, v2  }
0x149: {  	[tilespmem:s17], [sflag:$0x3] =	stream.indirect_vreg.gather [hbm4b:s4+s3], $0x80, v4, vm0, $0xb8;
	[tilespmem:$0x18200] =	vst v63  }
0x14a: {  	s31 =	simm.s32 $0x15200;
	v3 =	vadd.s32 v1, v3  }
0x14b: {  	[tilespmem:s31], [sflag:$0x3] =	stream.indirect_vreg.gather [hbm4b:s5+s3], $0x80, v4, vm0, $0xb8;
	[tilespmem:$0x18200] =	vst v63  }
0x14c: {  	s13 =	simm.s32 $0x15A00  }
0x14d: {  	[tilespmem:s13], [sflag:$0x3] =	stream.indirect_vreg.gather [hbm4b:s6+s3], $0x80, v4, vm0, $0xb8;
	[tilespmem:$0x18200] =	vst v63  }
0x14e: {  	s14 =	simm.s32 $0x16200  }
0x14f: {  	[tilespmem:s14], [sflag:$0x3] =	stream.indirect_vreg.gather [hbm4b:s1+s3], $0x80, v3, vm0, $0xb8;
	[tilespmem:$0x18200] =	vst v63  }
0x150: {  	s17 =	simm.s32 $0x16A00  }
0x151: {  	[tilespmem:s17], [sflag:$0x3] =	stream.indirect_vreg.gather [hbm4b:s4+s3], $0x80, v3, vm0, $0xb8;
	[tilespmem:$0x18200] =	vst v63  }
0x152: {  	s31 =	simm.s32 $0x17200  }
0x153: {  	[tilespmem:s31], [sflag:$0x3] =	stream.indirect_vreg.gather [hbm4b:s5+s3], $0x80, v3, vm0, $0xb8;
	[tilespmem:$0x18200] =	vst v63  }
0x154: {  	s13 =	simm.s32 $0x17A00  }
0x155: {  	[tilespmem:s13], [sflag:$0x3] =	stream.indirect_vreg.gather [hbm4b:s6+s3], $0x80, v3, vm0, $0xb8;
	[tilespmem:$0x18200] =	vst v63  }
0x156: {  	_ =	swait.ge [sflag:s2], $0x8000  }
0x157: {  	[sflag:s2] =	ssyncset.done $0x0  }
0x158: {  	s8 =	simm.s32 $0x200;
	s14 =	rddreg [dreg:$0xb];
	[sflag:s2] =	ssyncadd.s32 $0xFFFF8000  }
0x159: {  	[hbm4b:s14+s0] =	stream.strided.scatter [tilespmem:s8], [sflag:$0x4], $0x4000, s28, s0, $0x38;
	[tilespmem:$0x18200] =	vst v63  }
0x15a: {  	s18 =	simm.s32 $0x4200;
	s17 =	rddreg [dreg:$0xc]  }
0x15b: {  	[hbm4b:s17+s0] =	stream.strided.scatter [tilespmem:s18], [sflag:$0x4], $0x4000, s28, s0, $0x38;
	[tilespmem:$0x18200] =	vst v63  }
0x15c: {  	_ =	swait.ge [sflag:s30], $0x4000  }
0x15d: {  	[sflag:s30] =	ssyncset.done $0x0  }
0x15e: {  	[sflag:s30] =	ssyncadd.s32 $0xFFFFC000  }
0x15f: {  	_ =	swait.ge [sflag:s30], $0x4000  }
0x160: {  	[sflag:s30] =	ssyncset.done $0x0  }
0x161: {  	[sflag:s30] =	ssyncadd.s32 $0xFFFFC000  }
0x162: {  	v3 =	vld [tilespmem:$0xC0];
	_ =	sdelay $0x4  }
0x163: {  	v44 =	vshll.u32 v3, $0x3  }
0x164: {  	v3 =	vand.u32 $0x7, v3;
	v4 =	vand.u32 $0xFFFFFFC0, v44  }
0x165: {  	v3 =	vor.u32 v3, v4  }
0x166: {  	v4 =	vperm.xlane v3, v0;
	_ =	sdelay $0x1  }
0x167: {  	v4 =	vadd.s32 v1, v4;
	_ =	sdelay $0x4  }
0x168: {  	[tilespmem:s8], [sflag:$0x1] =	stream.indirect_vreg.gather [hbm4b:s1+s3], $0x80, v4, vm0, $0xb8;
	[tilespmem:$0x18200] =	vst v63  }
0x169: {  	s13 =	simm.s32 $0xA00;
	v3 =	vperm.xlane v3, v2  }
0x16a: {  	[tilespmem:s13], [sflag:$0x1] =	stream.indirect_vreg.gather [hbm4b:s4+s3], $0x80, v4, vm0, $0xb8;
	[tilespmem:$0x18200] =	vst v63  }
0x16b: {  	s14 =	simm.s32 $0x1200;
	v3 =	vadd.s32 v1, v3  }
0x16c: {  	[tilespmem:s14], [sflag:$0x1] =	stream.indirect_vreg.gather [hbm4b:s5+s3], $0x80, v4, vm0, $0xb8;
	[tilespmem:$0x18200] =	vst v63  }
0x16d: {  	s17 =	simm.s32 $0x1A00  }
0x16e: {  	[tilespmem:s17], [sflag:$0x1] =	stream.indirect_vreg.gather [hbm4b:s6+s3], $0x80, v4, vm0, $0xb8;
	[tilespmem:$0x18200] =	vst v63  }
0x16f: {  	s31 =	simm.s32 $0x2200  }
0x170: {  	[tilespmem:s31], [sflag:$0x1] =	stream.indirect_vreg.gather [hbm4b:s1+s3], $0x80, v3, vm0, $0xb8;
	[tilespmem:$0x18200] =	vst v63  }
0x171: {  	s13 =	simm.s32 $0x2A00  }
0x172: {  	[tilespmem:s13], [sflag:$0x1] =	stream.indirect_vreg.gather [hbm4b:s4+s3], $0x80, v3, vm0, $0xb8;
	[tilespmem:$0x18200] =	vst v63  }
0x173: {  	s14 =	simm.s32 $0x3200  }
0x174: {  	[tilespmem:s14], [sflag:$0x1] =	stream.indirect_vreg.gather [hbm4b:s5+s3], $0x80, v3, vm0, $0xb8;
	[tilespmem:$0x18200] =	vst v63  }
0x175: {  	s17 =	simm.s32 $0x3A00  }
0x176: {  	[tilespmem:s17], [sflag:$0x1] =	stream.indirect_vreg.gather [hbm4b:s6+s3], $0x80, v3, vm0, $0xb8;
	[tilespmem:$0x18200] =	vst v63  }
0x177: {  	v3 =	vld [tilespmem:$0xD0];
	_ =	sdelay $0x4  }
0x178: {  	v45 =	vshll.u32 v3, $0x3  }
0x179: {  	v3 =	vand.u32 $0x7, v3;
	v4 =	vand.u32 $0xFFFFFFC0, v45  }
0x17a: {  	v3 =	vor.u32 v3, v4  }
0x17b: {  	v4 =	vperm.xlane v3, v0;
	_ =	sdelay $0x1  }
0x17c: {  	v4 =	vadd.s32 v1, v4;
	_ =	sdelay $0x4  }
0x17d: {  	[tilespmem:s18], [sflag:$0x1] =	stream.indirect_vreg.gather [hbm4b:s1+s3], $0x80, v4, vm0, $0xb8;
	[tilespmem:$0x18200] =	vst v63  }
0x17e: {  	v3 =	vperm.xlane v3, v2;
	s18 =	simm.s32 $0x4A00  }
0x17f: {  	[tilespmem:s18], [sflag:$0x1] =	stream.indirect_vreg.gather [hbm4b:s4+s3], $0x80, v4, vm0, $0xb8;
	[tilespmem:$0x18200] =	vst v63  }
0x180: {  	s19 =	simm.s32 $0x5200;
	v3 =	vadd.s32 v1, v3  }
0x181: {  	[tilespmem:s19], [sflag:$0x1] =	stream.indirect_vreg.gather [hbm4b:s5+s3], $0x80, v4, vm0, $0xb8;
	[tilespmem:$0x18200] =	vst v63  }
0x182: {  	s31 =	simm.s32 $0x5A00  }
0x183: {  	[tilespmem:s31], [sflag:$0x1] =	stream.indirect_vreg.gather [hbm4b:s6+s3], $0x80, v4, vm0, $0xb8;
	[tilespmem:$0x18200] =	vst v63  }
0x184: {  	s13 =	simm.s32 $0x6200  }
0x185: {  	[tilespmem:s13], [sflag:$0x1] =	stream.indirect_vreg.gather [hbm4b:s1+s3], $0x80, v3, vm0, $0xb8;
	[tilespmem:$0x18200] =	vst v63  }
0x186: {  	s14 =	simm.s32 $0x6A00  }
0x187: {  	[tilespmem:s14], [sflag:$0x1] =	stream.indirect_vreg.gather [hbm4b:s4+s3], $0x80, v3, vm0, $0xb8;
	[tilespmem:$0x18200] =	vst v63  }
0x188: {  	s17 =	simm.s32 $0x7200  }
0x189: {  	[tilespmem:s17], [sflag:$0x1] =	stream.indirect_vreg.gather [hbm4b:s5+s3], $0x80, v3, vm0, $0xb8;
	[tilespmem:$0x18200] =	vst v63  }
0x18a: {  	s18 =	simm.s32 $0x7A00  }
0x18b: {  	[tilespmem:s18], [sflag:$0x1] =	stream.indirect_vreg.gather [hbm4b:s6+s3], $0x80, v3, vm0, $0xb8;
	[tilespmem:$0x18200] =	vst v63  }
0x18c: {  	_ =	swait.ge [sflag:s20], $0x8000  }
0x18d: {  	[sflag:s20] =	ssyncset.done $0x0  }
0x18e: {  	s17 =	simm.s32 $0x8200;
	s19 =	rddreg [dreg:$0xd];
	[sflag:s20] =	ssyncadd.s32 $0xFFFF8000  }
0x18f: {  	[hbm4b:s19+s0] =	stream.strided.scatter [tilespmem:s17], [sflag:$0x5], $0x4000, s28, s0, $0x38;
	[tilespmem:$0x18200] =	vst v63  }
0x190: {  	s18 =	simm.s32 $0xC200;
	s8 =	rddreg [dreg:$0xe]  }
0x191: {  	[hbm4b:s8+s0] =	stream.strided.scatter [tilespmem:s18], [sflag:$0x5], $0x4000, s28, s0, $0x38;
	[tilespmem:$0x18200] =	vst v63  }
0x192: {  	_ =	swait.ge [sflag:s10], $0x4000  }
0x193: {  	[sflag:s10] =	ssyncset.done $0x0  }
0x194: {  	[sflag:s10] =	ssyncadd.s32 $0xFFFFC000  }
0x195: {  	_ =	swait.ge [sflag:s10], $0x4000  }
0x196: {  	[sflag:s10] =	ssyncset.done $0x0  }
0x197: {  	[sflag:s10] =	ssyncadd.s32 $0xFFFFC000  }
0x198: {  	v3 =	vld [tilespmem:$0xE0];
	_ =	sdelay $0x4  }
0x199: {  	v46 =	vshll.u32 v3, $0x3  }
0x19a: {  	v3 =	vand.u32 $0x7, v3;
	v4 =	vand.u32 $0xFFFFFFC0, v46  }
0x19b: {  	v3 =	vor.u32 v3, v4  }
0x19c: {  	v4 =	vperm.xlane v3, v0;
	_ =	sdelay $0x1  }
0x19d: {  	v4 =	vadd.s32 v1, v4;
	_ =	sdelay $0x4  }
0x19e: {  	[tilespmem:s17], [sflag:$0x2] =	stream.indirect_vreg.gather [hbm4b:s1+s3], $0x80, v4, vm0, $0xb8;
	[tilespmem:$0x18200] =	vst v63  }
0x19f: {  	s31 =	simm.s32 $0x8A00;
	v3 =	vperm.xlane v3, v2  }
0x1a0: {  	[tilespmem:s31], [sflag:$0x2] =	stream.indirect_vreg.gather [hbm4b:s4+s3], $0x80, v4, vm0, $0xb8;
	[tilespmem:$0x18200] =	vst v63  }
0x1a1: {  	v3 =	vadd.s32 v1, v3  }
0x1a2: {  	[tilespmem:s22], [sflag:$0x2] =	stream.indirect_vreg.gather [hbm4b:s5+s3], $0x80, v4, vm0, $0xb8;
	[tilespmem:$0x18200] =	vst v63  }
0x1a3: {  	_ = 	snop  }
0x1a4: {  	[tilespmem:s23], [sflag:$0x2] =	stream.indirect_vreg.gather [hbm4b:s6+s3], $0x80, v4, vm0, $0xb8;
	[tilespmem:$0x18200] =	vst v63  }
0x1a5: {  	_ = 	snop  }
0x1a6: {  	[tilespmem:s24], [sflag:$0x2] =	stream.indirect_vreg.gather [hbm4b:s1+s3], $0x80, v3, vm0, $0xb8;
	[tilespmem:$0x18200] =	vst v63  }
0x1a7: {  	_ = 	snop  }
0x1a8: {  	[tilespmem:s25], [sflag:$0x2] =	stream.indirect_vreg.gather [hbm4b:s4+s3], $0x80, v3, vm0, $0xb8;
	[tilespmem:$0x18200] =	vst v63  }
0x1a9: {  	_ = 	snop  }
0x1aa: {  	[tilespmem:s16], [sflag:$0x2] =	stream.indirect_vreg.gather [hbm4b:s5+s3], $0x80, v3, vm0, $0xb8;
	[tilespmem:$0x18200] =	vst v63  }
0x1ab: {  	s19 =	simm.s32 $0xBA00  }
0x1ac: {  	[tilespmem:s19], [sflag:$0x2] =	stream.indirect_vreg.gather [hbm4b:s6+s3], $0x80, v3, vm0, $0xb8;
	[tilespmem:$0x18200] =	vst v63  }
0x1ad: {  	v3 =	vld [tilespmem:$0xF0];
	_ =	sdelay $0x4  }
0x1ae: {  	v47 =	vshll.u32 v3, $0x3  }
0x1af: {  	v3 =	vand.u32 $0x7, v3;
	v4 =	vand.u32 $0xFFFFFFC0, v47  }
0x1b0: {  	v3 =	vor.u32 v3, v4  }
0x1b1: {  	v4 =	vperm.xlane v3, v0;
	_ =	sdelay $0x1  }
0x1b2: {  	v4 =	vadd.s32 v1, v4;
	_ =	sdelay $0x4  }
0x1b3: {  	[tilespmem:s18], [sflag:$0x2] =	stream.indirect_vreg.gather [hbm4b:s1+s3], $0x80, v4, vm0, $0xb8;
	[tilespmem:$0x18200] =	vst v63  }
0x1b4: {  	s25 =	simm.s32 $0xCA00;
	v3 =	vperm.xlane v3, v2  }
0x1b5: {  	[tilespmem:s25], [sflag:$0x2] =	stream.indirect_vreg.gather [hbm4b:s4+s3], $0x80, v4, vm0, $0xb8;
	[tilespmem:$0x18200] =	vst v63  }
0x1b6: {  	v3 =	vadd.s32 v1, v3  }
0x1b7: {  	[tilespmem:s26], [sflag:$0x2] =	stream.indirect_vreg.gather [hbm4b:s5+s3], $0x80, v4, vm0, $0xb8;
	[tilespmem:$0x18200] =	vst v63  }
0x1b8: {  	_ = 	snop  }
0x1b9: {  	[tilespmem:s29], [sflag:$0x2] =	stream.indirect_vreg.gather [hbm4b:s6+s3], $0x80, v4, vm0, $0xb8;
	[tilespmem:$0x18200] =	vst v63  }
0x1ba: {  	_ = 	snop  }
0x1bb: {  	[tilespmem:s7], [sflag:$0x2] =	stream.indirect_vreg.gather [hbm4b:s1+s3], $0x80, v3, vm0, $0xb8;
	[tilespmem:$0x18200] =	vst v63  }
0x1bc: {  	s18 =	simm.s32 $0xEA00  }
0x1bd: {  	[tilespmem:s18], [sflag:$0x2] =	stream.indirect_vreg.gather [hbm4b:s4+s3], $0x80, v3, vm0, $0xb8;
	[tilespmem:$0x18200] =	vst v63  }
0x1be: {  	s13 =	simm.s32 $0xF200  }
0x1bf: {  	[tilespmem:s13], [sflag:$0x2] =	stream.indirect_vreg.gather [hbm4b:s5+s3], $0x80, v3, vm0, $0xb8;
	[tilespmem:$0x18200] =	vst v63  }
0x1c0: {  	_ = 	snop  }
0x1c1: {  	[tilespmem:s9], [sflag:$0x2] =	stream.indirect_vreg.gather [hbm4b:s6+s3], $0x80, v3, vm0, $0xb8;
	[tilespmem:$0x18200] =	vst v63  }
0x1c2: {  	_ =	swait.ge [sflag:s11], $0x8000  }
0x1c3: {  	[sflag:s11] =	ssyncset.done $0x0  }
0x1c4: {  	s23 =	simm.s32 $0x10200;
	s14 =	rddreg [dreg:$0xf];
	[sflag:s11] =	ssyncadd.s32 $0xFFFF8000  }
0x1c5: {  	[hbm4b:s14+s0] =	stream.strided.scatter [tilespmem:s23], [sflag:$0x6], $0x4000, s28, s0, $0x38;
	[tilespmem:$0x18200] =	vst v63  }
0x1c6: {  	s24 =	simm.s32 $0x14200;
	s22 =	rddreg [dreg:$0x10]  }
0x1c7: {  	[hbm4b:s22+s0] =	stream.strided.scatter [tilespmem:s24], [sflag:$0x6], $0x4000, s28, s0, $0x38;
	[tilespmem:$0x18200] =	vst v63  }
0x1c8: {  	_ =	swait.ge [sflag:s12], $0x4000  }
0x1c9: {  	[sflag:s12] =	ssyncset.done $0x0  }
0x1ca: {  	[sflag:s12] =	ssyncadd.s32 $0xFFFFC000  }
0x1cb: {  	_ =	swait.ge [sflag:s12], $0x4000  }
0x1cc: {  	[sflag:s12] =	ssyncset.done $0x0  }
0x1cd: {  	[sflag:s12] =	ssyncadd.s32 $0xFFFFC000  }
0x1ce: {  	v3 =	vld [tilespmem:$0x100];
	_ =	sdelay $0x4  }
0x1cf: {  	v48 =	vshll.u32 v3, $0x3  }
0x1d0: {  	v3 =	vand.u32 $0x7, v3;
	v4 =	vand.u32 $0xFFFFFFC0, v48  }
0x1d1: {  	v3 =	vor.u32 v3, v4  }
0x1d2: {  	v4 =	vperm.xlane v3, v0;
	_ =	sdelay $0x1  }
0x1d3: {  	v4 =	vadd.s32 v1, v4;
	_ =	sdelay $0x4  }
0x1d4: {  	[tilespmem:s23], [sflag:$0x3] =	stream.indirect_vreg.gather [hbm4b:s1+s3], $0x80, v4, vm0, $0xb8;
	[tilespmem:$0x18200] =	vst v63  }
0x1d5: {  	v3 =	vperm.xlane v3, v2  }
0x1d6: {  	[tilespmem:s15], [sflag:$0x3] =	stream.indirect_vreg.gather [hbm4b:s4+s3], $0x80, v4, vm0, $0xb8;
	[tilespmem:$0x18200] =	vst v63  }
0x1d7: {  	s25 =	simm.s32 $0x11200;
	v3 =	vadd.s32 v1, v3  }
0x1d8: {  	[tilespmem:s25], [sflag:$0x3] =	stream.indirect_vreg.gather [hbm4b:s5+s3], $0x80, v4, vm0, $0xb8;
	[tilespmem:$0x18200] =	vst v63  }
0x1d9: {  	s26 =	simm.s32 $0x11A00  }
0x1da: {  	[tilespmem:s26], [sflag:$0x3] =	stream.indirect_vreg.gather [hbm4b:s6+s3], $0x80, v4, vm0, $0xb8;
	[tilespmem:$0x18200] =	vst v63  }
0x1db: {  	s29 =	simm.s32 $0x12200  }
0x1dc: {  	[tilespmem:s29], [sflag:$0x3] =	stream.indirect_vreg.gather [hbm4b:s1+s3], $0x80, v3, vm0, $0xb8;
	[tilespmem:$0x18200] =	vst v63  }
0x1dd: {  	s9 =	simm.s32 $0x12A00  }
0x1de: {  	[tilespmem:s9], [sflag:$0x3] =	stream.indirect_vreg.gather [hbm4b:s4+s3], $0x80, v3, vm0, $0xb8;
	[tilespmem:$0x18200] =	vst v63  }
0x1df: {  	_ = 	snop  }
0x1e0: {  	[tilespmem:s21], [sflag:$0x3] =	stream.indirect_vreg.gather [hbm4b:s5+s3], $0x80, v3, vm0, $0xb8;
	[tilespmem:$0x18200] =	vst v63  }
0x1e1: {  	s8 =	simm.s32 $0x13A00  }
0x1e2: {  	[tilespmem:s8], [sflag:$0x3] =	stream.indirect_vreg.gather [hbm4b:s6+s3], $0x80, v3, vm0, $0xb8;
	[tilespmem:$0x18200] =	vst v63  }
0x1e3: {  	v3 =	vld [tilespmem:$0x110];
	_ =	sdelay $0x4  }
0x1e4: {  	v49 =	vshll.u32 v3, $0x3  }
0x1e5: {  	v3 =	vand.u32 $0x7, v3;
	v4 =	vand.u32 $0xFFFFFFC0, v49  }
0x1e6: {  	v3 =	vor.u32 v3, v4  }
0x1e7: {  	v4 =	vperm.xlane v3, v0;
	_ =	sdelay $0x1  }
0x1e8: {  	v4 =	vadd.s32 v1, v4;
	_ =	sdelay $0x4  }
0x1e9: {  	[tilespmem:s24], [sflag:$0x3] =	stream.indirect_vreg.gather [hbm4b:s1+s3], $0x80, v4, vm0, $0xb8;
	[tilespmem:$0x18200] =	vst v63  }
0x1ea: {  	s13 =	simm.s32 $0x14A00;
	v3 =	vperm.xlane v3, v2  }
0x1eb: {  	[tilespmem:s13], [sflag:$0x3] =	stream.indirect_vreg.gather [hbm4b:s4+s3], $0x80, v4, vm0, $0xb8;
	[tilespmem:$0x18200] =	vst v63  }
0x1ec: {  	s14 =	simm.s32 $0x15200;
	v3 =	vadd.s32 v1, v3  }
0x1ed: {  	[tilespmem:s14], [sflag:$0x3] =	stream.indirect_vreg.gather [hbm4b:s5+s3], $0x80, v4, vm0, $0xb8;
	[tilespmem:$0x18200] =	vst v63  }
0x1ee: {  	s15 =	simm.s32 $0x15A00  }
0x1ef: {  	[tilespmem:s15], [sflag:$0x3] =	stream.indirect_vreg.gather [hbm4b:s6+s3], $0x80, v4, vm0, $0xb8;
	[tilespmem:$0x18200] =	vst v63  }
0x1f0: {  	s21 =	simm.s32 $0x16200  }
0x1f1: {  	[tilespmem:s21], [sflag:$0x3] =	stream.indirect_vreg.gather [hbm4b:s1+s3], $0x80, v3, vm0, $0xb8;
	[tilespmem:$0x18200] =	vst v63  }
0x1f2: {  	s22 =	simm.s32 $0x16A00  }
0x1f3: {  	[tilespmem:s22], [sflag:$0x3] =	stream.indirect_vreg.gather [hbm4b:s4+s3], $0x80, v3, vm0, $0xb8;
	[tilespmem:$0x18200] =	vst v63  }
0x1f4: {  	s21 =	simm.s32 $0x17200  }
0x1f5: {  	[tilespmem:s21], [sflag:$0x3] =	stream.indirect_vreg.gather [hbm4b:s5+s3], $0x80, v3, vm0, $0xb8;
	[tilespmem:$0x18200] =	vst v63  }
0x1f6: {  	s23 =	simm.s32 $0x17A00  }
0x1f7: {  	[tilespmem:s23], [sflag:$0x3] =	stream.indirect_vreg.gather [hbm4b:s6+s3], $0x80, v3, vm0, $0xb8;
	[tilespmem:$0x18200] =	vst v63  }
0x1f8: {  	_ =	swait.ge [sflag:s2], $0x8000  }
0x1f9: {  	[sflag:s2] =	ssyncset.done $0x0  }
0x1fa: {  	s26 =	simm.s32 $0x200;
	s24 =	rddreg [dreg:$0x11];
	[sflag:s2] =	ssyncadd.s32 $0xFFFF8000  }
0x1fb: {  	[hbm4b:s24+s0] =	stream.strided.scatter [tilespmem:s26], [sflag:$0x4], $0x4000, s28, s0, $0x38;
	[tilespmem:$0x18200] =	vst v63  }
0x1fc: {  	s29 =	simm.s32 $0x4200;
	s25 =	rddreg [dreg:$0x12]  }
0x1fd: {  	[hbm4b:s25+s0] =	stream.strided.scatter [tilespmem:s29], [sflag:$0x4], $0x4000, s28, s0, $0x38;
	[tilespmem:$0x18200] =	vst v63  }
0x1fe: {  	_ =	swait.ge [sflag:s30], $0x4000  }
0x1ff: {  	[sflag:s30] =	ssyncset.done $0x0  }
0x200: {  	[sflag:s30] =	ssyncadd.s32 $0xFFFFC000  }
0x201: {  	_ =	swait.ge [sflag:s30], $0x4000  }
0x202: {  	[sflag:s30] =	ssyncset.done $0x0  }
0x203: {  	[sflag:s30] =	ssyncadd.s32 $0xFFFFC000  }
0x204: {  	v3 =	vld [tilespmem:$0x120];
	_ =	sdelay $0x4  }
0x205: {  	v50 =	vshll.u32 v3, $0x3  }
0x206: {  	v3 =	vand.u32 $0x7, v3;
	v4 =	vand.u32 $0xFFFFFFC0, v50  }
0x207: {  	v3 =	vor.u32 v3, v4  }
0x208: {  	v4 =	vperm.xlane v3, v0;
	_ =	sdelay $0x1  }
0x209: {  	v4 =	vadd.s32 v1, v4;
	_ =	sdelay $0x4  }
0x20a: {  	[tilespmem:s26], [sflag:$0x1] =	stream.indirect_vreg.gather [hbm4b:s1+s3], $0x80, v4, vm0, $0xb8;
	[tilespmem:$0x18200] =	vst v63  }
0x20b: {  	s24 =	simm.s32 $0xA00;
	v3 =	vperm.xlane v3, v2  }
0x20c: {  	[tilespmem:s24], [sflag:$0x1] =	stream.indirect_vreg.gather [hbm4b:s4+s3], $0x80, v4, vm0, $0xb8;
	[tilespmem:$0x18200] =	vst v63  }
0x20d: {  	s25 =	simm.s32 $0x1200;
	v3 =	vadd.s32 v1, v3  }
0x20e: {  	[tilespmem:s25], [sflag:$0x1] =	stream.indirect_vreg.gather [hbm4b:s5+s3], $0x80, v4, vm0, $0xb8;
	[tilespmem:$0x18200] =	vst v63  }
0x20f: {  	s22 =	simm.s32 $0x1A00  }
0x210: {  	[tilespmem:s22], [sflag:$0x1] =	stream.indirect_vreg.gather [hbm4b:s6+s3], $0x80, v4, vm0, $0xb8;
	[tilespmem:$0x18200] =	vst v63  }
0x211: {  	s23 =	simm.s32 $0x2200  }
0x212: {  	[tilespmem:s23], [sflag:$0x1] =	stream.indirect_vreg.gather [hbm4b:s1+s3], $0x80, v3, vm0, $0xb8;
	[tilespmem:$0x18200] =	vst v63  }
0x213: {  	s24 =	simm.s32 $0x2A00  }
0x214: {  	[tilespmem:s24], [sflag:$0x1] =	stream.indirect_vreg.gather [hbm4b:s4+s3], $0x80, v3, vm0, $0xb8;
	[tilespmem:$0x18200] =	vst v63  }
0x215: {  	s25 =	simm.s32 $0x3200  }
0x216: {  	[tilespmem:s25], [sflag:$0x1] =	stream.indirect_vreg.gather [hbm4b:s5+s3], $0x80, v3, vm0, $0xb8;
	[tilespmem:$0x18200] =	vst v63  }
0x217: {  	s26 =	simm.s32 $0x3A00  }
0x218: {  	[tilespmem:s26], [sflag:$0x1] =	stream.indirect_vreg.gather [hbm4b:s6+s3], $0x80, v3, vm0, $0xb8;
	[tilespmem:$0x18200] =	vst v63  }
0x219: {  	v3 =	vld [tilespmem:$0x130];
	_ =	sdelay $0x4  }
0x21a: {  	v51 =	vshll.u32 v3, $0x3  }
0x21b: {  	v3 =	vand.u32 $0x7, v3;
	v4 =	vand.u32 $0xFFFFFFC0, v51  }
0x21c: {  	v3 =	vor.u32 v3, v4  }
0x21d: {  	v4 =	vperm.xlane v3, v0;
	_ =	sdelay $0x1  }
0x21e: {  	v4 =	vadd.s32 v1, v4;
	_ =	sdelay $0x4  }
0x21f: {  	[tilespmem:s29], [sflag:$0x1] =	stream.indirect_vreg.gather [hbm4b:s1+s3], $0x80, v4, vm0, $0xb8;
	[tilespmem:$0x18200] =	vst v63  }
0x220: {  	v3 =	vperm.xlane v3, v2;
	s29 =	simm.s32 $0x4A00  }
0x221: {  	[tilespmem:s29], [sflag:$0x1] =	stream.indirect_vreg.gather [hbm4b:s4+s3], $0x80, v4, vm0, $0xb8;
	[tilespmem:$0x18200] =	vst v63  }
0x222: {  	s26 =	simm.s32 $0x5200;
	v3 =	vadd.s32 v1, v3  }
0x223: {  	[tilespmem:s26], [sflag:$0x1] =	stream.indirect_vreg.gather [hbm4b:s5+s3], $0x80, v4, vm0, $0xb8;
	[tilespmem:$0x18200] =	vst v63  }
0x224: {  	s29 =	simm.s32 $0x5A00  }
0x225: {  	[tilespmem:s29], [sflag:$0x1] =	stream.indirect_vreg.gather [hbm4b:s6+s3], $0x80, v4, vm0, $0xb8;
	[tilespmem:$0x18200] =	vst v63  }
0x226: {  	s14 =	simm.s32 $0x6200  }
0x227: {  	[tilespmem:s14], [sflag:$0x1] =	stream.indirect_vreg.gather [hbm4b:s1+s3], $0x80, v3, vm0, $0xb8;
	[tilespmem:$0x18200] =	vst v63  }
0x228: {  	s15 =	simm.s32 $0x6A00  }
0x229: {  	[tilespmem:s15], [sflag:$0x1] =	stream.indirect_vreg.gather [hbm4b:s4+s3], $0x80, v3, vm0, $0xb8;
	[tilespmem:$0x18200] =	vst v63  }
0x22a: {  	s14 =	simm.s32 $0x7200  }
0x22b: {  	[tilespmem:s14], [sflag:$0x1] =	stream.indirect_vreg.gather [hbm4b:s5+s3], $0x80, v3, vm0, $0xb8;
	[tilespmem:$0x18200] =	vst v63  }
0x22c: {  	s15 =	simm.s32 $0x7A00  }
0x22d: {  	[tilespmem:s15], [sflag:$0x1] =	stream.indirect_vreg.gather [hbm4b:s6+s3], $0x80, v3, vm0, $0xb8;
	[tilespmem:$0x18200] =	vst v63  }
0x22e: {  	_ =	swait.ge [sflag:s20], $0x8000  }
0x22f: {  	[sflag:s20] =	ssyncset.done $0x0  }
0x230: {  	s17 =	simm.s32 $0x8200;
	s14 =	rddreg [dreg:$0x13];
	[sflag:s20] =	ssyncadd.s32 $0xFFFF8000  }
0x231: {  	[hbm4b:s14+s0] =	stream.strided.scatter [tilespmem:s17], [sflag:$0x5], $0x4000, s28, s0, $0x38;
	[tilespmem:$0x18200] =	vst v63  }
0x232: {  	s16 =	simm.s32 $0xC200;
	s15 =	rddreg [dreg:$0x14]  }
0x233: {  	[hbm4b:s15+s0] =	stream.strided.scatter [tilespmem:s16], [sflag:$0x5], $0x4000, s28, s0, $0x38;
	[tilespmem:$0x18200] =	vst v63  }
0x234: {  	_ =	swait.ge [sflag:s10], $0x4000  }
0x235: {  	[sflag:s10] =	ssyncset.done $0x0  }
0x236: {  	[sflag:s10] =	ssyncadd.s32 $0xFFFFC000  }
0x237: {  	_ =	swait.ge [sflag:s10], $0x4000  }
0x238: {  	[sflag:s10] =	ssyncset.done $0x0  }
0x239: {  	[sflag:s10] =	ssyncadd.s32 $0xFFFFC000  }
0x23a: {  	v3 =	vld [tilespmem:$0x140];
	_ =	sdelay $0x4  }
0x23b: {  	v52 =	vshll.u32 v3, $0x3  }
0x23c: {  	v3 =	vand.u32 $0x7, v3;
	v4 =	vand.u32 $0xFFFFFFC0, v52  }
0x23d: {  	v3 =	vor.u32 v3, v4  }
0x23e: {  	v4 =	vperm.xlane v3, v0;
	_ =	sdelay $0x1  }
0x23f: {  	v4 =	vadd.s32 v1, v4;
	_ =	sdelay $0x4  }
0x240: {  	[tilespmem:s17], [sflag:$0x2] =	stream.indirect_vreg.gather [hbm4b:s1+s3], $0x80, v4, vm0, $0xb8;
	[tilespmem:$0x18200] =	vst v63  }
0x241: {  	v3 =	vperm.xlane v3, v2  }
0x242: {  	[tilespmem:s31], [sflag:$0x2] =	stream.indirect_vreg.gather [hbm4b:s4+s3], $0x80, v4, vm0, $0xb8;
	[tilespmem:$0x18200] =	vst v63  }
0x243: {  	s14 =	simm.s32 $0x9200;
	v3 =	vadd.s32 v1, v3  }
0x244: {  	[tilespmem:s14], [sflag:$0x2] =	stream.indirect_vreg.gather [hbm4b:s5+s3], $0x80, v4, vm0, $0xb8;
	[tilespmem:$0x18200] =	vst v63  }
0x245: {  	s15 =	simm.s32 $0x9A00  }
0x246: {  	[tilespmem:s15], [sflag:$0x2] =	stream.indirect_vreg.gather [hbm4b:s6+s3], $0x80, v4, vm0, $0xb8;
	[tilespmem:$0x18200] =	vst v63  }
0x247: {  	s17 =	simm.s32 $0xA200  }
0x248: {  	[tilespmem:s17], [sflag:$0x2] =	stream.indirect_vreg.gather [hbm4b:s1+s3], $0x80, v3, vm0, $0xb8;
	[tilespmem:$0x18200] =	vst v63  }
0x249: {  	s31 =	simm.s32 $0xAA00  }
0x24a: {  	[tilespmem:s31], [sflag:$0x2] =	stream.indirect_vreg.gather [hbm4b:s4+s3], $0x80, v3, vm0, $0xb8;
	[tilespmem:$0x18200] =	vst v63  }
0x24b: {  	s14 =	simm.s32 $0xB200  }
0x24c: {  	[tilespmem:s14], [sflag:$0x2] =	stream.indirect_vreg.gather [hbm4b:s5+s3], $0x80, v3, vm0, $0xb8;
	[tilespmem:$0x18200] =	vst v63  }
0x24d: {  	_ = 	snop  }
0x24e: {  	[tilespmem:s19], [sflag:$0x2] =	stream.indirect_vreg.gather [hbm4b:s6+s3], $0x80, v3, vm0, $0xb8;
	[tilespmem:$0x18200] =	vst v63  }
0x24f: {  	v3 =	vld [tilespmem:$0x150];
	_ =	sdelay $0x4  }
0x250: {  	v53 =	vshll.u32 v3, $0x3  }
0x251: {  	v3 =	vand.u32 $0x7, v3;
	v4 =	vand.u32 $0xFFFFFFC0, v53  }
0x252: {  	v3 =	vor.u32 v3, v4  }
0x253: {  	v4 =	vperm.xlane v3, v0;
	_ =	sdelay $0x1  }
0x254: {  	v4 =	vadd.s32 v1, v4;
	_ =	sdelay $0x4  }
0x255: {  	[tilespmem:s16], [sflag:$0x2] =	stream.indirect_vreg.gather [hbm4b:s1+s3], $0x80, v4, vm0, $0xb8;
	[tilespmem:$0x18200] =	vst v63  }
0x256: {  	s15 =	simm.s32 $0xCA00;
	v3 =	vperm.xlane v3, v2  }
0x257: {  	[tilespmem:s15], [sflag:$0x2] =	stream.indirect_vreg.gather [hbm4b:s4+s3], $0x80, v4, vm0, $0xb8;
	[tilespmem:$0x18200] =	vst v63  }
0x258: {  	v3 =	vadd.s32 v1, v3;
	s16 =	simm.s32 $0xD200  }
0x259: {  	[tilespmem:s16], [sflag:$0x2] =	stream.indirect_vreg.gather [hbm4b:s5+s3], $0x80, v4, vm0, $0xb8;
	[tilespmem:$0x18200] =	vst v63  }
0x25a: {  	s17 =	simm.s32 $0xDA00  }
0x25b: {  	[tilespmem:s17], [sflag:$0x2] =	stream.indirect_vreg.gather [hbm4b:s6+s3], $0x80, v4, vm0, $0xb8;
	[tilespmem:$0x18200] =	vst v63  }
0x25c: {  	s19 =	simm.s32 $0xE200  }
0x25d: {  	[tilespmem:s19], [sflag:$0x2] =	stream.indirect_vreg.gather [hbm4b:s1+s3], $0x80, v3, vm0, $0xb8;
	[tilespmem:$0x18200] =	vst v63  }
0x25e: {  	_ = 	snop  }
0x25f: {  	[tilespmem:s18], [sflag:$0x2] =	stream.indirect_vreg.gather [hbm4b:s4+s3], $0x80, v3, vm0, $0xb8;
	[tilespmem:$0x18200] =	vst v63  }
0x260: {  	s31 =	simm.s32 $0xF200  }
0x261: {  	[tilespmem:s31], [sflag:$0x2] =	stream.indirect_vreg.gather [hbm4b:s5+s3], $0x80, v3, vm0, $0xb8;
	[tilespmem:$0x18200] =	vst v63  }
0x262: {  	s14 =	simm.s32 $0xFA00  }
0x263: {  	[tilespmem:s14], [sflag:$0x2] =	stream.indirect_vreg.gather [hbm4b:s6+s3], $0x80, v3, vm0, $0xb8;
	[tilespmem:$0x18200] =	vst v63  }
0x264: {  	_ =	swait.ge [sflag:s11], $0x8000  }
0x265: {  	[sflag:s11] =	ssyncset.done $0x0  }
0x266: {  	s17 =	simm.s32 $0x10200;
	s15 =	rddreg [dreg:$0x15];
	[sflag:s11] =	ssyncadd.s32 $0xFFFF8000  }
0x267: {  	[hbm4b:s15+s0] =	stream.strided.scatter [tilespmem:s17], [sflag:$0x6], $0x4000, s28, s0, $0x38;
	[tilespmem:$0x18200] =	vst v63  }
0x268: {  	s7 =	simm.s32 $0x14200;
	s16 =	rddreg [dreg:$0x16]  }
0x269: {  	[hbm4b:s16+s0] =	stream.strided.scatter [tilespmem:s7], [sflag:$0x6], $0x4000, s28, s0, $0x38;
	[tilespmem:$0x18200] =	vst v63  }
0x26a: {  	_ =	swait.ge [sflag:s12], $0x4000  }
0x26b: {  	[sflag:s12] =	ssyncset.done $0x0  }
0x26c: {  	[sflag:s12] =	ssyncadd.s32 $0xFFFFC000  }
0x26d: {  	_ =	swait.ge [sflag:s12], $0x4000  }
0x26e: {  	[sflag:s12] =	ssyncset.done $0x0  }
0x26f: {  	[sflag:s12] =	ssyncadd.s32 $0xFFFFC000  }
0x270: {  	v3 =	vld [tilespmem:$0x160];
	_ =	sdelay $0x4  }
0x271: {  	v54 =	vshll.u32 v3, $0x3  }
0x272: {  	v3 =	vand.u32 $0x7, v3;
	v4 =	vand.u32 $0xFFFFFFC0, v54  }
0x273: {  	v3 =	vor.u32 v3, v4  }
0x274: {  	v4 =	vperm.xlane v3, v0;
	_ =	sdelay $0x1  }
0x275: {  	v4 =	vadd.s32 v1, v4;
	_ =	sdelay $0x4  }
0x276: {  	[tilespmem:s17], [sflag:$0x3] =	stream.indirect_vreg.gather [hbm4b:s1+s3], $0x80, v4, vm0, $0xb8;
	[tilespmem:$0x18200] =	vst v63  }
0x277: {  	s18 =	simm.s32 $0x10A00;
	v3 =	vperm.xlane v3, v2  }
0x278: {  	[tilespmem:s18], [sflag:$0x3] =	stream.indirect_vreg.gather [hbm4b:s4+s3], $0x80, v4, vm0, $0xb8;
	[tilespmem:$0x18200] =	vst v63  }
0x279: {  	s16 =	simm.s32 $0x11200;
	v3 =	vadd.s32 v1, v3  }
0x27a: {  	[tilespmem:s16], [sflag:$0x3] =	stream.indirect_vreg.gather [hbm4b:s5+s3], $0x80, v4, vm0, $0xb8;
	[tilespmem:$0x18200] =	vst v63  }
0x27b: {  	s19 =	simm.s32 $0x11A00  }
0x27c: {  	[tilespmem:s19], [sflag:$0x3] =	stream.indirect_vreg.gather [hbm4b:s6+s3], $0x80, v4, vm0, $0xb8;
	[tilespmem:$0x18200] =	vst v63  }
0x27d: {  	s14 =	simm.s32 $0x12200  }
0x27e: {  	[tilespmem:s14], [sflag:$0x3] =	stream.indirect_vreg.gather [hbm4b:s1+s3], $0x80, v3, vm0, $0xb8;
	[tilespmem:$0x18200] =	vst v63  }
0x27f: {  	s15 =	simm.s32 $0x12A00  }
0x280: {  	[tilespmem:s15], [sflag:$0x3] =	stream.indirect_vreg.gather [hbm4b:s4+s3], $0x80, v3, vm0, $0xb8;
	[tilespmem:$0x18200] =	vst v63  }
0x281: {  	s18 =	simm.s32 $0x13200  }
0x282: {  	[tilespmem:s18], [sflag:$0x3] =	stream.indirect_vreg.gather [hbm4b:s5+s3], $0x80, v3, vm0, $0xb8;
	[tilespmem:$0x18200] =	vst v63  }
0x283: {  	_ = 	snop  }
0x284: {  	[tilespmem:s8], [sflag:$0x3] =	stream.indirect_vreg.gather [hbm4b:s6+s3], $0x80, v3, vm0, $0xb8;
	[tilespmem:$0x18200] =	vst v63  }
0x285: {  	v3 =	vld [tilespmem:$0x170];
	_ =	sdelay $0x4  }
0x286: {  	v55 =	vshll.u32 v3, $0x3  }
0x287: {  	v3 =	vand.u32 $0x7, v3;
	v4 =	vand.u32 $0xFFFFFFC0, v55  }
0x288: {  	v3 =	vor.u32 v3, v4  }
0x289: {  	v4 =	vperm.xlane v3, v0;
	_ =	sdelay $0x1  }
0x28a: {  	v4 =	vadd.s32 v1, v4;
	_ =	sdelay $0x4  }
0x28b: {  	[tilespmem:s7], [sflag:$0x3] =	stream.indirect_vreg.gather [hbm4b:s1+s3], $0x80, v4, vm0, $0xb8;
	[tilespmem:$0x18200] =	vst v63  }
0x28c: {  	s19 =	simm.s32 $0x14A00;
	v3 =	vperm.xlane v3, v2  }
0x28d: {  	[tilespmem:s19], [sflag:$0x3] =	stream.indirect_vreg.gather [hbm4b:s4+s3], $0x80, v4, vm0, $0xb8;
	[tilespmem:$0x18200] =	vst v63  }
0x28e: {  	v3 =	vadd.s32 v1, v3;
	s7 =	simm.s32 $0x15200  }
0x28f: {  	[tilespmem:s7], [sflag:$0x3] =	stream.indirect_vreg.gather [hbm4b:s5+s3], $0x80, v4, vm0, $0xb8;
	[tilespmem:$0x18200] =	vst v63  }
0x290: {  	s8 =	simm.s32 $0x15A00  }
0x291: {  	[tilespmem:s8], [sflag:$0x3] =	stream.indirect_vreg.gather [hbm4b:s6+s3], $0x80, v4, vm0, $0xb8;
	[tilespmem:$0x18200] =	vst v63  }
0x292: {  	s13 =	simm.s32 $0x16200  }
0x293: {  	[tilespmem:s13], [sflag:$0x3] =	stream.indirect_vreg.gather [hbm4b:s1+s3], $0x80, v3, vm0, $0xb8;
	[tilespmem:$0x18200] =	vst v63  }
0x294: {  	s14 =	simm.s32 $0x16A00  }
0x295: {  	[tilespmem:s14], [sflag:$0x3] =	stream.indirect_vreg.gather [hbm4b:s4+s3], $0x80, v3, vm0, $0xb8;
	[tilespmem:$0x18200] =	vst v63  }
0x296: {  	_ = 	snop  }
0x297: {  	[tilespmem:s21], [sflag:$0x3] =	stream.indirect_vreg.gather [hbm4b:s5+s3], $0x80, v3, vm0, $0xb8;
	[tilespmem:$0x18200] =	vst v63  }
0x298: {  	s15 =	simm.s32 $0x17A00  }
0x299: {  	[tilespmem:s15], [sflag:$0x3] =	stream.indirect_vreg.gather [hbm4b:s6+s3], $0x80, v3, vm0, $0xb8;
	[tilespmem:$0x18200] =	vst v63  }
0x29a: {  	_ =	swait.ge [sflag:s2], $0x8000  }
0x29b: {  	[sflag:s2] =	ssyncset.done $0x0  }
0x29c: {  	s8 =	simm.s32 $0x200;
	s18 =	rddreg [dreg:$0x17];
	[sflag:s2] =	ssyncadd.s32 $0xFFFF8000  }
0x29d: {  	[hbm4b:s18+s0] =	stream.strided.scatter [tilespmem:s8], [sflag:$0x4], $0x4000, s28, s0, $0x38;
	[tilespmem:$0x18200] =	vst v63  }
0x29e: {  	s9 =	simm.s32 $0x4200;
	s7 =	rddreg [dreg:$0x18]  }
0x29f: {  	[hbm4b:s7+s0] =	stream.strided.scatter [tilespmem:s9], [sflag:$0x4], $0x4000, s28, s0, $0x38;
	[tilespmem:$0x18200] =	vst v63  }
0x2a0: {  	_ =	swait.ge [sflag:s30], $0x4000  }
0x2a1: {  	[sflag:s30] =	ssyncset.done $0x0  }
0x2a2: {  	[sflag:s30] =	ssyncadd.s32 $0xFFFFC000  }
0x2a3: {  	_ =	swait.ge [sflag:s30], $0x4000  }
0x2a4: {  	[sflag:s30] =	ssyncset.done $0x0  }
0x2a5: {  	[sflag:s30] =	ssyncadd.s32 $0xFFFFC000  }
0x2a6: {  	v3 =	vld [tilespmem:$0x180];
	_ =	sdelay $0x4  }
0x2a7: {  	v56 =	vshll.u32 v3, $0x3  }
0x2a8: {  	v3 =	vand.u32 $0x7, v3;
	v4 =	vand.u32 $0xFFFFFFC0, v56  }
0x2a9: {  	v3 =	vor.u32 v3, v4  }
0x2aa: {  	v4 =	vperm.xlane v3, v0;
	_ =	sdelay $0x1  }
0x2ab: {  	v4 =	vadd.s32 v1, v4;
	_ =	sdelay $0x4  }
0x2ac: {  	[tilespmem:s8], [sflag:$0x1] =	stream.indirect_vreg.gather [hbm4b:s1+s3], $0x80, v4, vm0, $0xb8;
	[tilespmem:$0x18200] =	vst v63  }
0x2ad: {  	s14 =	simm.s32 $0xA00;
	v3 =	vperm.xlane v3, v2  }
0x2ae: {  	[tilespmem:s14], [sflag:$0x1] =	stream.indirect_vreg.gather [hbm4b:s4+s3], $0x80, v4, vm0, $0xb8;
	[tilespmem:$0x18200] =	vst v63  }
0x2af: {  	s18 =	simm.s32 $0x1200;
	v3 =	vadd.s32 v1, v3  }
0x2b0: {  	[tilespmem:s18], [sflag:$0x1] =	stream.indirect_vreg.gather [hbm4b:s5+s3], $0x80, v4, vm0, $0xb8;
	[tilespmem:$0x18200] =	vst v63  }
0x2b1: {  	_ = 	snop  }
0x2b2: {  	[tilespmem:s22], [sflag:$0x1] =	stream.indirect_vreg.gather [hbm4b:s6+s3], $0x80, v4, vm0, $0xb8;
	[tilespmem:$0x18200] =	vst v63  }
0x2b3: {  	_ = 	snop  }
0x2b4: {  	[tilespmem:s23], [sflag:$0x1] =	stream.indirect_vreg.gather [hbm4b:s1+s3], $0x80, v3, vm0, $0xb8;
	[tilespmem:$0x18200] =	vst v63  }
0x2b5: {  	_ = 	snop  }
0x2b6: {  	[tilespmem:s24], [sflag:$0x1] =	stream.indirect_vreg.gather [hbm4b:s4+s3], $0x80, v3, vm0, $0xb8;
	[tilespmem:$0x18200] =	vst v63  }
0x2b7: {  	_ = 	snop  }
0x2b8: {  	[tilespmem:s25], [sflag:$0x1] =	stream.indirect_vreg.gather [hbm4b:s5+s3], $0x80, v3, vm0, $0xb8;
	[tilespmem:$0x18200] =	vst v63  }
0x2b9: {  	s7 =	simm.s32 $0x3A00  }
0x2ba: {  	[tilespmem:s7], [sflag:$0x1] =	stream.indirect_vreg.gather [hbm4b:s6+s3], $0x80, v3, vm0, $0xb8;
	[tilespmem:$0x18200] =	vst v63  }
0x2bb: {  	v3 =	vld [tilespmem:$0x190];
	_ =	sdelay $0x4  }
0x2bc: {  	v57 =	vshll.u32 v3, $0x3  }
0x2bd: {  	v3 =	vand.u32 $0x7, v3;
	v4 =	vand.u32 $0xFFFFFFC0, v57  }
0x2be: {  	v3 =	vor.u32 v3, v4  }
0x2bf: {  	v4 =	vperm.xlane v3, v0;
	_ =	sdelay $0x1  }
0x2c0: {  	v4 =	vadd.s32 v1, v4;
	_ =	sdelay $0x4  }
0x2c1: {  	[tilespmem:s9], [sflag:$0x1] =	stream.indirect_vreg.gather [hbm4b:s1+s3], $0x80, v4, vm0, $0xb8;
	[tilespmem:$0x18200] =	vst v63  }
0x2c2: {  	v3 =	vperm.xlane v3, v2;
	s9 =	simm.s32 $0x4A00  }
0x2c3: {  	[tilespmem:s9], [sflag:$0x1] =	stream.indirect_vreg.gather [hbm4b:s4+s3], $0x80, v4, vm0, $0xb8;
	[tilespmem:$0x18200] =	vst v63  }
0x2c4: {  	v3 =	vadd.s32 v1, v3  }
0x2c5: {  	[tilespmem:s26], [sflag:$0x1] =	stream.indirect_vreg.gather [hbm4b:s5+s3], $0x80, v4, vm0, $0xb8;
	[tilespmem:$0x18200] =	vst v63  }
0x2c6: {  	_ = 	snop  }
0x2c7: {  	[tilespmem:s29], [sflag:$0x1] =	stream.indirect_vreg.gather [hbm4b:s6+s3], $0x80, v4, vm0, $0xb8;
	[tilespmem:$0x18200] =	vst v63  }
0x2c8: {  	s13 =	simm.s32 $0x6200  }
0x2c9: {  	[tilespmem:s13], [sflag:$0x1] =	stream.indirect_vreg.gather [hbm4b:s1+s3], $0x80, v3, vm0, $0xb8;
	[tilespmem:$0x18200] =	vst v63  }
0x2ca: {  	s14 =	simm.s32 $0x6A00  }
0x2cb: {  	[tilespmem:s14], [sflag:$0x1] =	stream.indirect_vreg.gather [hbm4b:s4+s3], $0x80, v3, vm0, $0xb8;
	[tilespmem:$0x18200] =	vst v63  }
0x2cc: {  	s18 =	simm.s32 $0x7200  }
0x2cd: {  	[tilespmem:s18], [sflag:$0x1] =	stream.indirect_vreg.gather [hbm4b:s5+s3], $0x80, v3, vm0, $0xb8;
	[tilespmem:$0x18200] =	vst v63  }
0x2ce: {  	s7 =	simm.s32 $0x7A00  }
0x2cf: {  	[tilespmem:s7], [sflag:$0x1] =	stream.indirect_vreg.gather [hbm4b:s6+s3], $0x80, v3, vm0, $0xb8;
	[tilespmem:$0x18200] =	vst v63  }
0x2d0: {  	_ =	swait.ge [sflag:s20], $0x8000  }
0x2d1: {  	[sflag:s20] =	ssyncset.done $0x0  }
0x2d2: {  	s18 =	simm.s32 $0x8200;
	s8 =	rddreg [dreg:$0x19];
	[sflag:s20] =	ssyncadd.s32 $0xFFFF8000  }
0x2d3: {  	[hbm4b:s8+s0] =	stream.strided.scatter [tilespmem:s18], [sflag:$0x5], $0x4000, s28, s0, $0x38;
	[tilespmem:$0x18200] =	vst v63  }
0x2d4: {  	s9 =	rddreg [dreg:$0x1a];
	s8 =	simm.s32 $0xC200  }
0x2d5: {  	[hbm4b:s9+s0] =	stream.strided.scatter [tilespmem:s8], [sflag:$0x5], $0x4000, s28, s0, $0x38;
	[tilespmem:$0x18200] =	vst v63  }
0x2d6: {  	_ =	swait.ge [sflag:s10], $0x4000  }
0x2d7: {  	[sflag:s10] =	ssyncset.done $0x0  }
0x2d8: {  	[sflag:s10] =	ssyncadd.s32 $0xFFFFC000  }
0x2d9: {  	_ =	swait.ge [sflag:s10], $0x4000  }
0x2da: {  	[sflag:s10] =	ssyncset.done $0x0  }
0x2db: {  	[sflag:s10] =	ssyncadd.s32 $0xFFFFC000  }
0x2dc: {  	v3 =	vld [tilespmem:$0x1A0];
	_ =	sdelay $0x4  }
0x2dd: {  	v58 =	vshll.u32 v3, $0x3  }
0x2de: {  	v3 =	vand.u32 $0x7, v3;
	v4 =	vand.u32 $0xFFFFFFC0, v58  }
0x2df: {  	v3 =	vor.u32 v3, v4  }
0x2e0: {  	v4 =	vperm.xlane v3, v0;
	_ =	sdelay $0x1  }
0x2e1: {  	v4 =	vadd.s32 v1, v4;
	_ =	sdelay $0x4  }
0x2e2: {  	[tilespmem:s18], [sflag:$0x2] =	stream.indirect_vreg.gather [hbm4b:s1+s3], $0x80, v4, vm0, $0xb8;
	[tilespmem:$0x18200] =	vst v63  }
0x2e3: {  	s9 =	simm.s32 $0x8A00;
	v3 =	vperm.xlane v3, v2  }
0x2e4: {  	[tilespmem:s9], [sflag:$0x2] =	stream.indirect_vreg.gather [hbm4b:s4+s3], $0x80, v4, vm0, $0xb8;
	[tilespmem:$0x18200] =	vst v63  }
0x2e5: {  	s13 =	simm.s32 $0x9200;
	v3 =	vadd.s32 v1, v3  }
0x2e6: {  	[tilespmem:s13], [sflag:$0x2] =	stream.indirect_vreg.gather [hbm4b:s5+s3], $0x80, v4, vm0, $0xb8;
	[tilespmem:$0x18200] =	vst v63  }
0x2e7: {  	s14 =	simm.s32 $0x9A00  }
0x2e8: {  	[tilespmem:s14], [sflag:$0x2] =	stream.indirect_vreg.gather [hbm4b:s6+s3], $0x80, v4, vm0, $0xb8;
	[tilespmem:$0x18200] =	vst v63  }
0x2e9: {  	s9 =	simm.s32 $0xA200  }
0x2ea: {  	[tilespmem:s9], [sflag:$0x2] =	stream.indirect_vreg.gather [hbm4b:s1+s3], $0x80, v3, vm0, $0xb8;
	[tilespmem:$0x18200] =	vst v63  }
0x2eb: {  	s13 =	simm.s32 $0xAA00  }
0x2ec: {  	[tilespmem:s13], [sflag:$0x2] =	stream.indirect_vreg.gather [hbm4b:s4+s3], $0x80, v3, vm0, $0xb8;
	[tilespmem:$0x18200] =	vst v63  }
0x2ed: {  	s14 =	simm.s32 $0xB200  }
0x2ee: {  	[tilespmem:s14], [sflag:$0x2] =	stream.indirect_vreg.gather [hbm4b:s5+s3], $0x80, v3, vm0, $0xb8;
	[tilespmem:$0x18200] =	vst v63  }
0x2ef: {  	s9 =	simm.s32 $0xBA00  }
0x2f0: {  	[tilespmem:s9], [sflag:$0x2] =	stream.indirect_vreg.gather [hbm4b:s6+s3], $0x80, v3, vm0, $0xb8;
	[tilespmem:$0x18200] =	vst v63  }
0x2f1: {  	v3 =	vld [tilespmem:$0x1B0];
	_ =	sdelay $0x4  }
0x2f2: {  	v59 =	vshll.u32 v3, $0x3  }
0x2f3: {  	v3 =	vand.u32 $0x7, v3;
	v4 =	vand.u32 $0xFFFFFFC0, v59  }
0x2f4: {  	v3 =	vor.u32 v3, v4  }
0x2f5: {  	v4 =	vperm.xlane v3, v0;
	_ =	sdelay $0x1  }
0x2f6: {  	v4 =	vadd.s32 v1, v4;
	_ =	sdelay $0x4  }
0x2f7: {  	[tilespmem:s8], [sflag:$0x2] =	stream.indirect_vreg.gather [hbm4b:s1+s3], $0x80, v4, vm0, $0xb8;
	[tilespmem:$0x18200] =	vst v63  }
0x2f8: {  	s13 =	simm.s32 $0xCA00;
	v3 =	vperm.xlane v3, v2  }
0x2f9: {  	[tilespmem:s13], [sflag:$0x2] =	stream.indirect_vreg.gather [hbm4b:s4+s3], $0x80, v4, vm0, $0xb8;
	[tilespmem:$0x18200] =	vst v63  }
0x2fa: {  	s14 =	simm.s32 $0xD200;
	v3 =	vadd.s32 v1, v3  }
0x2fb: {  	[tilespmem:s14], [sflag:$0x2] =	stream.indirect_vreg.gather [hbm4b:s5+s3], $0x80, v4, vm0, $0xb8;
	[tilespmem:$0x18200] =	vst v63  }
0x2fc: {  	s9 =	simm.s32 $0xDA00  }
0x2fd: {  	[tilespmem:s9], [sflag:$0x2] =	stream.indirect_vreg.gather [hbm4b:s6+s3], $0x80, v4, vm0, $0xb8;
	[tilespmem:$0x18200] =	vst v63  }
0x2fe: {  	s13 =	simm.s32 $0xE200  }
0x2ff: {  	[tilespmem:s13], [sflag:$0x2] =	stream.indirect_vreg.gather [hbm4b:s1+s3], $0x80, v3, vm0, $0xb8;
	[tilespmem:$0x18200] =	vst v63  }
0x300: {  	s14 =	simm.s32 $0xEA00  }
0x301: {  	[tilespmem:s14], [sflag:$0x2] =	stream.indirect_vreg.gather [hbm4b:s4+s3], $0x80, v3, vm0, $0xb8;
	[tilespmem:$0x18200] =	vst v63  }
0x302: {  	s31 =	simm.s32 $0xF200  }
0x303: {  	[tilespmem:s31], [sflag:$0x2] =	stream.indirect_vreg.gather [hbm4b:s5+s3], $0x80, v3, vm0, $0xb8;
	[tilespmem:$0x18200] =	vst v63  }
0x304: {  	s31 =	simm.s32 $0xFA00  }
0x305: {  	[tilespmem:s31], [sflag:$0x2] =	stream.indirect_vreg.gather [hbm4b:s6+s3], $0x80, v3, vm0, $0xb8;
	[tilespmem:$0x18200] =	vst v63  }
0x306: {  	_ =	swait.ge [sflag:s11], $0x8000  }
0x307: {  	[sflag:s11] =	ssyncset.done $0x0  }
0x308: {  	s17 =	simm.s32 $0x10200;
	s7 =	rddreg [dreg:$0x1b];
	[sflag:s11] =	ssyncadd.s32 $0xFFFF8000  }
0x309: {  	[hbm4b:s7+s0] =	stream.strided.scatter [tilespmem:s17], [sflag:$0x6], $0x4000, s28, s0, $0x38;
	[tilespmem:$0x18200] =	vst v63  }
0x30a: {  	s9 =	rddreg [dreg:$0x1c];
	s7 =	simm.s32 $0x14200  }
0x30b: {  	[hbm4b:s9+s0] =	stream.strided.scatter [tilespmem:s7], [sflag:$0x6], $0x4000, s28, s0, $0x38;
	[tilespmem:$0x18200] =	vst v63  }
0x30c: {  	_ =	swait.ge [sflag:s12], $0x4000  }
0x30d: {  	[sflag:s12] =	ssyncset.done $0x0  }
0x30e: {  	[sflag:s12] =	ssyncadd.s32 $0xFFFFC000  }
0x30f: {  	_ =	swait.ge [sflag:s12], $0x4000  }
0x310: {  	[sflag:s12] =	ssyncset.done $0x0  }
0x311: {  	[sflag:s12] =	ssyncadd.s32 $0xFFFFC000  }
0x312: {  	v3 =	vld [tilespmem:$0x1C0];
	_ =	sdelay $0x4  }
0x313: {  	v60 =	vshll.u32 v3, $0x3  }
0x314: {  	v3 =	vand.u32 $0x7, v3;
	v4 =	vand.u32 $0xFFFFFFC0, v60  }
0x315: {  	v3 =	vor.u32 v3, v4  }
0x316: {  	v4 =	vperm.xlane v3, v0;
	_ =	sdelay $0x1  }
0x317: {  	v4 =	vadd.s32 v1, v4;
	_ =	sdelay $0x4  }
0x318: {  	[tilespmem:s17], [sflag:$0x3] =	stream.indirect_vreg.gather [hbm4b:s1+s3], $0x80, v4, vm0, $0xb8;
	[tilespmem:$0x18200] =	vst v63  }
0x319: {  	s14 =	simm.s32 $0x10A00;
	v3 =	vperm.xlane v3, v2  }
0x31a: {  	[tilespmem:s14], [sflag:$0x3] =	stream.indirect_vreg.gather [hbm4b:s4+s3], $0x80, v4, vm0, $0xb8;
	[tilespmem:$0x18200] =	vst v63  }
0x31b: {  	v3 =	vadd.s32 v1, v3  }
0x31c: {  	[tilespmem:s16], [sflag:$0x3] =	stream.indirect_vreg.gather [hbm4b:s5+s3], $0x80, v4, vm0, $0xb8;
	[tilespmem:$0x18200] =	vst v63  }
0x31d: {  	s31 =	simm.s32 $0x11A00  }
0x31e: {  	[tilespmem:s31], [sflag:$0x3] =	stream.indirect_vreg.gather [hbm4b:s6+s3], $0x80, v4, vm0, $0xb8;
	[tilespmem:$0x18200] =	vst v63  }
0x31f: {  	s13 =	simm.s32 $0x12200  }
0x320: {  	[tilespmem:s13], [sflag:$0x3] =	stream.indirect_vreg.gather [hbm4b:s1+s3], $0x80, v3, vm0, $0xb8;
	[tilespmem:$0x18200] =	vst v63  }
0x321: {  	s14 =	simm.s32 $0x12A00  }
0x322: {  	[tilespmem:s14], [sflag:$0x3] =	stream.indirect_vreg.gather [hbm4b:s4+s3], $0x80, v3, vm0, $0xb8;
	[tilespmem:$0x18200] =	vst v63  }
0x323: {  	s16 =	simm.s32 $0x13200  }
0x324: {  	[tilespmem:s16], [sflag:$0x3] =	stream.indirect_vreg.gather [hbm4b:s5+s3], $0x80, v3, vm0, $0xb8;
	[tilespmem:$0x18200] =	vst v63  }
0x325: {  	s31 =	simm.s32 $0x13A00  }
0x326: {  	[tilespmem:s31], [sflag:$0x3] =	stream.indirect_vreg.gather [hbm4b:s6+s3], $0x80, v3, vm0, $0xb8;
	[tilespmem:$0x18200] =	vst v63  }
0x327: {  	v3 =	vld [tilespmem:$0x1D0];
	_ =	sdelay $0x4  }
0x328: {  	v61 =	vshll.u32 v3, $0x3  }
0x329: {  	v3 =	vand.u32 $0x7, v3;
	v4 =	vand.u32 $0xFFFFFFC0, v61  }
0x32a: {  	v3 =	vor.u32 v3, v4  }
0x32b: {  	v4 =	vperm.xlane v3, v0;
	_ =	sdelay $0x1  }
0x32c: {  	v4 =	vadd.s32 v1, v4;
	_ =	sdelay $0x4  }
0x32d: {  	[tilespmem:s7], [sflag:$0x3] =	stream.indirect_vreg.gather [hbm4b:s1+s3], $0x80, v4, vm0, $0xb8;
	[tilespmem:$0x18200] =	vst v63  }
0x32e: {  	s13 =	simm.s32 $0x14A00;
	v3 =	vperm.xlane v3, v2  }
0x32f: {  	[tilespmem:s13], [sflag:$0x3] =	stream.indirect_vreg.gather [hbm4b:s4+s3], $0x80, v4, vm0, $0xb8;
	[tilespmem:$0x18200] =	vst v63  }
0x330: {  	s14 =	simm.s32 $0x15200;
	v3 =	vadd.s32 v1, v3  }
0x331: {  	[tilespmem:s14], [sflag:$0x3] =	stream.indirect_vreg.gather [hbm4b:s5+s3], $0x80, v4, vm0, $0xb8;
	[tilespmem:$0x18200] =	vst v63  }
0x332: {  	s16 =	simm.s32 $0x15A00  }
0x333: {  	[tilespmem:s16], [sflag:$0x3] =	stream.indirect_vreg.gather [hbm4b:s6+s3], $0x80, v4, vm0, $0xb8;
	[tilespmem:$0x18200] =	vst v63  }
0x334: {  	s19 =	simm.s32 $0x16200  }
0x335: {  	[tilespmem:s19], [sflag:$0x3] =	stream.indirect_vreg.gather [hbm4b:s1+s3], $0x80, v3, vm0, $0xb8;
	[tilespmem:$0x18200] =	vst v63  }
0x336: {  	s19 =	simm.s32 $0x16A00  }
0x337: {  	[tilespmem:s19], [sflag:$0x3] =	stream.indirect_vreg.gather [hbm4b:s4+s3], $0x80, v3, vm0, $0xb8;
	[tilespmem:$0x18200] =	vst v63  }
0x338: {  	s21 =	simm.s32 $0x17200  }
0x339: {  	[tilespmem:s21], [sflag:$0x3] =	stream.indirect_vreg.gather [hbm4b:s5+s3], $0x80, v3, vm0, $0xb8;
	[tilespmem:$0x18200] =	vst v63  }
0x33a: {  	s21 =	simm.s32 $0x17A00  }
0x33b: {  	[tilespmem:s21], [sflag:$0x3] =	stream.indirect_vreg.gather [hbm4b:s6+s3], $0x80, v3, vm0, $0xb8;
	[tilespmem:$0x18200] =	vst v63  }
0x33c: {  	_ =	swait.ge [sflag:s2], $0x8000  }
0x33d: {  	[sflag:s2] =	ssyncset.done $0x0  }
0x33e: {  	s15 =	simm.s32 $0x200;
	s31 =	rddreg [dreg:$0x1d];
	[sflag:s2] =	ssyncadd.s32 $0xFFFF8000  }
0x33f: {  	[hbm4b:s31+s0] =	stream.strided.scatter [tilespmem:s15], [sflag:$0x4], $0x4000, s28, s0, $0x38;
	[tilespmem:$0x18200] =	vst v63  }
0x340: {  	s16 =	simm.s32 $0x4200;
	s7 =	rddreg [dreg:$0x1e]  }
0x341: {  	[hbm4b:s7+s0] =	stream.strided.scatter [tilespmem:s16], [sflag:$0x4], $0x4000, s28, s0, $0x38;
	[tilespmem:$0x18200] =	vst v63  }
0x342: {  	_ =	swait.ge [sflag:s30], $0x4000  }
0x343: {  	[sflag:s30] =	ssyncset.done $0x0  }
0x344: {  	[sflag:s30] =	ssyncadd.s32 $0xFFFFC000  }
0x345: {  	_ =	swait.ge [sflag:s30], $0x4000  }
0x346: {  	[sflag:s30] =	ssyncset.done $0x0  }
0x347: {  	[sflag:s30] =	ssyncadd.s32 $0xFFFFC000  }
0x348: {  	v3 =	vld [tilespmem:$0x1E0];
	_ =	sdelay $0x4  }
0x349: {  	v62 =	vshll.u32 v3, $0x3  }
0x34a: {  	v3 =	vand.u32 $0x7, v3;
	v4 =	vand.u32 $0xFFFFFFC0, v62  }
0x34b: {  	v3 =	vor.u32 v3, v4  }
0x34c: {  	v4 =	vperm.xlane v3, v0;
	_ =	sdelay $0x1  }
0x34d: {  	v4 =	vadd.s32 v1, v4;
	_ =	sdelay $0x4  }
0x34e: {  	[tilespmem:s15], [sflag:$0x1] =	stream.indirect_vreg.gather [hbm4b:s1+s3], $0x80, v4, vm0, $0xb8;
	[tilespmem:$0x18200] =	vst v63  }
0x34f: {  	s19 =	simm.s32 $0xA00;
	v3 =	vperm.xlane v3, v2  }
0x350: {  	[tilespmem:s19], [sflag:$0x1] =	stream.indirect_vreg.gather [hbm4b:s4+s3], $0x80, v4, vm0, $0xb8;
	[tilespmem:$0x18200] =	vst v63  }
0x351: {  	s21 =	simm.s32 $0x1200;
	v3 =	vadd.s32 v1, v3  }
0x352: {  	[tilespmem:s21], [sflag:$0x1] =	stream.indirect_vreg.gather [hbm4b:s5+s3], $0x80, v4, vm0, $0xb8;
	[tilespmem:$0x18200] =	vst v63  }
0x353: {  	s22 =	simm.s32 $0x1A00  }
0x354: {  	[tilespmem:s22], [sflag:$0x1] =	stream.indirect_vreg.gather [hbm4b:s6+s3], $0x80, v4, vm0, $0xb8;
	[tilespmem:$0x18200] =	vst v63  }
0x355: {  	s23 =	simm.s32 $0x2200  }
0x356: {  	[tilespmem:s23], [sflag:$0x1] =	stream.indirect_vreg.gather [hbm4b:s1+s3], $0x80, v3, vm0, $0xb8;
	[tilespmem:$0x18200] =	vst v63  }
0x357: {  	s24 =	simm.s32 $0x2A00  }
0x358: {  	[tilespmem:s24], [sflag:$0x1] =	stream.indirect_vreg.gather [hbm4b:s4+s3], $0x80, v3, vm0, $0xb8;
	[tilespmem:$0x18200] =	vst v63  }
0x359: {  	s25 =	simm.s32 $0x3200  }
0x35a: {  	[tilespmem:s25], [sflag:$0x1] =	stream.indirect_vreg.gather [hbm4b:s5+s3], $0x80, v3, vm0, $0xb8;
	[tilespmem:$0x18200] =	vst v63  }
0x35b: {  	s25 =	simm.s32 $0x3A00  }
0x35c: {  	[tilespmem:s25], [sflag:$0x1] =	stream.indirect_vreg.gather [hbm4b:s6+s3], $0x80, v3, vm0, $0xb8;
	[tilespmem:$0x18200] =	vst v63  }
0x35d: {  	v3 =	vld [tilespmem:$0x1F0];
	_ =	sdelay $0x4  }
0x35e: {  	v63 =	vshll.u32 v3, $0x3  }
0x35f: {  	v3 =	vand.u32 $0x7, v3;
	v4 =	vand.u32 $0xFFFFFFC0, v63  }
0x360: {  	v3 =	vor.u32 v3, v4  }
0x361: {  	v4 =	vperm.xlane v3, v0;
	_ =	sdelay $0x1  }
0x362: {  	v4 =	vadd.s32 v1, v4;
	_ =	sdelay $0x4  }
0x363: {  	[tilespmem:s16], [sflag:$0x1] =	stream.indirect_vreg.gather [hbm4b:s1+s3], $0x80, v4, vm0, $0xb8;
	[tilespmem:$0x18200] =	vst v63  }
0x364: {  	s31 =	simm.s32 $0x4A00;
	v3 =	vperm.xlane v3, v2  }
0x365: {  	[tilespmem:s31], [sflag:$0x1] =	stream.indirect_vreg.gather [hbm4b:s4+s3], $0x80, v4, vm0, $0xb8;
	[tilespmem:$0x18200] =	vst v63  }
0x366: {  	s26 =	simm.s32 $0x5200;
	v3 =	vadd.s32 v1, v3  }
0x367: {  	[tilespmem:s26], [sflag:$0x1] =	stream.indirect_vreg.gather [hbm4b:s5+s3], $0x80, v4, vm0, $0xb8;
	[tilespmem:$0x18200] =	vst v63  }
0x368: {  	s29 =	simm.s32 $0x5A00  }
0x369: {  	[tilespmem:s29], [sflag:$0x1] =	stream.indirect_vreg.gather [hbm4b:s6+s3], $0x80, v4, vm0, $0xb8;
	[tilespmem:$0x18200] =	vst v63  }
0x36a: {  	s14 =	simm.s32 $0x6200  }
0x36b: {  	[tilespmem:s14], [sflag:$0x1] =	stream.indirect_vreg.gather [hbm4b:s1+s3], $0x80, v3, vm0, $0xb8;
	[tilespmem:$0x18200] =	vst v63  }
0x36c: {  	s16 =	simm.s32 $0x6A00  }
0x36d: {  	[tilespmem:s16], [sflag:$0x1] =	stream.indirect_vreg.gather [hbm4b:s4+s3], $0x80, v3, vm0, $0xb8;
	[tilespmem:$0x18200] =	vst v63  }
0x36e: {  	s19 =	simm.s32 $0x7200  }
0x36f: {  	[tilespmem:s19], [sflag:$0x1] =	stream.indirect_vreg.gather [hbm4b:s5+s3], $0x80, v3, vm0, $0xb8;
	[tilespmem:$0x18200] =	vst v63  }
0x370: {  	s21 =	simm.s32 $0x7A00  }
0x371: {  	[tilespmem:s21], [sflag:$0x1] =	stream.indirect_vreg.gather [hbm4b:s6+s3], $0x80, v3, vm0, $0xb8;
	[tilespmem:$0x18200] =	vst v63  }
0x372: {  	_ =	swait.ge [sflag:s20], $0x8000  }
0x373: {  	s22 =	rddreg [dreg:$0x1f];
	[sflag:s20] =	ssyncset.done $0x0  }
0x374: {  	s18 =	simm.s32 $0x8200;
	s23 =	sld [smem:$0x7F9];
	[sflag:s20] =	ssyncadd.s32 $0xFFFF8000  }
0x375: {  	[hbm4b:s22+s0] =	stream.strided.scatter [tilespmem:s18], [sflag:$0x5], $0x4000, s28, s0, $0x38;
	[tilespmem:$0x18200] =	vst v63  }
0x376: {  	s8 =	simm.s32 $0xC200  }
0x377: {  	[hbm4b:s23+s0] =	stream.strided.scatter [tilespmem:s8], [sflag:$0x5], $0x4000, s28, s0, $0x38;
	[tilespmem:$0x18200] =	vst v63  }
0x378: {  	_ =	swait.ge [sflag:s11], $0x8000  }
0x379: {  	s24 =	sld [smem:$0x7FA]  }
0x37a: {  	[sflag:s11] =	ssyncset.done $0x0  }
0x37b: {  	s25 =	sld [smem:$0x7FB];
	[sflag:s11] =	ssyncadd.s32 $0xFFFF8000  }
0x37c: {  	[hbm4b:s24+s0] =	stream.strided.scatter [tilespmem:s17], [sflag:$0x6], $0x4000, s28, s0, $0x38;
	[tilespmem:$0x18200] =	vst v63  }
0x37d: {  	s9 =	simm.s32 $0x14200  }
0x37e: {  	[hbm4b:s25+s0] =	stream.strided.scatter [tilespmem:s9], [sflag:$0x6], $0x4000, s28, s0, $0x38;
	[tilespmem:$0x18200] =	vst v63  }
0x37f: {  	_ =	swait.ge [sflag:s2], $0x8000  }
0x380: {  	s26 =	sld [smem:$0x7FC]  }
0x381: {  	[sflag:s2] =	ssyncset.done $0x0  }
0x382: {  	s29 =	sld [smem:$0x7FD];
	[sflag:s2] =	ssyncadd.s32 $0xFFFF8000  }
0x383: {  	[hbm4b:s26+s0] =	stream.strided.scatter [tilespmem:s15], [sflag:$0x4], $0x4000, s28, s0, $0x38;
	[tilespmem:$0x18200] =	vst v63  }
0x384: {  	s7 =	simm.s32 $0x4200  }
0x385: {  	[hbm4b:s29+s0] =	stream.strided.scatter [tilespmem:s7], [sflag:$0x4], $0x4000, s28, s0, $0x38;
	[tilespmem:$0x18200] =	vst v63  }
0x386: {  	s31 =	sld [smem:$0x7F8];
	_ =	swait.ge [sflag:s10], $0x4000  }
0x387: {  	[sflag:s10] =	ssyncset.done $0x0  }
0x388: {  	[sflag:s10] =	ssyncadd.s32 $0xFFFFC000  }
0x389: {  	_ =	swait.ge [sflag:s10], $0x4000  }
0x38a: {  	[sflag:s10] =	ssyncset.done $0x0  }
0x38b: {  	[sflag:s10] =	ssyncadd.s32 $0xFFFFC000  }
0x38c: {  	_ =	swait.ge [sflag:s12], $0x4000  }
0x38d: {  	[sflag:s12] =	ssyncset.done $0x0  }
0x38e: {  	[sflag:s12] =	ssyncadd.s32 $0xFFFFC000  }
0x38f: {  	_ =	swait.ge [sflag:s12], $0x4000  }
0x390: {  	[sflag:s12] =	ssyncset.done $0x0  }
0x391: {  	[sflag:s12] =	ssyncadd.s32 $0xFFFFC000  }
0x392: {  	p0 =	sne.s32 s31, $0x1;
	_ =	swait.ge [sflag:s30], $0x4000  }
.Ltmp0:
0x393: {  	[sflag:s30] =	ssyncset.done $0x0;
	(pc) =	sbr.rel @p0 .LBB2_1-.Ltmp0, $4  }
0x394: {  	[sflag:s30] =	ssyncadd.s32 $0xFFFFC000  }
0x395: {  	_ =	swait.ge [sflag:s30], $0x4000  }
0x396: {  	[sflag:s30] =	ssyncset.done $0x0  }
0x397: {  	s7 =	sadd.s32 $0xFFFFFFFF, s31;
	[sflag:s30] =	ssyncadd.s32 $0xFFFFC000  }
0x398: {  	_ =	sfence.sel $0x180000  }
0x399: {  	[bflag:$0x0] =	sbarrier.arrive $0xFFFF  }
0x39a: {  	_ =	strace $0x90000047  }
0x39b: {  	s0 =	stileid.u32;
	[bflag:$0x2] =	sbarrier.arrive $0xFFFF  }
0x39c: {  	p0 =	sne.s32 s0, $0x0;
	s0 =	rddreg [dreg:$0x3]  }
0x39d: {  	s0 =	sadd.s32 @!p0 $0x100000, s0  }
0x39e: {  	[sflag:s0] =	ssyncadd.tile.s32 @!p0 $0x1;
	_ =	shalt  }
.Lfunc_end2:
_tile_overlayer_lowered:
.L_overlay_start_2:
0x39f: {  	(tag) =	ssettag $0x2  }
0x3a0: {  	s0 =	rddreg [dreg:$0x0];
	s2 =	stileid.u32  }
0x3a1: {  	s1 =	rddreg [dreg:$0x1];
	p0 =	sne.s32 s2, $0x0  }
0x3a2: {  	s3 =	rddreg [dreg:$0x2];
	[bflag:$0x3] =	sbarrier.arrive $0xFFFF;
	s2 =	simm.s32 @!p0 $0x1C07  }
0x3a3: {  	[timem:s3], [sflag:s2] =	dma.local @!p0 [hbm:s0], s1  }
0x3a4: {  	s0 =	simm.s32 @!p0 $0x7  }
0x3a5: {  	_ =	swait.ge @!p0 [sflag:s0], s1  }
0x3a6: {  	s1 =	ssub.s32 @!p0 $0x0, s1;
	[sflag:s0] =	ssyncset.done @!p0 $0x0  }
0x3a7: {  	[sflag:s0] =	ssyncadd.s32 @!p0 s1  }
0x3a8: {  	[bflag:$0x3] =	sbarrier.arrive $0xFFFF  }
0x3a9: {  	_ =	shalt  }

// kernel: sparse-core-data-format-call.cloned.1.call-start
scs
called_computation_lowered:
.L_overlay_start_0:
0x0: {  	s2 =	sld [smem:$0x3FD9]  }
0x1: {  	s3 =	sld [smem:$0x3FFE];
	_ =	sdelay $0x1  }
0x2: {  	s1 =	srdreg.scid  }
0x3: {  	s0 =	sand.u32 $0x1, s1  }
0x4: {  	s18 =	sshll.u32 s0, $0xA;
	s2 =	sadd.s32 s3, s2  }
0x5: {  	s2 =	sadd.s32 s2, s18  }
0x6: {  	[smem:$0x3FC4] =	sst s2  }
0x7: {  	_ = 	snop  }
0x8: {  	s2 =	sld [smem:$0x3FD0];
	(tm) =	ssettm $0x1  }
0x9: {  	s19 =	sld [smem:$0x3FFB];
	_ =	sdelay $0x3  }
0xa: {  	_ =	strace s19  }
0xb: {  	s3 =	sld [smem:$0x3FFC];
	_ =	sdelay $0x3  }
0xc: {  	_ =	strace s3  }
0xd: {  	s3 =	sld [smem:$0x3FFD];
	_ =	sdelay $0x3  }
0xe: {  	_ =	strace s3  }
0xf: {  	_ =	strace $0x8FFFFFFF  }
0x10: {  	s20 =	sld [smem:$0x3FDB];
	_ =	sdelay $0x1  }
0x11: {  	s4 =	simm.s32 $_scs_section_size  }
0x12: {  	s5 =	simm.s32 $_size__tile_overlayer_lowered;
	s6 =	simm.s32 $_tile_overlayer_lowered  }
0x13: {  	s23 =	simm.s32 $0x1BFF;
	s22 =	sshll.u32 s6, $0x1;
	s3 =	sadd.s32 s4, s20  }
0x14: {  	s7 =	simm.s32 $0x0;
	s21 =	sshll.u32 s5, $0x1;
	s5 =	sadd.s32 s22, s3  }
0x15: {  	[timem:s7], [sflag:s23] =	dma.local [hbm:s5], s21  }
0x16: {  	_ =	swait.ge [sflag:s23], s21  }
0x17: {  	s4 =	ssub.s32 $0x0, s21;
	[sflag:s23] =	ssyncset.done $0x0  }
0x18: {  	[sflag:s23] =	ssyncadd.s32 s4;
	_ =	sdelay $0x1  }
0x19: {  	s24 =	simm.s32 $0x1B8B  }
0x1a: {  	_ =	swait.ge [sflag:s24], $0x1  }
0x1b: {  	[sflag:s24] =	ssyncset.done $0x0  }
0x1c: {  	s26 =	simm.s32 $0x1B8E;
	s25 =	sld [smem:$0x3FFE];
	[sflag:s24] =	ssyncadd.s32 $0xFFFFFFFF  }
0x1d: {  	s27 =	simm.s32 $execute0_lowered;
	[smem:$0x3FD2] =	sst s26  }
0x1e: {  	s5 =	sshll.u32 s27, $0x1;
	_ =	strace $0x80000049;
	[dreg:$0x1] =	wrdreg $0xFFFFFFFF  }
0x1f: {  	s28 =	simm.s32 $_size_execute0_lowered;
	s3 =	sadd.s32 s3, s5;
	[dreg:$0x0] =	wrdreg $0x0  }
0x20: {  	s5 =	sshll.u32 s28, $0x1;
	[dreg:$0x2] =	wrdreg s3  }
0x21: {  	[dreg:$0x3] =	wrdreg s5  }
0x22: {  	[dreg:$0x4] =	wrdreg $0xC0  }
0x23: {  	_ =	task [dreg:s7], $0x5FFFF  }
0x24: {  	[dreg:$0x1] =	wrdreg $0xFFFFFFFF  }
0x25: {  	[dreg:$0x0] =	wrdreg $0x60  }
0x26: {  	[dreg:$0x2] =	wrdreg s25  }
0x27: {  	[dreg:$0x3] =	wrdreg s2  }
0x28: {  	[dreg:$0x4] =	wrdreg $0x9  }
0x29: {  	_ =	task.clear_ibuf [dreg:s7], $0x5FFFF;
	_ =	strace $0x90000049  }
0x2a: {  	s29 =	simm.s32 $0x9;
	_ =	strace $0x8000004B  }
0x2b: {  	_ =	swait.ge [sflag:s29], $0x1  }
0x2c: {  	[sflag:s29] =	ssyncadd.s32 $0xFFFFFFFF  }
0x2d: {  	_ =	strace $0x9000004B  }
0x2e: {  	_ =	sfence  }
0x2f: {  	s30 =	sld [smem:$0x0];
	_ =	sdelay $0x2  }
0x30: {  	s31 =	sshll.u32 s1, $0xD;
	s1 =	sshrl.u32 s1, $0x2  }
0x31: {  	s3 =	sand.u32 $0x4000, s31;
	s1 =	sadd.s32 s1, s30  }
0x32: {  	s0 =	sor.u32 s3, s0;
	s1 =	sshll.u32 s1, $0x11  }
0x33: {  	s0 =	sor.u32 s1, s0  }
0x34: {  	s0 =	sadd.s32 $0x8F2B, s0  }
0x35: {  	[sflag:s0] =	ssyncadd.remote.s32 $0x1  }
0x36: {  	_ =	sfence.sel $0xFFFF  }
0x37: {  	[dreg:$0x0] =	wrdreg $0xFFFFFFFF;
	(pc) =	sbr.abs _section_cstart, $3  }
0x38: {  	[dreg:$0x1] =	wrdreg $0xFFFFFFFF  }
0x39: {  	_ =	task.clear_ibuf [dreg:s7], $0x2FFFF;
	_ =	strace $0x9FFFFFFF  }
0x3a: {  	(tm) =	ssettm $0x7FFFFFFF  }
0x3b: {  	_ =	shalt  }
tec
execute0_lowered:
.L_overlay_start_1:
0x0: {  	(tag) =	ssettag $0x1  }
0x1: {  	s3 =	rddreg [dreg:$0x0]  }
0x2: {  	s0 =	srdreg.scid;
	s2 =	rddreg [dreg:$0x1]  }
0x3: {  	s7 =	simm.s32 $0x2;
	s17 =	simm.s32 $0x0;
	p0 =	por $0x0, $0x0  }
0x4: {  	s8 =	simm.s32 $0x2000;
	s16 =	simm.s32 $0x0;
	s0 =	sshll.u32 s0, $0x7  }
0x5: {  	s18 =	simm.s32 $0x0;
	s9 =	simm.s32 $0x0;
	s1 =	sand.u32 $0x80, s0  }
0x6: {  	s10 =	simm.s32 $0x0;
	s11 =	simm.s32 $0x0;
	s4 =	ssub.s32 $0x200, s1  }
0x7: {  	s12 =	simm.s32 $0x0;
	s14 =	stileid.u32;
	s5 =	sshrl.u32 s4, $0x7  }
.Ltmp0:
0x8: {  	s6 =	sshrl.u32 s4, $0x8;
	s5 =	sand.u32 $0x1, s5;
	(pc) =	sbr.rel .LBB1_1-.Ltmp0, $4  }
0x9: {  	s15 =	simm.s32 $0x0;
	s0 =	rddreg [dreg:$0x2];
	s5 =	sadd.s32 s6, s5  }
0xa: {  	_ =	strace $0x8000004A;
	s4 =	simm.s32 $0x1;
	s5 =	smul.u32 $0x11, s5  }
0xb: {  	s13 =	smov.u32 s1;
	[sflag:s4] =	ssyncpa.u1 $0x0;
	s6 =	sadd.s32 $0x1A00, s3  }
0xc: {  	s3 =	stileid.u32;
	[sflag:s7] =	ssyncpa.u1 $0x0;
	s7 =	sadd.s32 $0x1, s5  }
.LBB1_4:
0xd: {  	s23 =	sshra.s32 s23, $0x2;
	s24 =	sshll.u32 s11, $0x9  }
0xe: {  	s28 =	sshll.u32 s10, $0x3;
	p1 =	sgt.s32 s9, $0x783;
	s25 =	smov.u32 s9  }
0xf: {  	p2 =	sgt.s32 s11, $0xF;
	s26 =	smov.u32 s11;
	s29 =	sshra.s32 s11, $0x1F  }
0x10: {  	s22 =	sadd.s32 s23, s22;
	s27 =	sand.u32 $0x1000, s24;
	s24 =	sand.u32 $0x1C00, s28  }
0x11: {  	s25 =	simm.s32 @!p1 $0x783;
	s26 =	simm.s32 @!p2 $0xF;
	p1 =	sgt.s32 s10, $0x180  }
0x12: {  	s28 =	sshra.s32 s10, $0x1F;
	s23 =	sadd.s32 s27, s24;
	s27 =	smov.u32 s10  }
0x13: {  	s24 =	sand.u32 s29, s11;
	s28 =	sand.u32 s28, s10;
	s27 =	simm.s32 @!p1 $0x180  }
0x14: {  	v5 =	vld [tilespmem:s20+$0xFFFFFFD0];
	[tilespmem:s21+$0x2040 ss:$0x81] =	vst.msk $0xffff, v4;
	s29 =	sshra.s32 s9, $0x1F;
	s24 =	ssub.s32 s26, s24;
	s26 =	ssub.s32 s27, s28  }
0x15: {  	v58 =	vld [tilespmem:s20+$0xFFFFFFE0];
	[tilespmem:s21+$0x2850 ss:$0x81] =	vst.msk $0xffff, v3;
	s27 =	sand.u32 s29, s9;
	s30 =	sadd.s32 $0xFFFFFFF1, s24;
	s24 =	ssub.s32 $0x10, s24  }
0x16: {  	v59 =	vld [tilespmem:s20+$0xFFFFFFF0];
	[tilespmem:s21+$0x3060 ss:$0x81] =	vst.msk $0xffff, v2;
	s29 =	sand.u32 $0x78, s10;
	s31 =	sadd.s32 $0xFFFFFE80, s26;
	s25 =	ssub.s32 s25, s27  }
0x17: {  	v60 =	vld [tilespmem:s20+$0x0];
	[tilespmem:s21+$0x0 ss:$0x81] =	vst.msk $0xffff, v1;
	p1 =	sgt.s32 s30, $0x0;
	s26 =	ssub.s32 $0x200, s26;
	s30 =	sshll.u32 s11, $0x7  }
0x18: {  	v61 =	vld [tilespmem:s20+$0x10];
	[tilespmem:s22+$0x3870 ss:$0x81] =	vst.msk $0xffff, v0;
	s27 =	sshll.u32 s9, $0xA;
	p2 =	sgt.s32 s31, $0x7F;
	s28 =	sadd.s32 $0xFFFFF87D, s25  }
0x19: {  	v62 =	vld [tilespmem:s20+$0x20];
	[tilespmem:s22+$0x810 ss:$0x81] =	vst.msk $0xffff, v5;
	s24 =	simm.s32 @p1 $0x0;
	s31 =	sand.u32 $0x200, s30;
	s25 =	ssub.s32 $0x803, s25  }
0x1a: {  	v63 =	vld [tilespmem:s20+$0xFFFFFFC0];
	[tilespmem:s22+$0x1020 ss:$0x81] =	vst.msk $0xffff, v58;
	s26 =	simm.s32 @p2 $0x0;
	p1 =	sgt.s32 s28, $0x7F;
	s20 =	sor.u32 s31, s23  }
0x1b: {  	[tilespmem:s22+$0x1830 ss:$0x81] =	vst.msk $0xffff, v59;
	s28 =	sand.u32 $0x7, s10;
	s24 =	smul.u32 s24, s26;
	s26 =	sand.u32 $0x180, s30  }
0x1c: {  	[tilespmem:s22+$0x2040 ss:$0x81] =	vst.msk $0xffff, v60;
	s25 =	simm.s32 @p1 $0x0;
	s20 =	sshrl.u32 s20, $0x3;
	s21 =	sor.u32 s29, s26  }
0x1d: {  	[tilespmem:s22+$0x2850 ss:$0x81] =	vst.msk $0xffff, v61;
	s26 =	smul.u32 s25, s24;
	s21 =	sshrl.u32 s21, $0x3;
	s24 =	sadd.s32 s2, s27  }
0x1e: {  	[tilespmem:s22+$0x3060 ss:$0x81] =	vst.msk $0xffff, v62;
	s20 =	sand.u32 $0x3C0, s20;
	s29 =	sshll.u32 s28, $0x12;
	s21 =	sadd.s32 s21, s24  }
0x1f: {  	[tilespmem:s22+$0x0 ss:$0x81] =	vst.msk $0xffff, v63;
	s31 =	sor.u32 $0x80, s29;
	s30 =	sand.u32 $0x3FFFFFFF, s26;
	s20 =	sadd.s32 s20, s21  }
0x20: {  	[hbm4b:s20+s31] =	stream.strided.scatter [tilespmem:s19], [sflag:$0x2], s30, s8, s31, $0x20;
	[tilespmem:$0x10100] =	vst v63  }
.LBB1_5:
0x21: {  	p1 =	slt.u32 s15, $0x2;
	s20 =	smov.u32 s18  }
0x22: {  	p2 =	sgt.s32 @!p1 s17, $0x783;
	s19 =	sshra.s32 @!p1 s17, $0x1F;
	p3 =	sgt.s32 @!p1 s18, $0xF  }
0x23: {  	s21 =	sshra.s32 @!p1 s18, $0x1F;
	p2 =	por !p2, p1;
	s19 =	sand.u32 @!p1 s19, s17  }
0x24: {  	p3 =	por !p3, p1;
	s18 =	sand.u32 @!p1 s21, s18;
	s21 =	sshra.s32 @!p1 s16, $0x1F  }
0x25: {  	s20 =	simm.s32 @p3 $0xF;
	p3 =	sgt.s32 @!p1 s16, $0x180;
	s17 =	simm.s32 @p2 $0x783  }
0x26: {  	s18 =	ssub.s32 @!p1 s20, s18;
	p3 =	por !p3, p1;
	s20 =	smov.u32 s16  }
0x27: {  	s16 =	sand.u32 @!p1 s21, s16;
	s17 =	ssub.s32 @!p1 s17, s19;
	s20 =	simm.s32 @p3 $0x180  }
0x28: {  	s19 =	sadd.s32 @!p1 $0xFFFFFFF1, s18;
	s18 =	ssub.s32 @!p1 $0x10, s18;
	s16 =	ssub.s32 @!p1 s20, s16  }
0x29: {  	s20 =	sadd.s32 @!p1 $0xFFFFF87D, s17;
	p2 =	sgt.s32 @!p1 s19, $0x0;
	s19 =	sadd.s32 @!p1 $0xFFFFFE80, s16  }
0x2a: {  	s17 =	ssub.s32 @!p1 $0x803, s17;
	p2 =	por !p2, p1;
	p3 =	sgt.s32 @!p1 s19, $0x7F  }
0x2b: {  	s16 =	ssub.s32 @!p1 $0x200, s16;
	s18 =	simm.s32 @!p2 $0x0;
	p2 =	por !p3, p1  }
0x2c: {  	s19 =	sadd.s32 $0x80, s12;
	p3 =	sgt.s32 @!p1 s20, $0x7F;
	s16 =	simm.s32 @!p2 $0x0  }
0x2d: {  	s20 =	smov.u32 s13;
	p2 =	por !p3, p1;
	s16 =	smul.u32 @!p1 s18, s16  }
0x2e: {  	s17 =	simm.s32 @!p2 $0x0;
	p2 =	sgt.s32 s19, $0x802;
	s18 =	sadd.s32 $0x100, s13  }
0x2f: {  	s21 =	smov.u32 s14;
	s20 =	smov.u32 @p2 s18  }
0x30: {  	s16 =	smul.u32 @!p1 s17, s16;
	p3 =	sgt.s32 s20, $0x1FF;
	s17 =	sadd.s32 $0x10, s14  }
0x31: {  	p0 =	por !p0, !p0;
	s22 =	simm.s32 @!p1 $0x2;
	s21 =	smov.u32 @p3 s17  }
0x32: {  	s19 =	simm.s32 @p2 $0x0;
	s18 =	smov.u32 s11;
	p2 =	sgt.s32 s21, $0xF  }
0x33: {  	s11 =	smov.u32 s14;
	s21 =	smov.u32 @p2 s3;
	p2 =	sne.s32 s15, s7  }
.Ltmp1:
0x34: {  	s20 =	smov.u32 @p3 s1;
	s17 =	smov.u32 s9;
	(pc) =	sbr.rel @!p2 .LBB1_6-.Ltmp1, $4  }
0x35: {  	s9 =	smov.u32 s12;
	s12 =	smov.u32 s19;
	s16 =	sand.u32 @!p1 $0x3FFFFFFF, s16  }
0x36: {  	_ =	swait.ge @!p1 [sflag:s22], s16;
	s23 =	ssub.s32 @!p1 $0x0, s16;
	s16 =	smov.u32 s10  }
0x37: {  	s15 =	sadd.s32 $0x1, s15;
	s10 =	smov.u32 s13;
	[sflag:s22] =	ssyncset.done @!p1 $0x0  }
0x38: {  	s13 =	smov.u32 s20;
	s14 =	smov.u32 s21;
	[sflag:s22] =	ssyncadd.s32 @!p1 s23  }
.LBB1_1:
0x39: {  	p1 =	sge.u32 s15, s5  }
0x3a: {  	s19 =	sshrl.u32 @!p1 s13, $0x3  }
0x3b: {  	s20 =	sshll.u32 @!p1 s12, $0x3;
	s19 =	smul.u32 @!p1 $0x4400, s19  }
0x3c: {  	s21 =	sshll.u32 @!p1 s13, $0x7;
	s20 =	sand.u32 @!p1 $0xFFFFFC00, s20  }
0x3d: {  	s19 =	sadd.s32 @!p1 s19, s20;
	s20 =	sand.u32 @!p1 $0x380, s21  }
0x3e: {  	s21 =	sand.u32 @!p1 $0x7F, s12;
	s19 =	sor.u32 @!p1 s20, s19  }
0x3f: {  	s20 =	sor.u32 @!p1 s21, s19  }
0x40: {  	s21 =	smulhi.u32 @!p1 $0xF0F0F0F1, s20  }
0x41: {  	s19 =	smulhi.u32 @!p1 $0xF0F0F0F1, s19  }
0x42: {  	s21 =	sshrl.u32 @!p1 s21, $0xB  }
0x43: {  	s31 =	sadd.s32 $0xFFFFFFFF, s15;
	s19 =	sshrl.u32 @!p1 s19, $0xB;
	s21 =	smul.u32 @!p1 $0x880, s21  }
0x44: {  	s22 =	sxor.u32 @!p1 $0xFFFFFFFF, s15;
	s23 =	smul.u32 @!p1 $0x22000, s14;
	s19 =	sand.u32 @!p1 $0x1FF, s19  }
0x45: {  	s22 =	sshll.u32 @!p1 s22, $0xE;
	s19 =	smul.u32 @!p1 $0x110, s19;
	s20 =	ssub.s32 @!p1 s20, s21  }
0x46: {  	s21 =	sand.u32 @!p1 $0x4000, s22;
	s22 =	sadd.s32 @!p1 s6, s23;
	s23 =	sand.u32 @!p1 $0x7, s20  }
0x47: {  	s20 =	sshrl.u32 @!p1 s20, $0x3;
	s19 =	sadd.s32 @!p1 s19, s22;
	s22 =	sshll.u32 @!p1 s23, $0x12  }
0x48: {  	s19 =	sadd.s32 @!p1 s20, s19;
	s20 =	sor.u32 @!p1 $0x400, s22;
	s22 =	simm.s32 @!p1 $0x4400  }
0x49: {  	[tilespmem:s21], [sflag:$0x1] =	stream.strided.gather @!p1 [hbm4b:s19+s20], $0x4000, s22, s20, $0x38;
	[tilespmem:$0x10100] =	vst v63  }
0x4a: {  	p1 =	sge.u32 s31, s5  }
.Ltmp2:
0x4b: {  	_ = 	snop;
	(pc) =	sbr.rel @p1 .LBB1_5-.Ltmp2, $1  }
0x4c: {  	_ =	sdelay $0x3  }
0x4d: {  	s19 =	simm.s32 $0x1  }
0x4e: {  	_ =	swait.ge [sflag:s4], $0x4000;
	s19 =	simm.s32 @!p0 $0x0  }
0x4f: {  	[sflag:s4] =	ssyncset.done $0x0;
	s20 =	sshll.u32 s19, $0xE  }
0x50: {  	[sflag:s4] =	ssyncadd.s32 $0xFFFFC000;
	s20 =	sor.u32 $0x40, s20  }
0x51: {  	s19 =	smul.u32 $0x10200, s19;
	v0 =	vld [tilespmem:s20+$0x30]  }
0x52: {  	v1 =	vld [tilespmem:s20+$0xFFFFFFD0]  }
0x53: {  	s19 =	sshrl.u32 s19, $0x2;
	v5 =	vld [tilespmem:s20+$0xFFFFFFE0]  }
0x54: {  	v6 =	vld [tilespmem:s20+$0xFFFFFFF0];
	s22 =	sor.u32 $0x8000, s19  }
0x55: {  	s31 =	sand.u32 $0x1, s15;
	v4 =	vld [tilespmem:s20+$0x0];
	s21 =	sadd.s32 $0x0, s22  }
0x56: {  	v3 =	vld [tilespmem:s20+$0x10];
	s19 =	smul.u32 $0x10200, s31;
	[tilespmem:s21+$0x3870 ss:$0x81] =	vst.msk $0xffff, v0  }
0x57: {  	v2 =	vld [tilespmem:s20+$0x20];
	[tilespmem:s21+$0x810 ss:$0x81] =	vst.msk $0xffff, v1  }
0x58: {  	s19 =	sshrl.u32 s19, $0x2;
	v1 =	vld [tilespmem:s20+$0xFFFFFFC0];
	[tilespmem:s21+$0x1020 ss:$0x81] =	vst.msk $0xffff, v5;
	s20 =	sadd.s32 $0x80, s20  }
0x59: {  	s23 =	simm.s32 $0x4;
	s24 =	simm.s32 $0x8;
	s19 =	sor.u32 $0x8000, s19;
	[tilespmem:s21+$0x1830 ss:$0x81] =	vst.msk $0xffff, v6;
	v0 =	vld [tilespmem:s20+$0x30]  }
.LBB1_3:
0x5a: {  	p1 =	sne.s32 s24, $0x1FC;
	v5 =	vld [tilespmem:s20+$0xFFFFFFD0];
	[tilespmem:s21+$0x2040 ss:$0x81] =	vst.msk $0xffff, v4  }
0x5b: {  	v6 =	vld [tilespmem:s20+$0xFFFFFFE0];
	[tilespmem:s21+$0x2850 ss:$0x81] =	vst.msk $0xffff, v3  }
0x5c: {  	s25 =	sshra.s32 s23, $0x2;
	s23 =	smov.u32 s24;
	v7 =	vld [tilespmem:s20+$0xFFFFFFF0];
	[tilespmem:s21+$0x3060 ss:$0x81] =	vst.msk $0xffff, v2  }
.Ltmp3:
0x5d: {  	v4 =	vld [tilespmem:s20+$0x0];
	[tilespmem:s21+$0x0 ss:$0x81] =	vst.msk $0xffff, v1;
	s21 =	sadd.s32 s25, s22;
	(pc) =	sbr.rel @p1 .LBB1_3-.Ltmp3, $4  }
0x5e: {  	v3 =	vld [tilespmem:s20+$0x10];
	[tilespmem:s21+$0x3870 ss:$0x81] =	vst.msk $0xffff, v0  }
0x5f: {  	[tilespmem:s21+$0x810 ss:$0x81] =	vst.msk $0xffff, v5;
	v2 =	vld [tilespmem:s20+$0x20]  }
0x60: {  	v1 =	vld [tilespmem:s20+$0xFFFFFFC0];
	[tilespmem:s21+$0x1020 ss:$0x81] =	vst.msk $0xffff, v6;
	s20 =	sadd.s32 $0x80, s20  }
0x61: {  	s24 =	sadd.s32 $0x4, s24;
	v0 =	vld [tilespmem:s20+$0x30];
	[tilespmem:s21+$0x1830 ss:$0x81] =	vst.msk $0xffff, v7  }
.Ltmp4:
0x62: {  	_ = 	snop;
	(pc) =	sbr.rel .LBB1_4-.Ltmp4, $1  }
0x63: {  	_ =	sdelay $0x3  }
.LBB1_6:
0x64: {  	_ =	sfence.sel $0x180000  }
0x65: {  	s1 =	simm.s32 $0x1;
	[bflag:$0x0] =	sbarrier.arrive $0xFFFF  }
0x66: {  	s31 =	simm.s32 $0x2;
	[sflag:s1] =	ssyncpa.u1 $0x1  }
0x67: {  	[sflag:s31] =	ssyncpa.u1 $0x1  }
0x68: {  	p0 =	sne.s32 s3, $0x0;
	_ =	strace $0x9000004A  }
0x69: {  	s0 =	sadd.s32 @!p0 $0x100000, s0;
	[bflag:$0x2] =	sbarrier.arrive $0xFFFF  }
0x6a: {  	[sflag:s0] =	ssyncadd.tile.s32 @!p0 $0x1;
	_ =	shalt  }
.Lfunc_end1:
_tile_overlayer_lowered:
.L_overlay_start_2:
0x6b: {  	(tag) =	ssettag $0x2  }
0x6c: {  	s0 =	rddreg [dreg:$0x0];
	s2 =	stileid.u32  }
0x6d: {  	s1 =	rddreg [dreg:$0x1];
	p0 =	sne.s32 s2, $0x0  }
0x6e: {  	s3 =	rddreg [dreg:$0x2];
	[bflag:$0x3] =	sbarrier.arrive $0xFFFF;
	s2 =	simm.s32 @!p0 $0x1C01  }
0x6f: {  	[timem:s3], [sflag:s2] =	dma.local @!p0 [hbm:s0], s1  }
0x70: {  	s0 =	simm.s32 @!p0 $0x1  }
0x71: {  	_ =	swait.ge @!p0 [sflag:s0], s1  }
0x72: {  	s1 =	ssub.s32 @!p0 $0x0, s1;
	[sflag:s0] =	ssyncset.done @!p0 $0x0  }
0x73: {  	[sflag:s0] =	ssyncadd.s32 @!p0 s1  }
0x74: {  	[bflag:$0x3] =	sbarrier.arrive $0xFFFF  }
0x75: {  	_ =	shalt  }

</sc_bundles>
